<compile_context>
chip_gen: v7x
topology: tpu7x:2x2x1
jax: 0.10.2.dev20260603
libtpu: 0.0.44.dev20260713+nightly
codegen_flags: <defaults>
</compile_context>

<pallas_src>
import functools

import jax
import jax.numpy as jnp
from jax import lax
from jax.experimental import pallas as pl
from jax.experimental.pallas import tpu as pltpu
from jax.experimental.pallas import tpu_sc as plsc

N_NODES = 10000
N_PAD = 10240
D = 128
N_EDGES = 320000
NC, NS = 2, 16
NW = NC * NS
EPW = N_EDGES // NW
STEP = 128
NSTEP = 80
NH = 2
HS = NSTEP // NH
EPW_PAD = NSTEP * STEP
ROWS_PER_TILE = N_PAD // NS

_mesh = plsc.VectorSubcoreMesh(core_axis_name="c", subcore_axis_name="s")






def _acc_body(table_hbm, src_hbm, dst_hbm, out_hbm,
              src_v, dst_v, rows0_v, rows1_v, acc_sh, sem0, sem1):
    c = lax.axis_index("c")
    s = lax.axis_index("s")
    wid = c * NS + s

    def zrow(i, _):
        for k in range(D // 16):
            rows0_v[i, pl.ds(16 * k, 16)] = jnp.zeros((16,), jnp.float32)
        return 0
    lax.fori_loop(0, STEP, zrow, 0)
    for b in range(ROWS_PER_TILE // STEP):
        pltpu.sync_copy(rows0_v,
                        acc_sh.at[pl.ds(s * ROWS_PER_TILE + b * STEP, STEP)])
    plsc.subcore_barrier()

    def gat(j, buf, sm):
        return pltpu.async_copy(table_hbm.at[src_v.at[j]], buf, sm)

    def sca(j, buf):
        pltpu.sync_copy(buf, acc_sh.at[dst_v.at[j]], add=True)

    for h in range(NH):
        pltpu.sync_copy(src_hbm.at[wid, h], src_v)
        pltpu.sync_copy(dst_hbm.at[wid, h], dst_v)
        gat(0, rows0_v, sem0)

        def pair(p, _):
            gat(2 * p + 1, rows1_v, sem1)
            pltpu.make_async_copy(table_hbm.at[src_v.at[2 * p]],
                                  rows0_v, sem0).wait()
            sca(2 * p, rows0_v)
            gat(2 * p + 2, rows0_v, sem0)
            pltpu.make_async_copy(table_hbm.at[src_v.at[2 * p + 1]],
                                  rows1_v, sem1).wait()
            sca(2 * p + 1, rows1_v)
            return 0
        lax.fori_loop(0, HS // 2 - 1, pair, 0)
        gat(HS - 1, rows1_v, sem1)
        pltpu.make_async_copy(table_hbm.at[src_v.at[HS - 2]],
                              rows0_v, sem0).wait()
        sca(HS - 2, rows0_v)
        pltpu.make_async_copy(table_hbm.at[src_v.at[HS - 1]],
                              rows1_v, sem1).wait()
        sca(HS - 1, rows1_v)

    plsc.subcore_barrier()
    pltpu.sync_copy(acc_sh.at[pl.ds(s * ROWS_PER_TILE, ROWS_PER_TILE)],
                    out_hbm.at[c, pl.ds(s * ROWS_PER_TILE, ROWS_PER_TILE)])


_acc_kernel = functools.partial(
    pl.kernel,
    out_type=jax.ShapeDtypeStruct((NC, N_PAD, D), jnp.float32),
    mesh=_mesh,
    scratch_types=[
        pltpu.VMEM((HS, STEP), jnp.int32),
        pltpu.VMEM((HS, STEP), jnp.int32),
        pltpu.VMEM((STEP, D), jnp.float32),
        pltpu.VMEM((STEP, D), jnp.float32),
        pltpu.VMEM_SHARED((N_PAD, D), jnp.float32),
        pltpu.SemaphoreType.DMA,
        pltpu.SemaphoreType.DMA,
    ],
)(_acc_body)



_BLK = 1024
_GRID = N_PAD // _BLK


def _tcmm_body(x_ref, w_ref, h_ref):
    h_ref[...] = jnp.dot(x_ref[...], w_ref[...],
                         preferred_element_type=jnp.float32)


def _tcmm(x_pad, W1):
    return pl.pallas_call(
        _tcmm_body,
        grid=(_GRID,),
        in_specs=[
            pl.BlockSpec((_BLK, D), lambda i: (i, 0)),
            pl.BlockSpec((D, D), lambda i: (0, 0)),
        ],
        out_specs=pl.BlockSpec((_BLK, D), lambda i: (i, 0)),
        out_shape=jax.ShapeDtypeStruct((N_PAD, D), jnp.float32),
    )(x_pad, W1)


def _tc1_body(p_ref, h_ref, dinv_ref, h1s_ref):
    deg = p_ref[0, :, 0:1] + p_ref[1, :, 0:1] + 1.0
    dinv = lax.rsqrt(deg)
    dinv_ref[...] = dinv
    h1s_ref[...] = dinv * h_ref[...]


def _tc1(deg_part, h1):
    return pl.pallas_call(
        _tc1_body,
        grid=(_GRID,),
        in_specs=[
            pl.BlockSpec((NC, _BLK, D), lambda i: (0, i, 0)),
            pl.BlockSpec((_BLK, D), lambda i: (i, 0)),
        ],
        out_specs=[
            pl.BlockSpec((_BLK, 1), lambda i: (i, 0)),
            pl.BlockSpec((_BLK, D), lambda i: (i, 0)),
        ],
        out_shape=[
            jax.ShapeDtypeStruct((N_PAD, 1), jnp.float32),
            jax.ShapeDtypeStruct((N_PAD, D), jnp.float32),
        ],
    )(deg_part, h1)


def _tc2_body(p_ref, h1s_ref, dinv_ref, b_ref, w_ref, h2s_ref):
    acc = p_ref[0] + p_ref[1]
    dinv = dinv_ref[...]
    out1 = dinv * (acc + h1s_ref[...]) + b_ref[...]
    h2s_ref[...] = dinv * jnp.dot(out1, w_ref[...], preferred_element_type=jnp.float32)


def _tc2(p, h1s, dinv, b1, W2):
    return pl.pallas_call(
        _tc2_body,
        grid=(_GRID,),
        in_specs=[
            pl.BlockSpec((NC, _BLK, D), lambda i: (0, i, 0)),
            pl.BlockSpec((_BLK, D), lambda i: (i, 0)),
            pl.BlockSpec((_BLK, 1), lambda i: (i, 0)),
            pl.BlockSpec((D,), lambda i: (0,)),
            pl.BlockSpec((D, D), lambda i: (0, 0)),
        ],
        out_specs=pl.BlockSpec((_BLK, D), lambda i: (i, 0)),
        out_shape=jax.ShapeDtypeStruct((N_PAD, D), jnp.float32),
    )(p, h1s, dinv, b1, W2)


def _tc3_body(q_ref, h2s_ref, dinv_ref, b_ref, out_ref):
    acc = q_ref[0] + q_ref[1]
    out_ref[...] = dinv_ref[...] * (acc + h2s_ref[...]) + b_ref[...]


def _tc3(q, h2s, dinv, b2):
    return pl.pallas_call(
        _tc3_body,
        grid=(_GRID,),
        in_specs=[
            pl.BlockSpec((NC, _BLK, D), lambda i: (0, i, 0)),
            pl.BlockSpec((_BLK, D), lambda i: (i, 0)),
            pl.BlockSpec((_BLK, 1), lambda i: (i, 0)),
            pl.BlockSpec((D,), lambda i: (0,)),
        ],
        out_specs=pl.BlockSpec((_BLK, D), lambda i: (i, 0)),
        out_shape=jax.ShapeDtypeStruct((N_PAD, D), jnp.float32),
    )(q, h2s, dinv, b2)



def kernel(x, edge_index, W1, b1, W2, b2):
    src = edge_index[0].astype(jnp.int32)
    dst = edge_index[1].astype(jnp.int32)
    npad = NW * EPW_PAD - N_EDGES
    pad_ids = jnp.arange(npad, dtype=jnp.int32)
    src_p = jnp.concatenate([src, pad_ids % N_NODES]).reshape(NW, NH, HS, STEP)
    dst_p = jnp.concatenate([dst, N_NODES + pad_ids % (N_PAD - N_NODES)]
                            ).reshape(NW, NH, HS, STEP)
    x_pad = jnp.pad(x, ((0, N_PAD - N_NODES), (0, 0)))

    h1 = _tcmm(x_pad, W1)
    ones_tab = jnp.ones((N_PAD, D), jnp.float32)
    deg_part = _acc_kernel(ones_tab, src_p, dst_p)
    dinv, h1s = _tc1(deg_part, h1)
    p1 = _acc_kernel(h1s, src_p, dst_p)
    h2s = _tc2(p1, h1s, dinv, b1, W2)
    p2 = _acc_kernel(h2s, src_p, dst_p)
    out = _tc3(p2, h2s, dinv, b2)
    return out[:N_NODES]

# --- scband reference (transcript-rebuilt; emitter-appended) ---
"""Pipeline reference for scband-message-passing-block-77403900609102 (READ-ONLY COPY).

The authoritative reference and input builder live on the scoring server;
editing this copy changes nothing except your own understanding.
"""

import jax, jax.numpy as jnp
import numpy as np

N_NODES = 10000
N_EDGES = 320000
D = 128


def gcn_conv(x, src, dst, W, b, num_nodes):
    # GCNConv (PyG default): add self-loops, symmetric normalization
    # x' = D^{-1/2} (A + I) D^{-1/2} X W + b
    h = x @ W
    deg = jnp.zeros((num_nodes,), dtype=h.dtype).at[dst].add(1.0)
    deg_inv_sqrt = jnp.where(deg > 0, 1.0 / jnp.sqrt(deg), 0.0)
    norm = deg_inv_sqrt[src] * deg_inv_sqrt[dst]
    msg = h[src] * norm[:, None]
    out = jnp.zeros_like(h).at[dst].add(msg)
    return out + b


def setup_inputs(seed: int = 0) -> dict:
    key = jax.random.key(seed)
    k1, k2, k3, k4, k5, k6 = jax.random.split(key, 6)
    x = jax.random.normal(k1, (N_NODES, D), dtype=jnp.float32)
    edge_index = jax.random.randint(k2, (2, N_EDGES), 0, N_NODES, dtype=jnp.int64 if jax.config.jax_enable_x64 else jnp.int32)
    # Glorot-ish init for GCN weights
    scale = 1.0 / np.sqrt(D)
    W1 = jax.random.uniform(k3, (D, D), dtype=jnp.float32, minval=-scale, maxval=scale)
    b1 = jnp.zeros((D,), dtype=jnp.float32)
    W2 = jax.random.uniform(k4, (D, D), dtype=jnp.float32, minval=-scale, maxval=scale)
    b2 = jnp.zeros((D,), dtype=jnp.float32)
    return {"x": x, "edge_index": edge_index, "W1": W1, "b1": b1, "W2": W2, "b2": b2}


def reference(x, edge_index, W1, b1, W2, b2):
    num_nodes = x.shape[0]
    loop = jnp.arange(num_nodes, dtype=edge_index.dtype)
    src = jnp.concatenate([edge_index[0], loop])
    dst = jnp.concatenate([edge_index[1], loop])
    h = gcn_conv(x, src, dst, W1, b1, num_nodes)
    h = gcn_conv(h, src, dst, W2, b2, num_nodes)
    return h

if __name__ == "__main__":
    import jax
    _d = setup_inputs()
    print(jax.jit(kernel)(*tuple(_d.values())))

</pallas_src>

<mosaic_0001>
#map = affine_map<(d0, d1) -> (0, 0)>
#map1 = affine_map<(d0, d1) -> (0, 0, 0, 0)>
#map2 = affine_map<(d0, d1) -> (0, 0, 0)>
module attributes {stable_mosaic.version = 14 : i64} {
  func.func @_acc_body(%arg0: i32, %arg1: i32, %arg2: memref<10240x128xf32, #tpu.memory_space<hbm>>, %arg3: memref<32x2x40x128xi32, #tpu.memory_space<hbm>>, %arg4: memref<32x2x40x128xi32, #tpu.memory_space<hbm>>, %arg5: memref<2x10240x128xf32, #tpu.memory_space<hbm>>, %arg6: memref<40x128xi32, #tpu.memory_space<vmem>>, %arg7: memref<40x128xi32, #tpu.memory_space<vmem>>, %arg8: memref<128x128xf32, #tpu.memory_space<vmem>>, %arg9: memref<128x128xf32, #tpu.memory_space<vmem>>, %arg10: memref<10240x128xf32, #tpu.memory_space<vmem_shared>>, %arg11: memref<!tpu.dma_semaphore, #tpu.memory_space<semaphore_mem>>, %arg12: memref<!tpu.dma_semaphore, #tpu.memory_space<semaphore_mem>>) attributes {dimension_semantics = [#tpu.dimension_semantics<core_parallel>, #tpu.dimension_semantics<subcore_parallel>], iteration_bounds = array<i64: 2, 16>, scalar_prefetch = 0 : i64, scratch_operands = 7 : i64, tpu.core_type = #tpu.core_type<sc_vector_subcore>, window_params = [{transform_indices = #map}, {transform_indices = #map1}, {transform_indices = #map1}, {transform_indices = #map2}]} {
    %mul3A = arith.constant 16 : i32
    %mul3A_0 = arith.muli %arg0, %mul3A : i32
    %add3A = arith.addi %mul3A_0, %arg1 : i32
    %scan3A = arith.constant 0 : i32
    %scan3A_1 = arith.constant 0 : i32
    %scan3A_2 = arith.constant 128 : i32
    %scan3A_3 = arith.addi %scan3A_1, %scan3A_2 : i32
    %scan3A_4 = arith.constant 1 : i32
    %scan3A_5 = scf.for %scan3A_107 = %scan3A_1 to %scan3A_3 step %scan3A_4 iter_args(%scan3A_108 = %scan3A) -> (i32)  : i32 {
      %broadcast_in_dim3A = arith.constant 0.000000e+00 : f32
      %broadcast_in_dim3A_109 = vector.broadcast %broadcast_in_dim3A : f32 to vector<16xf32>
      %swap3A = arith.index_cast %scan3A_107 : i32 to index
      %swap3A_110 = arith.constant 0 : index
      %swap3A_111 = tpu.vector_load %arg8[%swap3A, %swap3A_110] {strides = array<i32>} : memref<128x128xf32, #tpu.memory_space<vmem>>, vector<1x16xf32>,
      %swap3A_112 = vector.shape_cast %swap3A_111 : vector<1x16xf32> to vector<16xf32>
      %swap3A_113 = vector.shape_cast %broadcast_in_dim3A_109 : vector<16xf32> to vector<1x16xf32>
      tpu.vector_store %arg8[%swap3A, %swap3A_110], %swap3A_113 {strides = array<i32>} : memref<128x128xf32, #tpu.memory_space<vmem>>, vector<1x16xf32>,
      %broadcast_in_dim3A_114 = arith.constant 0.000000e+00 : f32
      %broadcast_in_dim3A_115 = vector.broadcast %broadcast_in_dim3A_114 : f32 to vector<16xf32>
      %swap3A_116 = arith.index_cast %scan3A_107 : i32 to index
      %swap3A_117 = arith.constant 16 : index
      %swap3A_118 = tpu.vector_load %arg8[%swap3A_116, %swap3A_117] {strides = array<i32>} : memref<128x128xf32, #tpu.memory_space<vmem>>, vector<1x16xf32>,
      %swap3A_119 = vector.shape_cast %swap3A_118 : vector<1x16xf32> to vector<16xf32>
      %swap3A_120 = vector.shape_cast %broadcast_in_dim3A_115 : vector<16xf32> to vector<1x16xf32>
      tpu.vector_store %arg8[%swap3A_116, %swap3A_117], %swap3A_120 {strides = array<i32>} : memref<128x128xf32, #tpu.memory_space<vmem>>, vector<1x16xf32>,
      %broadcast_in_dim3A_121 = arith.constant 0.000000e+00 : f32
      %broadcast_in_dim3A_122 = vector.broadcast %broadcast_in_dim3A_121 : f32 to vector<16xf32>
      %swap3A_123 = arith.index_cast %scan3A_107 : i32 to index
      %swap3A_124 = arith.constant 32 : index
      %swap3A_125 = tpu.vector_load %arg8[%swap3A_123, %swap3A_124] {strides = array<i32>} : memref<128x128xf32, #tpu.memory_space<vmem>>, vector<1x16xf32>,
      %swap3A_126 = vector.shape_cast %swap3A_125 : vector<1x16xf32> to vector<16xf32>
      %swap3A_127 = vector.shape_cast %broadcast_in_dim3A_122 : vector<16xf32> to vector<1x16xf32>
      tpu.vector_store %arg8[%swap3A_123, %swap3A_124], %swap3A_127 {strides = array<i32>} : memref<128x128xf32, #tpu.memory_space<vmem>>, vector<1x16xf32>,
      %broadcast_in_dim3A_128 = arith.constant 0.000000e+00 : f32
      %broadcast_in_dim3A_129 = vector.broadcast %broadcast_in_dim3A_128 : f32 to vector<16xf32>
      %swap3A_130 = arith.index_cast %scan3A_107 : i32 to index
      %swap3A_131 = arith.constant 48 : index
      %swap3A_132 = tpu.vector_load %arg8[%swap3A_130, %swap3A_131] {strides = array<i32>} : memref<128x128xf32, #tpu.memory_space<vmem>>, vector<1x16xf32>,
      %swap3A_133 = vector.shape_cast %swap3A_132 : vector<1x16xf32> to vector<16xf32>
      %swap3A_134 = vector.shape_cast %broadcast_in_dim3A_129 : vector<16xf32> to vector<1x16xf32>
      tpu.vector_store %arg8[%swap3A_130, %swap3A_131], %swap3A_134 {strides = array<i32>} : memref<128x128xf32, #tpu.memory_space<vmem>>, vector<1x16xf32>,
      %broadcast_in_dim3A_135 = arith.constant 0.000000e+00 : f32
      %broadcast_in_dim3A_136 = vector.broadcast %broadcast_in_dim3A_135 : f32 to vector<16xf32>
      %swap3A_137 = arith.index_cast %scan3A_107 : i32 to index
      %swap3A_138 = arith.constant 64 : index
      %swap3A_139 = tpu.vector_load %arg8[%swap3A_137, %swap3A_138] {strides = array<i32>} : memref<128x128xf32, #tpu.memory_space<vmem>>, vector<1x16xf32>,
      %swap3A_140 = vector.shape_cast %swap3A_139 : vector<1x16xf32> to vector<16xf32>
      %swap3A_141 = vector.shape_cast %broadcast_in_dim3A_136 : vector<16xf32> to vector<1x16xf32>
      tpu.vector_store %arg8[%swap3A_137, %swap3A_138], %swap3A_141 {strides = array<i32>} : memref<128x128xf32, #tpu.memory_space<vmem>>, vector<1x16xf32>,
      %broadcast_in_dim3A_142 = arith.constant 0.000000e+00 : f32
      %broadcast_in_dim3A_143 = vector.broadcast %broadcast_in_dim3A_142 : f32 to vector<16xf32>
      %swap3A_144 = arith.index_cast %scan3A_107 : i32 to index
      %swap3A_145 = arith.constant 80 : index
      %swap3A_146 = tpu.vector_load %arg8[%swap3A_144, %swap3A_145] {strides = array<i32>} : memref<128x128xf32, #tpu.memory_space<vmem>>, vector<1x16xf32>,
      %swap3A_147 = vector.shape_cast %swap3A_146 : vector<1x16xf32> to vector<16xf32>
      %swap3A_148 = vector.shape_cast %broadcast_in_dim3A_143 : vector<16xf32> to vector<1x16xf32>
      tpu.vector_store %arg8[%swap3A_144, %swap3A_145], %swap3A_148 {strides = array<i32>} : memref<128x128xf32, #tpu.memory_space<vmem>>, vector<1x16xf32>,
      %broadcast_in_dim3A_149 = arith.constant 0.000000e+00 : f32
      %broadcast_in_dim3A_150 = vector.broadcast %broadcast_in_dim3A_149 : f32 to vector<16xf32>
      %swap3A_151 = arith.index_cast %scan3A_107 : i32 to index
      %swap3A_152 = arith.constant 96 : index
      %swap3A_153 = tpu.vector_load %arg8[%swap3A_151, %swap3A_152] {strides = array<i32>} : memref<128x128xf32, #tpu.memory_space<vmem>>, vector<1x16xf32>,
      %swap3A_154 = vector.shape_cast %swap3A_153 : vector<1x16xf32> to vector<16xf32>
      %swap3A_155 = vector.shape_cast %broadcast_in_dim3A_150 : vector<16xf32> to vector<1x16xf32>
      tpu.vector_store %arg8[%swap3A_151, %swap3A_152], %swap3A_155 {strides = array<i32>} : memref<128x128xf32, #tpu.memory_space<vmem>>, vector<1x16xf32>,
      %broadcast_in_dim3A_156 = arith.constant 0.000000e+00 : f32
      %broadcast_in_dim3A_157 = vector.broadcast %broadcast_in_dim3A_156 : f32 to vector<16xf32>
      %swap3A_158 = arith.index_cast %scan3A_107 : i32 to index
      %swap3A_159 = arith.constant 112 : index
      %swap3A_160 = tpu.vector_load %arg8[%swap3A_158, %swap3A_159] {strides = array<i32>} : memref<128x128xf32, #tpu.memory_space<vmem>>, vector<1x16xf32>,
      %swap3A_161 = vector.shape_cast %swap3A_160 : vector<1x16xf32> to vector<16xf32>
      %swap3A_162 = vector.shape_cast %broadcast_in_dim3A_157 : vector<16xf32> to vector<1x16xf32>
      tpu.vector_store %arg8[%swap3A_158, %swap3A_159], %swap3A_162 {strides = array<i32>} : memref<128x128xf32, #tpu.memory_space<vmem>>, vector<1x16xf32>,
      %scan3A_163 = arith.constant 0 : i32
      scf.yield %scan3A_163 : i32
    }
    %scan3A_6 = arith.constant 128 : i32
    %mul3A_7 = arith.constant 640 : i32
    %mul3A_8 = arith.muli %arg1, %mul3A_7 : i32
    %add3A_9 = arith.constant 0 : i32
    %add3A_10 = arith.addi %mul3A_8, %add3A_9 : i32
    "tpu.region"() ({
      %run_scoped3A_107 = tpu.sem_alloc : memref<!tpu.dma_semaphore, #tpu.memory_space<semaphore_mem>>
      %dma_start3A_108 = arith.constant 0 : i32
      %dma_start3A_109 = tpu.memref_slice %arg10[%add3A_10, %dma_start3A_108] : memref<10240x128xf32, #tpu.memory_space<vmem_shared>> -> memref<128x128xf32, #tpu.memory_space<vmem_shared>>
      %dma_start3A_110 = arith.constant 0 : i32
      %dma_start3A_111 = tpu.memref_slice %arg10[%add3A_10, %dma_start3A_110] : memref<10240x128xf32, #tpu.memory_space<vmem_shared>> -> memref<128x128xf32, #tpu.memory_space<vmem_shared>>
      tpu.enqueue_dma source(%arg8 : memref<128x128xf32, #tpu.memory_space<vmem>>) target(%dma_start3A_111 : memref<128x128xf32, #tpu.memory_space<vmem_shared>>) target_semaphore(%run_scoped3A_107 : memref<!tpu.dma_semaphore, #tpu.memory_space<semaphore_mem>>)
      %dma_wait3A_112 = arith.constant 0 : i32
      %dma_wait3A_113 = tpu.memref_slice %arg10[%add3A_10, %dma_wait3A_112] : memref<10240x128xf32, #tpu.memory_space<vmem_shared>> -> memref<128x128xf32, #tpu.memory_space<vmem_shared>>
      %dma_wait3A_114 = arith.constant 0 : i32
      %dma_wait3A_115 = tpu.memref_slice %arg10[%add3A_10, %dma_wait3A_114] : memref<10240x128xf32, #tpu.memory_space<vmem_shared>> -> memref<128x128xf32, #tpu.memory_space<vmem_shared>>
      tpu.wait_dma2 semaphore(%run_scoped3A_107 : memref<!tpu.dma_semaphore, #tpu.memory_space<semaphore_mem>>) src(%arg8 : memref<128x128xf32, #tpu.memory_space<vmem>>) dst(%dma_wait3A_115 : memref<128x128xf32, #tpu.memory_space<vmem_shared>>)
      tpu.yield
    }) : () -> ()
    %mul3A_11 = arith.constant 640 : i32
    %mul3A_12 = arith.muli %arg1, %mul3A_11 : i32
    %add3A_13 = arith.constant 128 : i32
    %add3A_14 = arith.addi %mul3A_12, %add3A_13 : i32
    "tpu.region"() ({
      %run_scoped3A_107 = tpu.sem_alloc : memref<!tpu.dma_semaphore, #tpu.memory_space<semaphore_mem>>
      %dma_start3A_108 = arith.constant 0 : i32
      %dma_start3A_109 = tpu.memref_slice %arg10[%add3A_14, %dma_start3A_108] : memref<10240x128xf32, #tpu.memory_space<vmem_shared>> -> memref<128x128xf32, #tpu.memory_space<vmem_shared>>
      %dma_start3A_110 = arith.constant 0 : i32
      %dma_start3A_111 = tpu.memref_slice %arg10[%add3A_14, %dma_start3A_110] : memref<10240x128xf32, #tpu.memory_space<vmem_shared>> -> memref<128x128xf32, #tpu.memory_space<vmem_shared>>
      tpu.enqueue_dma source(%arg8 : memref<128x128xf32, #tpu.memory_space<vmem>>) target(%dma_start3A_111 : memref<128x128xf32, #tpu.memory_space<vmem_shared>>) target_semaphore(%run_scoped3A_107 : memref<!tpu.dma_semaphore, #tpu.memory_space<semaphore_mem>>)
      %dma_wait3A_112 = arith.constant 0 : i32
      %dma_wait3A_113 = tpu.memref_slice %arg10[%add3A_14, %dma_wait3A_112] : memref<10240x128xf32, #tpu.memory_space<vmem_shared>> -> memref<128x128xf32, #tpu.memory_space<vmem_shared>>
      %dma_wait3A_114 = arith.constant 0 : i32
      %dma_wait3A_115 = tpu.memref_slice %arg10[%add3A_14, %dma_wait3A_114] : memref<10240x128xf32, #tpu.memory_space<vmem_shared>> -> memref<128x128xf32, #tpu.memory_space<vmem_shared>>
      tpu.wait_dma2 semaphore(%run_scoped3A_107 : memref<!tpu.dma_semaphore, #tpu.memory_space<semaphore_mem>>) src(%arg8 : memref<128x128xf32, #tpu.memory_space<vmem>>) dst(%dma_wait3A_115 : memref<128x128xf32, #tpu.memory_space<vmem_shared>>)
      tpu.yield
    }) : () -> ()
    %mul3A_15 = arith.constant 640 : i32
    %mul3A_16 = arith.muli %arg1, %mul3A_15 : i32
    %add3A_17 = arith.constant 256 : i32
    %add3A_18 = arith.addi %mul3A_16, %add3A_17 : i32
    "tpu.region"() ({
      %run_scoped3A_107 = tpu.sem_alloc : memref<!tpu.dma_semaphore, #tpu.memory_space<semaphore_mem>>
      %dma_start3A_108 = arith.constant 0 : i32
      %dma_start3A_109 = tpu.memref_slice %arg10[%add3A_18, %dma_start3A_108] : memref<10240x128xf32, #tpu.memory_space<vmem_shared>> -> memref<128x128xf32, #tpu.memory_space<vmem_shared>>
      %dma_start3A_110 = arith.constant 0 : i32
      %dma_start3A_111 = tpu.memref_slice %arg10[%add3A_18, %dma_start3A_110] : memref<10240x128xf32, #tpu.memory_space<vmem_shared>> -> memref<128x128xf32, #tpu.memory_space<vmem_shared>>
      tpu.enqueue_dma source(%arg8 : memref<128x128xf32, #tpu.memory_space<vmem>>) target(%dma_start3A_111 : memref<128x128xf32, #tpu.memory_space<vmem_shared>>) target_semaphore(%run_scoped3A_107 : memref<!tpu.dma_semaphore, #tpu.memory_space<semaphore_mem>>)
      %dma_wait3A_112 = arith.constant 0 : i32
      %dma_wait3A_113 = tpu.memref_slice %arg10[%add3A_18, %dma_wait3A_112] : memref<10240x128xf32, #tpu.memory_space<vmem_shared>> -> memref<128x128xf32, #tpu.memory_space<vmem_shared>>
      %dma_wait3A_114 = arith.constant 0 : i32
      %dma_wait3A_115 = tpu.memref_slice %arg10[%add3A_18, %dma_wait3A_114] : memref<10240x128xf32, #tpu.memory_space<vmem_shared>> -> memref<128x128xf32, #tpu.memory_space<vmem_shared>>
      tpu.wait_dma2 semaphore(%run_scoped3A_107 : memref<!tpu.dma_semaphore, #tpu.memory_space<semaphore_mem>>) src(%arg8 : memref<128x128xf32, #tpu.memory_space<vmem>>) dst(%dma_wait3A_115 : memref<128x128xf32, #tpu.memory_space<vmem_shared>>)
      tpu.yield
    }) : () -> ()
    %mul3A_19 = arith.constant 640 : i32
    %mul3A_20 = arith.muli %arg1, %mul3A_19 : i32
    %add3A_21 = arith.constant 384 : i32
    %add3A_22 = arith.addi %mul3A_20, %add3A_21 : i32
    "tpu.region"() ({
      %run_scoped3A_107 = tpu.sem_alloc : memref<!tpu.dma_semaphore, #tpu.memory_space<semaphore_mem>>
      %dma_start3A_108 = arith.constant 0 : i32
      %dma_start3A_109 = tpu.memref_slice %arg10[%add3A_22, %dma_start3A_108] : memref<10240x128xf32, #tpu.memory_space<vmem_shared>> -> memref<128x128xf32, #tpu.memory_space<vmem_shared>>
      %dma_start3A_110 = arith.constant 0 : i32
      %dma_start3A_111 = tpu.memref_slice %arg10[%add3A_22, %dma_start3A_110] : memref<10240x128xf32, #tpu.memory_space<vmem_shared>> -> memref<128x128xf32, #tpu.memory_space<vmem_shared>>
      tpu.enqueue_dma source(%arg8 : memref<128x128xf32, #tpu.memory_space<vmem>>) target(%dma_start3A_111 : memref<128x128xf32, #tpu.memory_space<vmem_shared>>) target_semaphore(%run_scoped3A_107 : memref<!tpu.dma_semaphore, #tpu.memory_space<semaphore_mem>>)
      %dma_wait3A_112 = arith.constant 0 : i32
      %dma_wait3A_113 = tpu.memref_slice %arg10[%add3A_22, %dma_wait3A_112] : memref<10240x128xf32, #tpu.memory_space<vmem_shared>> -> memref<128x128xf32, #tpu.memory_space<vmem_shared>>
      %dma_wait3A_114 = arith.constant 0 : i32
      %dma_wait3A_115 = tpu.memref_slice %arg10[%add3A_22, %dma_wait3A_114] : memref<10240x128xf32, #tpu.memory_space<vmem_shared>> -> memref<128x128xf32, #tpu.memory_space<vmem_shared>>
      tpu.wait_dma2 semaphore(%run_scoped3A_107 : memref<!tpu.dma_semaphore, #tpu.memory_space<semaphore_mem>>) src(%arg8 : memref<128x128xf32, #tpu.memory_space<vmem>>) dst(%dma_wait3A_115 : memref<128x128xf32, #tpu.memory_space<vmem_shared>>)
      tpu.yield
    }) : () -> ()
    %mul3A_23 = arith.constant 640 : i32
    %mul3A_24 = arith.muli %arg1, %mul3A_23 : i32
    %add3A_25 = arith.constant 512 : i32
    %add3A_26 = arith.addi %mul3A_24, %add3A_25 : i32
    "tpu.region"() ({
      %run_scoped3A_107 = tpu.sem_alloc : memref<!tpu.dma_semaphore, #tpu.memory_space<semaphore_mem>>
      %dma_start3A_108 = arith.constant 0 : i32
      %dma_start3A_109 = tpu.memref_slice %arg10[%add3A_26, %dma_start3A_108] : memref<10240x128xf32, #tpu.memory_space<vmem_shared>> -> memref<128x128xf32, #tpu.memory_space<vmem_shared>>
      %dma_start3A_110 = arith.constant 0 : i32
      %dma_start3A_111 = tpu.memref_slice %arg10[%add3A_26, %dma_start3A_110] : memref<10240x128xf32, #tpu.memory_space<vmem_shared>> -> memref<128x128xf32, #tpu.memory_space<vmem_shared>>
      tpu.enqueue_dma source(%arg8 : memref<128x128xf32, #tpu.memory_space<vmem>>) target(%dma_start3A_111 : memref<128x128xf32, #tpu.memory_space<vmem_shared>>) target_semaphore(%run_scoped3A_107 : memref<!tpu.dma_semaphore, #tpu.memory_space<semaphore_mem>>)
      %dma_wait3A_112 = arith.constant 0 : i32
      %dma_wait3A_113 = tpu.memref_slice %arg10[%add3A_26, %dma_wait3A_112] : memref<10240x128xf32, #tpu.memory_space<vmem_shared>> -> memref<128x128xf32, #tpu.memory_space<vmem_shared>>
      %dma_wait3A_114 = arith.constant 0 : i32
      %dma_wait3A_115 = tpu.memref_slice %arg10[%add3A_26, %dma_wait3A_114] : memref<10240x128xf32, #tpu.memory_space<vmem_shared>> -> memref<128x128xf32, #tpu.memory_space<vmem_shared>>
      tpu.wait_dma2 semaphore(%run_scoped3A_107 : memref<!tpu.dma_semaphore, #tpu.memory_space<semaphore_mem>>) src(%arg8 : memref<128x128xf32, #tpu.memory_space<vmem>>) dst(%dma_wait3A_115 : memref<128x128xf32, #tpu.memory_space<vmem_shared>>)
      tpu.yield
    }) : () -> ()
    %barrier3A = arith.constant 0 : index
    tpu.barrier barrier_id(%barrier3A)
    %run_scoped3A = arith.constant 0 : i32
    "tpu.region"() ({
      %run_scoped3A_107 = tpu.sem_alloc : memref<!tpu.dma_semaphore, #tpu.memory_space<semaphore_mem>>
      %dma_start3A_108 = arith.constant 0 : i32
      %dma_start3A_109 = arith.constant 0 : i32
      %dma_start3A_110 = tpu.memref_slice %arg3[%add3A, %run_scoped3A, %dma_start3A_108, %dma_start3A_109] : memref<32x2x40x128xi32, #tpu.memory_space<hbm>> -> memref<1x1x40x128xi32, #tpu.memory_space<hbm>>
      %dma_start3A_111 = tpu.memref_squeeze %dma_start3A_110 : memref<1x1x40x128xi32, #tpu.memory_space<hbm>> -> memref<40x128xi32, #tpu.memory_space<hbm>>
      %dma_start3A_112 = arith.constant 0 : i32
      %dma_start3A_113 = arith.constant 0 : i32
      %dma_start3A_114 = tpu.memref_slice %arg3[%add3A, %run_scoped3A, %dma_start3A_112, %dma_start3A_113] : memref<32x2x40x128xi32, #tpu.memory_space<hbm>> -> memref<1x1x40x128xi32, #tpu.memory_space<hbm>>
      %dma_start3A_115 = tpu.memref_squeeze %dma_start3A_114 : memref<1x1x40x128xi32, #tpu.memory_space<hbm>> -> memref<40x128xi32, #tpu.memory_space<hbm>>
      tpu.enqueue_dma source(%dma_start3A_115 : memref<40x128xi32, #tpu.memory_space<hbm>>) target(%arg6 : memref<40x128xi32, #tpu.memory_space<vmem>>) target_semaphore(%run_scoped3A_107 : memref<!tpu.dma_semaphore, #tpu.memory_space<semaphore_mem>>)
      %dma_wait3A_116 = arith.constant 0 : i32
      %dma_wait3A_117 = arith.constant 0 : i32
      %dma_wait3A_118 = tpu.memref_slice %arg3[%add3A, %run_scoped3A, %dma_wait3A_116, %dma_wait3A_117] : memref<32x2x40x128xi32, #tpu.memory_space<hbm>> -> memref<1x1x40x128xi32, #tpu.memory_space<hbm>>
      %dma_wait3A_119 = tpu.memref_squeeze %dma_wait3A_118 : memref<1x1x40x128xi32, #tpu.memory_space<hbm>> -> memref<40x128xi32, #tpu.memory_space<hbm>>
      %dma_wait3A_120 = arith.constant 0 : i32
      %dma_wait3A_121 = arith.constant 0 : i32
      %dma_wait3A_122 = tpu.memref_slice %arg3[%add3A, %run_scoped3A, %dma_wait3A_120, %dma_wait3A_121] : memref<32x2x40x128xi32, #tpu.memory_space<hbm>> -> memref<1x1x40x128xi32, #tpu.memory_space<hbm>>
      %dma_wait3A_123 = tpu.memref_squeeze %dma_wait3A_122 : memref<1x1x40x128xi32, #tpu.memory_space<hbm>> -> memref<40x128xi32, #tpu.memory_space<hbm>>
      tpu.wait_dma2 semaphore(%run_scoped3A_107 : memref<!tpu.dma_semaphore, #tpu.memory_space<semaphore_mem>>) src(%dma_wait3A_123 : memref<40x128xi32, #tpu.memory_space<hbm>>) dst(%arg6 : memref<40x128xi32, #tpu.memory_space<vmem>>)
      tpu.yield
    }) : () -> ()
    %run_scoped3A_27 = arith.constant 0 : i32
    "tpu.region"() ({
      %run_scoped3A_107 = tpu.sem_alloc : memref<!tpu.dma_semaphore, #tpu.memory_space<semaphore_mem>>
      %dma_start3A_108 = arith.constant 0 : i32
      %dma_start3A_109 = arith.constant 0 : i32
      %dma_start3A_110 = tpu.memref_slice %arg4[%add3A, %run_scoped3A_27, %dma_start3A_108, %dma_start3A_109] : memref<32x2x40x128xi32, #tpu.memory_space<hbm>> -> memref<1x1x40x128xi32, #tpu.memory_space<hbm>>
      %dma_start3A_111 = tpu.memref_squeeze %dma_start3A_110 : memref<1x1x40x128xi32, #tpu.memory_space<hbm>> -> memref<40x128xi32, #tpu.memory_space<hbm>>
      %dma_start3A_112 = arith.constant 0 : i32
      %dma_start3A_113 = arith.constant 0 : i32
      %dma_start3A_114 = tpu.memref_slice %arg4[%add3A, %run_scoped3A_27, %dma_start3A_112, %dma_start3A_113] : memref<32x2x40x128xi32, #tpu.memory_space<hbm>> -> memref<1x1x40x128xi32, #tpu.memory_space<hbm>>
      %dma_start3A_115 = tpu.memref_squeeze %dma_start3A_114 : memref<1x1x40x128xi32, #tpu.memory_space<hbm>> -> memref<40x128xi32, #tpu.memory_space<hbm>>
      tpu.enqueue_dma source(%dma_start3A_115 : memref<40x128xi32, #tpu.memory_space<hbm>>) target(%arg7 : memref<40x128xi32, #tpu.memory_space<vmem>>) target_semaphore(%run_scoped3A_107 : memref<!tpu.dma_semaphore, #tpu.memory_space<semaphore_mem>>)
      %dma_wait3A_116 = arith.constant 0 : i32
      %dma_wait3A_117 = arith.constant 0 : i32
      %dma_wait3A_118 = tpu.memref_slice %arg4[%add3A, %run_scoped3A_27, %dma_wait3A_116, %dma_wait3A_117] : memref<32x2x40x128xi32, #tpu.memory_space<hbm>> -> memref<1x1x40x128xi32, #tpu.memory_space<hbm>>
      %dma_wait3A_119 = tpu.memref_squeeze %dma_wait3A_118 : memref<1x1x40x128xi32, #tpu.memory_space<hbm>> -> memref<40x128xi32, #tpu.memory_space<hbm>>
      %dma_wait3A_120 = arith.constant 0 : i32
      %dma_wait3A_121 = arith.constant 0 : i32
      %dma_wait3A_122 = tpu.memref_slice %arg4[%add3A, %run_scoped3A_27, %dma_wait3A_120, %dma_wait3A_121] : memref<32x2x40x128xi32, #tpu.memory_space<hbm>> -> memref<1x1x40x128xi32, #tpu.memory_space<hbm>>
      %dma_wait3A_123 = tpu.memref_squeeze %dma_wait3A_122 : memref<1x1x40x128xi32, #tpu.memory_space<hbm>> -> memref<40x128xi32, #tpu.memory_space<hbm>>
      tpu.wait_dma2 semaphore(%run_scoped3A_107 : memref<!tpu.dma_semaphore, #tpu.memory_space<semaphore_mem>>) src(%dma_wait3A_123 : memref<40x128xi32, #tpu.memory_space<hbm>>) dst(%arg7 : memref<40x128xi32, #tpu.memory_space<vmem>>)
      tpu.yield
    }) : () -> ()
    %dma_start3A = arith.constant 0 : i32
    %dma_start3A_28 = arith.constant 0 : i32
    %dma_start3A_29 = tpu.memref_slice %arg6[%dma_start3A, %dma_start3A_28] : memref<40x128xi32, #tpu.memory_space<vmem>> -> memref<1x128xi32, #tpu.memory_space<vmem>>
    %dma_start3A_30 = tpu.memref_squeeze %dma_start3A_29 : memref<1x128xi32, #tpu.memory_space<vmem>> -> memref<128xi32, #tpu.memory_space<vmem>>
    %dma_start3A_31 = arith.constant 0 : i32
    %dma_start3A_32 = arith.constant 0 : i32
    %dma_start3A_33 = tpu.memref_slice %arg2[%dma_start3A_31, %dma_start3A_32] : memref<10240x128xf32, #tpu.memory_space<hbm>> -> memref<10240x128xf32, #tpu.memory_space<hbm>>
    tpu.enqueue_indirect_dma source(%dma_start3A_33 : memref<10240x128xf32, #tpu.memory_space<hbm>>) target(%arg8 : memref<128x128xf32, #tpu.memory_space<vmem>>) offsets(%dma_start3A_30 : memref<128xi32, #tpu.memory_space<vmem>>) semaphore(%arg11 : memref<!tpu.dma_semaphore, #tpu.memory_space<semaphore_mem>>)
    %scan3A_34 = arith.constant 0 : i32
    %scan3A_35 = arith.constant 0 : i32
    %scan3A_36 = arith.constant 19 : i32
    %scan3A_37 = arith.addi %scan3A_35, %scan3A_36 : i32
    %scan3A_38 = arith.constant 1 : i32
    %scan3A_39 = scf.for %scan3A_107 = %scan3A_35 to %scan3A_37 step %scan3A_38 iter_args(%scan3A_108 = %scan3A_34) -> (i32)  : i32 {
      %mul3A_109 = arith.constant 2 : i32
      %mul3A_110 = arith.muli %mul3A_109, %scan3A_107 : i32
      %add3A_111 = arith.constant 1 : i32
      %add3A_112 = arith.addi %mul3A_110, %add3A_111 : i32
      %dma_start3A_113 = arith.constant 0 : i32
      %dma_start3A_114 = tpu.memref_slice %arg6[%add3A_112, %dma_start3A_113] : memref<40x128xi32, #tpu.memory_space<vmem>> -> memref<1x128xi32, #tpu.memory_space<vmem>>
      %dma_start3A_115 = tpu.memref_squeeze %dma_start3A_114 : memref<1x128xi32, #tpu.memory_space<vmem>> -> memref<128xi32, #tpu.memory_space<vmem>>
      %dma_start3A_116 = arith.constant 0 : i32
      %dma_start3A_117 = arith.constant 0 : i32
      %dma_start3A_118 = tpu.memref_slice %arg2[%dma_start3A_116, %dma_start3A_117] : memref<10240x128xf32, #tpu.memory_space<hbm>> -> memref<10240x128xf32, #tpu.memory_space<hbm>>
      tpu.enqueue_indirect_dma source(%dma_start3A_118 : memref<10240x128xf32, #tpu.memory_space<hbm>>) target(%arg9 : memref<128x128xf32, #tpu.memory_space<vmem>>) offsets(%dma_start3A_115 : memref<128xi32, #tpu.memory_space<vmem>>) semaphore(%arg12 : memref<!tpu.dma_semaphore, #tpu.memory_space<semaphore_mem>>)
      %mul3A_119 = arith.constant 2 : i32
      %mul3A_120 = arith.muli %mul3A_119, %scan3A_107 : i32
      %dma_wait3A_121 = arith.constant 0 : i32
      %dma_wait3A_122 = tpu.memref_slice %arg6[%mul3A_120, %dma_wait3A_121] : memref<40x128xi32, #tpu.memory_space<vmem>> -> memref<1x128xi32, #tpu.memory_space<vmem>>
      %dma_wait3A_123 = tpu.memref_squeeze %dma_wait3A_122 : memref<1x128xi32, #tpu.memory_space<vmem>> -> memref<128xi32, #tpu.memory_space<vmem>>
      %dma_wait3A_124 = arith.constant 0 : i32
      %dma_wait3A_125 = arith.constant 0 : i32
      %dma_wait3A_126 = tpu.memref_slice %arg2[%dma_wait3A_124, %dma_wait3A_125] : memref<10240x128xf32, #tpu.memory_space<hbm>> -> memref<10240x128xf32, #tpu.memory_space<hbm>>
      tpu.wait_indirect_dma semaphore(%arg11 : memref<!tpu.dma_semaphore, #tpu.memory_space<semaphore_mem>>) src(%dma_wait3A_126 : memref<10240x128xf32, #tpu.memory_space<hbm>>) dst(%arg8 : memref<128x128xf32, #tpu.memory_space<vmem>>)
      %mul3A_127 = arith.constant 2 : i32
      %mul3A_128 = arith.muli %mul3A_127, %scan3A_107 : i32
      "tpu.region"() ({
        %run_scoped3A_154 = tpu.sem_alloc : memref<!tpu.dma_semaphore, #tpu.memory_space<semaphore_mem>>
        %dma_start3A_155 = arith.constant 0 : i32
        %dma_start3A_156 = tpu.memref_slice %arg7[%mul3A_128, %dma_start3A_155] : memref<40x128xi32, #tpu.memory_space<vmem>> -> memref<1x128xi32, #tpu.memory_space<vmem>>
        %dma_start3A_157 = tpu.memref_squeeze %dma_start3A_156 : memref<1x128xi32, #tpu.memory_space<vmem>> -> memref<128xi32, #tpu.memory_space<vmem>>
        %dma_start3A_158 = arith.constant 0 : i32
        %dma_start3A_159 = arith.constant 0 : i32
        %dma_start3A_160 = tpu.memref_slice %arg10[%dma_start3A_158, %dma_start3A_159] : memref<10240x128xf32, #tpu.memory_space<vmem_shared>> -> memref<10240x128xf32, #tpu.memory_space<vmem_shared>>
        tpu.enqueue_indirect_dma source(%arg8 : memref<128x128xf32, #tpu.memory_space<vmem>>) target(%dma_start3A_160 : memref<10240x128xf32, #tpu.memory_space<vmem_shared>>) offsets(%dma_start3A_157 : memref<128xi32, #tpu.memory_space<vmem>>) semaphore(%run_scoped3A_154 : memref<!tpu.dma_semaphore, #tpu.memory_space<semaphore_mem>>) {add = true}
        %dma_wait3A_161 = arith.constant 0 : i32
        %dma_wait3A_162 = tpu.memref_slice %arg7[%mul3A_128, %dma_wait3A_161] : memref<40x128xi32, #tpu.memory_space<vmem>> -> memref<1x128xi32, #tpu.memory_space<vmem>>
        %dma_wait3A_163 = tpu.memref_squeeze %dma_wait3A_162 : memref<1x128xi32, #tpu.memory_space<vmem>> -> memref<128xi32, #tpu.memory_space<vmem>>
        %dma_wait3A_164 = arith.constant 0 : i32
        %dma_wait3A_165 = arith.constant 0 : i32
        %dma_wait3A_166 = tpu.memref_slice %arg10[%dma_wait3A_164, %dma_wait3A_165] : memref<10240x128xf32, #tpu.memory_space<vmem_shared>> -> memref<10240x128xf32, #tpu.memory_space<vmem_shared>>
        tpu.wait_indirect_dma semaphore(%run_scoped3A_154 : memref<!tpu.dma_semaphore, #tpu.memory_space<semaphore_mem>>) src(%arg8 : memref<128x128xf32, #tpu.memory_space<vmem>>) dst(%dma_wait3A_166 : memref<10240x128xf32, #tpu.memory_space<vmem_shared>>)
        tpu.yield
      }) : () -> ()
      %mul3A_129 = arith.constant 2 : i32
      %mul3A_130 = arith.muli %mul3A_129, %scan3A_107 : i32
      %add3A_131 = arith.constant 2 : i32
      %add3A_132 = arith.addi %mul3A_130, %add3A_131 : i32
      %dma_start3A_133 = arith.constant 0 : i32
      %dma_start3A_134 = tpu.memref_slice %arg6[%add3A_132, %dma_start3A_133] : memref<40x128xi32, #tpu.memory_space<vmem>> -> memref<1x128xi32, #tpu.memory_space<vmem>>
      %dma_start3A_135 = tpu.memref_squeeze %dma_start3A_134 : memref<1x128xi32, #tpu.memory_space<vmem>> -> memref<128xi32, #tpu.memory_space<vmem>>
      %dma_start3A_136 = arith.constant 0 : i32
      %dma_start3A_137 = arith.constant 0 : i32
      %dma_start3A_138 = tpu.memref_slice %arg2[%dma_start3A_136, %dma_start3A_137] : memref<10240x128xf32, #tpu.memory_space<hbm>> -> memref<10240x128xf32, #tpu.memory_space<hbm>>
      tpu.enqueue_indirect_dma source(%dma_start3A_138 : memref<10240x128xf32, #tpu.memory_space<hbm>>) target(%arg8 : memref<128x128xf32, #tpu.memory_space<vmem>>) offsets(%dma_start3A_135 : memref<128xi32, #tpu.memory_space<vmem>>) semaphore(%arg11 : memref<!tpu.dma_semaphore, #tpu.memory_space<semaphore_mem>>)
      %mul3A_139 = arith.constant 2 : i32
      %mul3A_140 = arith.muli %mul3A_139, %scan3A_107 : i32
      %add3A_141 = arith.constant 1 : i32
      %add3A_142 = arith.addi %mul3A_140, %add3A_141 : i32
      %dma_wait3A_143 = arith.constant 0 : i32
      %dma_wait3A_144 = tpu.memref_slice %arg6[%add3A_142, %dma_wait3A_143] : memref<40x128xi32, #tpu.memory_space<vmem>> -> memref<1x128xi32, #tpu.memory_space<vmem>>
      %dma_wait3A_145 = tpu.memref_squeeze %dma_wait3A_144 : memref<1x128xi32, #tpu.memory_space<vmem>> -> memref<128xi32, #tpu.memory_space<vmem>>
      %dma_wait3A_146 = arith.constant 0 : i32
      %dma_wait3A_147 = arith.constant 0 : i32
      %dma_wait3A_148 = tpu.memref_slice %arg2[%dma_wait3A_146, %dma_wait3A_147] : memref<10240x128xf32, #tpu.memory_space<hbm>> -> memref<10240x128xf32, #tpu.memory_space<hbm>>
      tpu.wait_indirect_dma semaphore(%arg12 : memref<!tpu.dma_semaphore, #tpu.memory_space<semaphore_mem>>) src(%dma_wait3A_148 : memref<10240x128xf32, #tpu.memory_space<hbm>>) dst(%arg9 : memref<128x128xf32, #tpu.memory_space<vmem>>)
      %mul3A_149 = arith.constant 2 : i32
      %mul3A_150 = arith.muli %mul3A_149, %scan3A_107 : i32
      %add3A_151 = arith.constant 1 : i32
      %add3A_152 = arith.addi %mul3A_150, %add3A_151 : i32
      "tpu.region"() ({
        %run_scoped3A_154 = tpu.sem_alloc : memref<!tpu.dma_semaphore, #tpu.memory_space<semaphore_mem>>
        %dma_start3A_155 = arith.constant 0 : i32
        %dma_start3A_156 = tpu.memref_slice %arg7[%add3A_152, %dma_start3A_155] : memref<40x128xi32, #tpu.memory_space<vmem>> -> memref<1x128xi32, #tpu.memory_space<vmem>>
        %dma_start3A_157 = tpu.memref_squeeze %dma_start3A_156 : memref<1x128xi32, #tpu.memory_space<vmem>> -> memref<128xi32, #tpu.memory_space<vmem>>
        %dma_start3A_158 = arith.constant 0 : i32
        %dma_start3A_159 = arith.constant 0 : i32
        %dma_start3A_160 = tpu.memref_slice %arg10[%dma_start3A_158, %dma_start3A_159] : memref<10240x128xf32, #tpu.memory_space<vmem_shared>> -> memref<10240x128xf32, #tpu.memory_space<vmem_shared>>
        tpu.enqueue_indirect_dma source(%arg9 : memref<128x128xf32, #tpu.memory_space<vmem>>) target(%dma_start3A_160 : memref<10240x128xf32, #tpu.memory_space<vmem_shared>>) offsets(%dma_start3A_157 : memref<128xi32, #tpu.memory_space<vmem>>) semaphore(%run_scoped3A_154 : memref<!tpu.dma_semaphore, #tpu.memory_space<semaphore_mem>>) {add = true}
        %dma_wait3A_161 = arith.constant 0 : i32
        %dma_wait3A_162 = tpu.memref_slice %arg7[%add3A_152, %dma_wait3A_161] : memref<40x128xi32, #tpu.memory_space<vmem>> -> memref<1x128xi32, #tpu.memory_space<vmem>>
        %dma_wait3A_163 = tpu.memref_squeeze %dma_wait3A_162 : memref<1x128xi32, #tpu.memory_space<vmem>> -> memref<128xi32, #tpu.memory_space<vmem>>
        %dma_wait3A_164 = arith.constant 0 : i32
        %dma_wait3A_165 = arith.constant 0 : i32
        %dma_wait3A_166 = tpu.memref_slice %arg10[%dma_wait3A_164, %dma_wait3A_165] : memref<10240x128xf32, #tpu.memory_space<vmem_shared>> -> memref<10240x128xf32, #tpu.memory_space<vmem_shared>>
        tpu.wait_indirect_dma semaphore(%run_scoped3A_154 : memref<!tpu.dma_semaphore, #tpu.memory_space<semaphore_mem>>) src(%arg9 : memref<128x128xf32, #tpu.memory_space<vmem>>) dst(%dma_wait3A_166 : memref<10240x128xf32, #tpu.memory_space<vmem_shared>>)
        tpu.yield
      }) : () -> ()
      %scan3A_153 = arith.constant 0 : i32
      scf.yield %scan3A_153 : i32
    }
    %scan3A_40 = arith.constant 19 : i32
    %dma_start3A_41 = arith.constant 39 : i32
    %dma_start3A_42 = arith.constant 0 : i32
    %dma_start3A_43 = tpu.memref_slice %arg6[%dma_start3A_41, %dma_start3A_42] : memref<40x128xi32, #tpu.memory_space<vmem>> -> memref<1x128xi32, #tpu.memory_space<vmem>>
    %dma_start3A_44 = tpu.memref_squeeze %dma_start3A_43 : memref<1x128xi32, #tpu.memory_space<vmem>> -> memref<128xi32, #tpu.memory_space<vmem>>
    %dma_start3A_45 = arith.constant 0 : i32
    %dma_start3A_46 = arith.constant 0 : i32
    %dma_start3A_47 = tpu.memref_slice %arg2[%dma_start3A_45, %dma_start3A_46] : memref<10240x128xf32, #tpu.memory_space<hbm>> -> memref<10240x128xf32, #tpu.memory_space<hbm>>
    tpu.enqueue_indirect_dma source(%dma_start3A_47 : memref<10240x128xf32, #tpu.memory_space<hbm>>) target(%arg9 : memref<128x128xf32, #tpu.memory_space<vmem>>) offsets(%dma_start3A_44 : memref<128xi32, #tpu.memory_space<vmem>>) semaphore(%arg12 : memref<!tpu.dma_semaphore, #tpu.memory_space<semaphore_mem>>)
    %dma_wait3A = arith.constant 38 : i32
    %dma_wait3A_48 = arith.constant 0 : i32
    %dma_wait3A_49 = tpu.memref_slice %arg6[%dma_wait3A, %dma_wait3A_48] : memref<40x128xi32, #tpu.memory_space<vmem>> -> memref<1x128xi32, #tpu.memory_space<vmem>>
    %dma_wait3A_50 = tpu.memref_squeeze %dma_wait3A_49 : memref<1x128xi32, #tpu.memory_space<vmem>> -> memref<128xi32, #tpu.memory_space<vmem>>
    %dma_wait3A_51 = arith.constant 0 : i32
    %dma_wait3A_52 = arith.constant 0 : i32
    %dma_wait3A_53 = tpu.memref_slice %arg2[%dma_wait3A_51, %dma_wait3A_52] : memref<10240x128xf32, #tpu.memory_space<hbm>> -> memref<10240x128xf32, #tpu.memory_space<hbm>>
    tpu.wait_indirect_dma semaphore(%arg11 : memref<!tpu.dma_semaphore, #tpu.memory_space<semaphore_mem>>) src(%dma_wait3A_53 : memref<10240x128xf32, #tpu.memory_space<hbm>>) dst(%arg8 : memref<128x128xf32, #tpu.memory_space<vmem>>)
    %run_scoped3A_54 = arith.constant 38 : i32
    "tpu.region"() ({
      %run_scoped3A_107 = tpu.sem_alloc : memref<!tpu.dma_semaphore, #tpu.memory_space<semaphore_mem>>
      %dma_start3A_108 = arith.constant 0 : i32
      %dma_start3A_109 = tpu.memref_slice %arg7[%run_scoped3A_54, %dma_start3A_108] : memref<40x128xi32, #tpu.memory_space<vmem>> -> memref<1x128xi32, #tpu.memory_space<vmem>>
      %dma_start3A_110 = tpu.memref_squeeze %dma_start3A_109 : memref<1x128xi32, #tpu.memory_space<vmem>> -> memref<128xi32, #tpu.memory_space<vmem>>
      %dma_start3A_111 = arith.constant 0 : i32
      %dma_start3A_112 = arith.constant 0 : i32
      %dma_start3A_113 = tpu.memref_slice %arg10[%dma_start3A_111, %dma_start3A_112] : memref<10240x128xf32, #tpu.memory_space<vmem_shared>> -> memref<10240x128xf32, #tpu.memory_space<vmem_shared>>
      tpu.enqueue_indirect_dma source(%arg8 : memref<128x128xf32, #tpu.memory_space<vmem>>) target(%dma_start3A_113 : memref<10240x128xf32, #tpu.memory_space<vmem_shared>>) offsets(%dma_start3A_110 : memref<128xi32, #tpu.memory_space<vmem>>) semaphore(%run_scoped3A_107 : memref<!tpu.dma_semaphore, #tpu.memory_space<semaphore_mem>>) {add = true}
      %dma_wait3A_114 = arith.constant 0 : i32
      %dma_wait3A_115 = tpu.memref_slice %arg7[%run_scoped3A_54, %dma_wait3A_114] : memref<40x128xi32, #tpu.memory_space<vmem>> -> memref<1x128xi32, #tpu.memory_space<vmem>>
      %dma_wait3A_116 = tpu.memref_squeeze %dma_wait3A_115 : memref<1x128xi32, #tpu.memory_space<vmem>> -> memref<128xi32, #tpu.memory_space<vmem>>
      %dma_wait3A_117 = arith.constant 0 : i32
      %dma_wait3A_118 = arith.constant 0 : i32
      %dma_wait3A_119 = tpu.memref_slice %arg10[%dma_wait3A_117, %dma_wait3A_118] : memref<10240x128xf32, #tpu.memory_space<vmem_shared>> -> memref<10240x128xf32, #tpu.memory_space<vmem_shared>>
      tpu.wait_indirect_dma semaphore(%run_scoped3A_107 : memref<!tpu.dma_semaphore, #tpu.memory_space<semaphore_mem>>) src(%arg8 : memref<128x128xf32, #tpu.memory_space<vmem>>) dst(%dma_wait3A_119 : memref<10240x128xf32, #tpu.memory_space<vmem_shared>>)
      tpu.yield
    }) : () -> ()
    %dma_wait3A_55 = arith.constant 39 : i32
    %dma_wait3A_56 = arith.constant 0 : i32
    %dma_wait3A_57 = tpu.memref_slice %arg6[%dma_wait3A_55, %dma_wait3A_56] : memref<40x128xi32, #tpu.memory_space<vmem>> -> memref<1x128xi32, #tpu.memory_space<vmem>>
    %dma_wait3A_58 = tpu.memref_squeeze %dma_wait3A_57 : memref<1x128xi32, #tpu.memory_space<vmem>> -> memref<128xi32, #tpu.memory_space<vmem>>
    %dma_wait3A_59 = arith.constant 0 : i32
    %dma_wait3A_60 = arith.constant 0 : i32
    %dma_wait3A_61 = tpu.memref_slice %arg2[%dma_wait3A_59, %dma_wait3A_60] : memref<10240x128xf32, #tpu.memory_space<hbm>> -> memref<10240x128xf32, #tpu.memory_space<hbm>>
    tpu.wait_indirect_dma semaphore(%arg12 : memref<!tpu.dma_semaphore, #tpu.memory_space<semaphore_mem>>) src(%dma_wait3A_61 : memref<10240x128xf32, #tpu.memory_space<hbm>>) dst(%arg9 : memref<128x128xf32, #tpu.memory_space<vmem>>)
    %run_scoped3A_62 = arith.constant 39 : i32
    "tpu.region"() ({
      %run_scoped3A_107 = tpu.sem_alloc : memref<!tpu.dma_semaphore, #tpu.memory_space<semaphore_mem>>
      %dma_start3A_108 = arith.constant 0 : i32
      %dma_start3A_109 = tpu.memref_slice %arg7[%run_scoped3A_62, %dma_start3A_108] : memref<40x128xi32, #tpu.memory_space<vmem>> -> memref<1x128xi32, #tpu.memory_space<vmem>>
      %dma_start3A_110 = tpu.memref_squeeze %dma_start3A_109 : memref<1x128xi32, #tpu.memory_space<vmem>> -> memref<128xi32, #tpu.memory_space<vmem>>
      %dma_start3A_111 = arith.constant 0 : i32
      %dma_start3A_112 = arith.constant 0 : i32
      %dma_start3A_113 = tpu.memref_slice %arg10[%dma_start3A_111, %dma_start3A_112] : memref<10240x128xf32, #tpu.memory_space<vmem_shared>> -> memref<10240x128xf32, #tpu.memory_space<vmem_shared>>
      tpu.enqueue_indirect_dma source(%arg9 : memref<128x128xf32, #tpu.memory_space<vmem>>) target(%dma_start3A_113 : memref<10240x128xf32, #tpu.memory_space<vmem_shared>>) offsets(%dma_start3A_110 : memref<128xi32, #tpu.memory_space<vmem>>) semaphore(%run_scoped3A_107 : memref<!tpu.dma_semaphore, #tpu.memory_space<semaphore_mem>>) {add = true}
      %dma_wait3A_114 = arith.constant 0 : i32
      %dma_wait3A_115 = tpu.memref_slice %arg7[%run_scoped3A_62, %dma_wait3A_114] : memref<40x128xi32, #tpu.memory_space<vmem>> -> memref<1x128xi32, #tpu.memory_space<vmem>>
      %dma_wait3A_116 = tpu.memref_squeeze %dma_wait3A_115 : memref<1x128xi32, #tpu.memory_space<vmem>> -> memref<128xi32, #tpu.memory_space<vmem>>
      %dma_wait3A_117 = arith.constant 0 : i32
      %dma_wait3A_118 = arith.constant 0 : i32
      %dma_wait3A_119 = tpu.memref_slice %arg10[%dma_wait3A_117, %dma_wait3A_118] : memref<10240x128xf32, #tpu.memory_space<vmem_shared>> -> memref<10240x128xf32, #tpu.memory_space<vmem_shared>>
      tpu.wait_indirect_dma semaphore(%run_scoped3A_107 : memref<!tpu.dma_semaphore, #tpu.memory_space<semaphore_mem>>) src(%arg9 : memref<128x128xf32, #tpu.memory_space<vmem>>) dst(%dma_wait3A_119 : memref<10240x128xf32, #tpu.memory_space<vmem_shared>>)
      tpu.yield
    }) : () -> ()
    %run_scoped3A_63 = arith.constant 1 : i32
    "tpu.region"() ({
      %run_scoped3A_107 = tpu.sem_alloc : memref<!tpu.dma_semaphore, #tpu.memory_space<semaphore_mem>>
      %dma_start3A_108 = arith.constant 0 : i32
      %dma_start3A_109 = arith.constant 0 : i32
      %dma_start3A_110 = tpu.memref_slice %arg3[%add3A, %run_scoped3A_63, %dma_start3A_108, %dma_start3A_109] : memref<32x2x40x128xi32, #tpu.memory_space<hbm>> -> memref<1x1x40x128xi32, #tpu.memory_space<hbm>>
      %dma_start3A_111 = tpu.memref_squeeze %dma_start3A_110 : memref<1x1x40x128xi32, #tpu.memory_space<hbm>> -> memref<40x128xi32, #tpu.memory_space<hbm>>
      %dma_start3A_112 = arith.constant 0 : i32
      %dma_start3A_113 = arith.constant 0 : i32
      %dma_start3A_114 = tpu.memref_slice %arg3[%add3A, %run_scoped3A_63, %dma_start3A_112, %dma_start3A_113] : memref<32x2x40x128xi32, #tpu.memory_space<hbm>> -> memref<1x1x40x128xi32, #tpu.memory_space<hbm>>
      %dma_start3A_115 = tpu.memref_squeeze %dma_start3A_114 : memref<1x1x40x128xi32, #tpu.memory_space<hbm>> -> memref<40x128xi32, #tpu.memory_space<hbm>>
      tpu.enqueue_dma source(%dma_start3A_115 : memref<40x128xi32, #tpu.memory_space<hbm>>) target(%arg6 : memref<40x128xi32, #tpu.memory_space<vmem>>) target_semaphore(%run_scoped3A_107 : memref<!tpu.dma_semaphore, #tpu.memory_space<semaphore_mem>>)
      %dma_wait3A_116 = arith.constant 0 : i32
      %dma_wait3A_117 = arith.constant 0 : i32
      %dma_wait3A_118 = tpu.memref_slice %arg3[%add3A, %run_scoped3A_63, %dma_wait3A_116, %dma_wait3A_117] : memref<32x2x40x128xi32, #tpu.memory_space<hbm>> -> memref<1x1x40x128xi32, #tpu.memory_space<hbm>>
      %dma_wait3A_119 = tpu.memref_squeeze %dma_wait3A_118 : memref<1x1x40x128xi32, #tpu.memory_space<hbm>> -> memref<40x128xi32, #tpu.memory_space<hbm>>
      %dma_wait3A_120 = arith.constant 0 : i32
      %dma_wait3A_121 = arith.constant 0 : i32
      %dma_wait3A_122 = tpu.memref_slice %arg3[%add3A, %run_scoped3A_63, %dma_wait3A_120, %dma_wait3A_121] : memref<32x2x40x128xi32, #tpu.memory_space<hbm>> -> memref<1x1x40x128xi32, #tpu.memory_space<hbm>>
      %dma_wait3A_123 = tpu.memref_squeeze %dma_wait3A_122 : memref<1x1x40x128xi32, #tpu.memory_space<hbm>> -> memref<40x128xi32, #tpu.memory_space<hbm>>
      tpu.wait_dma2 semaphore(%run_scoped3A_107 : memref<!tpu.dma_semaphore, #tpu.memory_space<semaphore_mem>>) src(%dma_wait3A_123 : memref<40x128xi32, #tpu.memory_space<hbm>>) dst(%arg6 : memref<40x128xi32, #tpu.memory_space<vmem>>)
      tpu.yield
    }) : () -> ()
    %run_scoped3A_64 = arith.constant 1 : i32
    "tpu.region"() ({
      %run_scoped3A_107 = tpu.sem_alloc : memref<!tpu.dma_semaphore, #tpu.memory_space<semaphore_mem>>
      %dma_start3A_108 = arith.constant 0 : i32
      %dma_start3A_109 = arith.constant 0 : i32
      %dma_start3A_110 = tpu.memref_slice %arg4[%add3A, %run_scoped3A_64, %dma_start3A_108, %dma_start3A_109] : memref<32x2x40x128xi32, #tpu.memory_space<hbm>> -> memref<1x1x40x128xi32, #tpu.memory_space<hbm>>
      %dma_start3A_111 = tpu.memref_squeeze %dma_start3A_110 : memref<1x1x40x128xi32, #tpu.memory_space<hbm>> -> memref<40x128xi32, #tpu.memory_space<hbm>>
      %dma_start3A_112 = arith.constant 0 : i32
      %dma_start3A_113 = arith.constant 0 : i32
      %dma_start3A_114 = tpu.memref_slice %arg4[%add3A, %run_scoped3A_64, %dma_start3A_112, %dma_start3A_113] : memref<32x2x40x128xi32, #tpu.memory_space<hbm>> -> memref<1x1x40x128xi32, #tpu.memory_space<hbm>>
      %dma_start3A_115 = tpu.memref_squeeze %dma_start3A_114 : memref<1x1x40x128xi32, #tpu.memory_space<hbm>> -> memref<40x128xi32, #tpu.memory_space<hbm>>
      tpu.enqueue_dma source(%dma_start3A_115 : memref<40x128xi32, #tpu.memory_space<hbm>>) target(%arg7 : memref<40x128xi32, #tpu.memory_space<vmem>>) target_semaphore(%run_scoped3A_107 : memref<!tpu.dma_semaphore, #tpu.memory_space<semaphore_mem>>)
      %dma_wait3A_116 = arith.constant 0 : i32
      %dma_wait3A_117 = arith.constant 0 : i32
      %dma_wait3A_118 = tpu.memref_slice %arg4[%add3A, %run_scoped3A_64, %dma_wait3A_116, %dma_wait3A_117] : memref<32x2x40x128xi32, #tpu.memory_space<hbm>> -> memref<1x1x40x128xi32, #tpu.memory_space<hbm>>
      %dma_wait3A_119 = tpu.memref_squeeze %dma_wait3A_118 : memref<1x1x40x128xi32, #tpu.memory_space<hbm>> -> memref<40x128xi32, #tpu.memory_space<hbm>>
      %dma_wait3A_120 = arith.constant 0 : i32
      %dma_wait3A_121 = arith.constant 0 : i32
      %dma_wait3A_122 = tpu.memref_slice %arg4[%add3A, %run_scoped3A_64, %dma_wait3A_120, %dma_wait3A_121] : memref<32x2x40x128xi32, #tpu.memory_space<hbm>> -> memref<1x1x40x128xi32, #tpu.memory_space<hbm>>
      %dma_wait3A_123 = tpu.memref_squeeze %dma_wait3A_122 : memref<1x1x40x128xi32, #tpu.memory_space<hbm>> -> memref<40x128xi32, #tpu.memory_space<hbm>>
      tpu.wait_dma2 semaphore(%run_scoped3A_107 : memref<!tpu.dma_semaphore, #tpu.memory_space<semaphore_mem>>) src(%dma_wait3A_123 : memref<40x128xi32, #tpu.memory_space<hbm>>) dst(%arg7 : memref<40x128xi32, #tpu.memory_space<vmem>>)
      tpu.yield
    }) : () -> ()
    %dma_start3A_65 = arith.constant 0 : i32
    %dma_start3A_66 = arith.constant 0 : i32
    %dma_start3A_67 = tpu.memref_slice %arg6[%dma_start3A_65, %dma_start3A_66] : memref<40x128xi32, #tpu.memory_space<vmem>> -> memref<1x128xi32, #tpu.memory_space<vmem>>
    %dma_start3A_68 = tpu.memref_squeeze %dma_start3A_67 : memref<1x128xi32, #tpu.memory_space<vmem>> -> memref<128xi32, #tpu.memory_space<vmem>>
    %dma_start3A_69 = arith.constant 0 : i32
    %dma_start3A_70 = arith.constant 0 : i32
    %dma_start3A_71 = tpu.memref_slice %arg2[%dma_start3A_69, %dma_start3A_70] : memref<10240x128xf32, #tpu.memory_space<hbm>> -> memref<10240x128xf32, #tpu.memory_space<hbm>>
    tpu.enqueue_indirect_dma source(%dma_start3A_71 : memref<10240x128xf32, #tpu.memory_space<hbm>>) target(%arg8 : memref<128x128xf32, #tpu.memory_space<vmem>>) offsets(%dma_start3A_68 : memref<128xi32, #tpu.memory_space<vmem>>) semaphore(%arg11 : memref<!tpu.dma_semaphore, #tpu.memory_space<semaphore_mem>>)
    %scan3A_72 = arith.constant 0 : i32
    %scan3A_73 = arith.constant 0 : i32
    %scan3A_74 = arith.constant 19 : i32
    %scan3A_75 = arith.addi %scan3A_73, %scan3A_74 : i32
    %scan3A_76 = arith.constant 1 : i32
    %scan3A_77 = scf.for %scan3A_107 = %scan3A_73 to %scan3A_75 step %scan3A_76 iter_args(%scan3A_108 = %scan3A_72) -> (i32)  : i32 {
      %mul3A_109 = arith.constant 2 : i32
      %mul3A_110 = arith.muli %mul3A_109, %scan3A_107 : i32
      %add3A_111 = arith.constant 1 : i32
      %add3A_112 = arith.addi %mul3A_110, %add3A_111 : i32
      %dma_start3A_113 = arith.constant 0 : i32
      %dma_start3A_114 = tpu.memref_slice %arg6[%add3A_112, %dma_start3A_113] : memref<40x128xi32, #tpu.memory_space<vmem>> -> memref<1x128xi32, #tpu.memory_space<vmem>>
      %dma_start3A_115 = tpu.memref_squeeze %dma_start3A_114 : memref<1x128xi32, #tpu.memory_space<vmem>> -> memref<128xi32, #tpu.memory_space<vmem>>
      %dma_start3A_116 = arith.constant 0 : i32
      %dma_start3A_117 = arith.constant 0 : i32
      %dma_start3A_118 = tpu.memref_slice %arg2[%dma_start3A_116, %dma_start3A_117] : memref<10240x128xf32, #tpu.memory_space<hbm>> -> memref<10240x128xf32, #tpu.memory_space<hbm>>
      tpu.enqueue_indirect_dma source(%dma_start3A_118 : memref<10240x128xf32, #tpu.memory_space<hbm>>) target(%arg9 : memref<128x128xf32, #tpu.memory_space<vmem>>) offsets(%dma_start3A_115 : memref<128xi32, #tpu.memory_space<vmem>>) semaphore(%arg12 : memref<!tpu.dma_semaphore, #tpu.memory_space<semaphore_mem>>)
      %mul3A_119 = arith.constant 2 : i32
      %mul3A_120 = arith.muli %mul3A_119, %scan3A_107 : i32
      %dma_wait3A_121 = arith.constant 0 : i32
      %dma_wait3A_122 = tpu.memref_slice %arg6[%mul3A_120, %dma_wait3A_121] : memref<40x128xi32, #tpu.memory_space<vmem>> -> memref<1x128xi32, #tpu.memory_space<vmem>>
      %dma_wait3A_123 = tpu.memref_squeeze %dma_wait3A_122 : memref<1x128xi32, #tpu.memory_space<vmem>> -> memref<128xi32, #tpu.memory_space<vmem>>
      %dma_wait3A_124 = arith.constant 0 : i32
      %dma_wait3A_125 = arith.constant 0 : i32
      %dma_wait3A_126 = tpu.memref_slice %arg2[%dma_wait3A_124, %dma_wait3A_125] : memref<10240x128xf32, #tpu.memory_space<hbm>> -> memref<10240x128xf32, #tpu.memory_space<hbm>>
      tpu.wait_indirect_dma semaphore(%arg11 : memref<!tpu.dma_semaphore, #tpu.memory_space<semaphore_mem>>) src(%dma_wait3A_126 : memref<10240x128xf32, #tpu.memory_space<hbm>>) dst(%arg8 : memref<128x128xf32, #tpu.memory_space<vmem>>)
      %mul3A_127 = arith.constant 2 : i32
      %mul3A_128 = arith.muli %mul3A_127, %scan3A_107 : i32
      "tpu.region"() ({
        %run_scoped3A_154 = tpu.sem_alloc : memref<!tpu.dma_semaphore, #tpu.memory_space<semaphore_mem>>
        %dma_start3A_155 = arith.constant 0 : i32
        %dma_start3A_156 = tpu.memref_slice %arg7[%mul3A_128, %dma_start3A_155] : memref<40x128xi32, #tpu.memory_space<vmem>> -> memref<1x128xi32, #tpu.memory_space<vmem>>
        %dma_start3A_157 = tpu.memref_squeeze %dma_start3A_156 : memref<1x128xi32, #tpu.memory_space<vmem>> -> memref<128xi32, #tpu.memory_space<vmem>>
        %dma_start3A_158 = arith.constant 0 : i32
        %dma_start3A_159 = arith.constant 0 : i32
        %dma_start3A_160 = tpu.memref_slice %arg10[%dma_start3A_158, %dma_start3A_159] : memref<10240x128xf32, #tpu.memory_space<vmem_shared>> -> memref<10240x128xf32, #tpu.memory_space<vmem_shared>>
        tpu.enqueue_indirect_dma source(%arg8 : memref<128x128xf32, #tpu.memory_space<vmem>>) target(%dma_start3A_160 : memref<10240x128xf32, #tpu.memory_space<vmem_shared>>) offsets(%dma_start3A_157 : memref<128xi32, #tpu.memory_space<vmem>>) semaphore(%run_scoped3A_154 : memref<!tpu.dma_semaphore, #tpu.memory_space<semaphore_mem>>) {add = true}
        %dma_wait3A_161 = arith.constant 0 : i32
        %dma_wait3A_162 = tpu.memref_slice %arg7[%mul3A_128, %dma_wait3A_161] : memref<40x128xi32, #tpu.memory_space<vmem>> -> memref<1x128xi32, #tpu.memory_space<vmem>>
        %dma_wait3A_163 = tpu.memref_squeeze %dma_wait3A_162 : memref<1x128xi32, #tpu.memory_space<vmem>> -> memref<128xi32, #tpu.memory_space<vmem>>
        %dma_wait3A_164 = arith.constant 0 : i32
        %dma_wait3A_165 = arith.constant 0 : i32
        %dma_wait3A_166 = tpu.memref_slice %arg10[%dma_wait3A_164, %dma_wait3A_165] : memref<10240x128xf32, #tpu.memory_space<vmem_shared>> -> memref<10240x128xf32, #tpu.memory_space<vmem_shared>>
        tpu.wait_indirect_dma semaphore(%run_scoped3A_154 : memref<!tpu.dma_semaphore, #tpu.memory_space<semaphore_mem>>) src(%arg8 : memref<128x128xf32, #tpu.memory_space<vmem>>) dst(%dma_wait3A_166 : memref<10240x128xf32, #tpu.memory_space<vmem_shared>>)
        tpu.yield
      }) : () -> ()
      %mul3A_129 = arith.constant 2 : i32
      %mul3A_130 = arith.muli %mul3A_129, %scan3A_107 : i32
      %add3A_131 = arith.constant 2 : i32
      %add3A_132 = arith.addi %mul3A_130, %add3A_131 : i32
      %dma_start3A_133 = arith.constant 0 : i32
      %dma_start3A_134 = tpu.memref_slice %arg6[%add3A_132, %dma_start3A_133] : memref<40x128xi32, #tpu.memory_space<vmem>> -> memref<1x128xi32, #tpu.memory_space<vmem>>
      %dma_start3A_135 = tpu.memref_squeeze %dma_start3A_134 : memref<1x128xi32, #tpu.memory_space<vmem>> -> memref<128xi32, #tpu.memory_space<vmem>>
      %dma_start3A_136 = arith.constant 0 : i32
      %dma_start3A_137 = arith.constant 0 : i32
      %dma_start3A_138 = tpu.memref_slice %arg2[%dma_start3A_136, %dma_start3A_137] : memref<10240x128xf32, #tpu.memory_space<hbm>> -> memref<10240x128xf32, #tpu.memory_space<hbm>>
      tpu.enqueue_indirect_dma source(%dma_start3A_138 : memref<10240x128xf32, #tpu.memory_space<hbm>>) target(%arg8 : memref<128x128xf32, #tpu.memory_space<vmem>>) offsets(%dma_start3A_135 : memref<128xi32, #tpu.memory_space<vmem>>) semaphore(%arg11 : memref<!tpu.dma_semaphore, #tpu.memory_space<semaphore_mem>>)
      %mul3A_139 = arith.constant 2 : i32
      %mul3A_140 = arith.muli %mul3A_139, %scan3A_107 : i32
      %add3A_141 = arith.constant 1 : i32
      %add3A_142 = arith.addi %mul3A_140, %add3A_141 : i32
      %dma_wait3A_143 = arith.constant 0 : i32
      %dma_wait3A_144 = tpu.memref_slice %arg6[%add3A_142, %dma_wait3A_143] : memref<40x128xi32, #tpu.memory_space<vmem>> -> memref<1x128xi32, #tpu.memory_space<vmem>>
      %dma_wait3A_145 = tpu.memref_squeeze %dma_wait3A_144 : memref<1x128xi32, #tpu.memory_space<vmem>> -> memref<128xi32, #tpu.memory_space<vmem>>
      %dma_wait3A_146 = arith.constant 0 : i32
      %dma_wait3A_147 = arith.constant 0 : i32
      %dma_wait3A_148 = tpu.memref_slice %arg2[%dma_wait3A_146, %dma_wait3A_147] : memref<10240x128xf32, #tpu.memory_space<hbm>> -> memref<10240x128xf32, #tpu.memory_space<hbm>>
      tpu.wait_indirect_dma semaphore(%arg12 : memref<!tpu.dma_semaphore, #tpu.memory_space<semaphore_mem>>) src(%dma_wait3A_148 : memref<10240x128xf32, #tpu.memory_space<hbm>>) dst(%arg9 : memref<128x128xf32, #tpu.memory_space<vmem>>)
      %mul3A_149 = arith.constant 2 : i32
      %mul3A_150 = arith.muli %mul3A_149, %scan3A_107 : i32
      %add3A_151 = arith.constant 1 : i32
      %add3A_152 = arith.addi %mul3A_150, %add3A_151 : i32
      "tpu.region"() ({
        %run_scoped3A_154 = tpu.sem_alloc : memref<!tpu.dma_semaphore, #tpu.memory_space<semaphore_mem>>
        %dma_start3A_155 = arith.constant 0 : i32
        %dma_start3A_156 = tpu.memref_slice %arg7[%add3A_152, %dma_start3A_155] : memref<40x128xi32, #tpu.memory_space<vmem>> -> memref<1x128xi32, #tpu.memory_space<vmem>>
        %dma_start3A_157 = tpu.memref_squeeze %dma_start3A_156 : memref<1x128xi32, #tpu.memory_space<vmem>> -> memref<128xi32, #tpu.memory_space<vmem>>
        %dma_start3A_158 = arith.constant 0 : i32
        %dma_start3A_159 = arith.constant 0 : i32
        %dma_start3A_160 = tpu.memref_slice %arg10[%dma_start3A_158, %dma_start3A_159] : memref<10240x128xf32, #tpu.memory_space<vmem_shared>> -> memref<10240x128xf32, #tpu.memory_space<vmem_shared>>
        tpu.enqueue_indirect_dma source(%arg9 : memref<128x128xf32, #tpu.memory_space<vmem>>) target(%dma_start3A_160 : memref<10240x128xf32, #tpu.memory_space<vmem_shared>>) offsets(%dma_start3A_157 : memref<128xi32, #tpu.memory_space<vmem>>) semaphore(%run_scoped3A_154 : memref<!tpu.dma_semaphore, #tpu.memory_space<semaphore_mem>>) {add = true}
        %dma_wait3A_161 = arith.constant 0 : i32
        %dma_wait3A_162 = tpu.memref_slice %arg7[%add3A_152, %dma_wait3A_161] : memref<40x128xi32, #tpu.memory_space<vmem>> -> memref<1x128xi32, #tpu.memory_space<vmem>>
        %dma_wait3A_163 = tpu.memref_squeeze %dma_wait3A_162 : memref<1x128xi32, #tpu.memory_space<vmem>> -> memref<128xi32, #tpu.memory_space<vmem>>
        %dma_wait3A_164 = arith.constant 0 : i32
        %dma_wait3A_165 = arith.constant 0 : i32
        %dma_wait3A_166 = tpu.memref_slice %arg10[%dma_wait3A_164, %dma_wait3A_165] : memref<10240x128xf32, #tpu.memory_space<vmem_shared>> -> memref<10240x128xf32, #tpu.memory_space<vmem_shared>>
        tpu.wait_indirect_dma semaphore(%run_scoped3A_154 : memref<!tpu.dma_semaphore, #tpu.memory_space<semaphore_mem>>) src(%arg9 : memref<128x128xf32, #tpu.memory_space<vmem>>) dst(%dma_wait3A_166 : memref<10240x128xf32, #tpu.memory_space<vmem_shared>>)
        tpu.yield
      }) : () -> ()
      %scan3A_153 = arith.constant 0 : i32
      scf.yield %scan3A_153 : i32
    }
    %scan3A_78 = arith.constant 19 : i32
    %dma_start3A_79 = arith.constant 39 : i32
    %dma_start3A_80 = arith.constant 0 : i32
    %dma_start3A_81 = tpu.memref_slice %arg6[%dma_start3A_79, %dma_start3A_80] : memref<40x128xi32, #tpu.memory_space<vmem>> -> memref<1x128xi32, #tpu.memory_space<vmem>>
    %dma_start3A_82 = tpu.memref_squeeze %dma_start3A_81 : memref<1x128xi32, #tpu.memory_space<vmem>> -> memref<128xi32, #tpu.memory_space<vmem>>
    %dma_start3A_83 = arith.constant 0 : i32
    %dma_start3A_84 = arith.constant 0 : i32
    %dma_start3A_85 = tpu.memref_slice %arg2[%dma_start3A_83, %dma_start3A_84] : memref<10240x128xf32, #tpu.memory_space<hbm>> -> memref<10240x128xf32, #tpu.memory_space<hbm>>
    tpu.enqueue_indirect_dma source(%dma_start3A_85 : memref<10240x128xf32, #tpu.memory_space<hbm>>) target(%arg9 : memref<128x128xf32, #tpu.memory_space<vmem>>) offsets(%dma_start3A_82 : memref<128xi32, #tpu.memory_space<vmem>>) semaphore(%arg12 : memref<!tpu.dma_semaphore, #tpu.memory_space<semaphore_mem>>)
    %dma_wait3A_86 = arith.constant 38 : i32
    %dma_wait3A_87 = arith.constant 0 : i32
    %dma_wait3A_88 = tpu.memref_slice %arg6[%dma_wait3A_86, %dma_wait3A_87] : memref<40x128xi32, #tpu.memory_space<vmem>> -> memref<1x128xi32, #tpu.memory_space<vmem>>
    %dma_wait3A_89 = tpu.memref_squeeze %dma_wait3A_88 : memref<1x128xi32, #tpu.memory_space<vmem>> -> memref<128xi32, #tpu.memory_space<vmem>>
    %dma_wait3A_90 = arith.constant 0 : i32
    %dma_wait3A_91 = arith.constant 0 : i32
    %dma_wait3A_92 = tpu.memref_slice %arg2[%dma_wait3A_90, %dma_wait3A_91] : memref<10240x128xf32, #tpu.memory_space<hbm>> -> memref<10240x128xf32, #tpu.memory_space<hbm>>
    tpu.wait_indirect_dma semaphore(%arg11 : memref<!tpu.dma_semaphore, #tpu.memory_space<semaphore_mem>>) src(%dma_wait3A_92 : memref<10240x128xf32, #tpu.memory_space<hbm>>) dst(%arg8 : memref<128x128xf32, #tpu.memory_space<vmem>>)
    %run_scoped3A_93 = arith.constant 38 : i32
    "tpu.region"() ({
      %run_scoped3A_107 = tpu.sem_alloc : memref<!tpu.dma_semaphore, #tpu.memory_space<semaphore_mem>>
      %dma_start3A_108 = arith.constant 0 : i32
      %dma_start3A_109 = tpu.memref_slice %arg7[%run_scoped3A_93, %dma_start3A_108] : memref<40x128xi32, #tpu.memory_space<vmem>> -> memref<1x128xi32, #tpu.memory_space<vmem>>
      %dma_start3A_110 = tpu.memref_squeeze %dma_start3A_109 : memref<1x128xi32, #tpu.memory_space<vmem>> -> memref<128xi32, #tpu.memory_space<vmem>>
      %dma_start3A_111 = arith.constant 0 : i32
      %dma_start3A_112 = arith.constant 0 : i32
      %dma_start3A_113 = tpu.memref_slice %arg10[%dma_start3A_111, %dma_start3A_112] : memref<10240x128xf32, #tpu.memory_space<vmem_shared>> -> memref<10240x128xf32, #tpu.memory_space<vmem_shared>>
      tpu.enqueue_indirect_dma source(%arg8 : memref<128x128xf32, #tpu.memory_space<vmem>>) target(%dma_start3A_113 : memref<10240x128xf32, #tpu.memory_space<vmem_shared>>) offsets(%dma_start3A_110 : memref<128xi32, #tpu.memory_space<vmem>>) semaphore(%run_scoped3A_107 : memref<!tpu.dma_semaphore, #tpu.memory_space<semaphore_mem>>) {add = true}
      %dma_wait3A_114 = arith.constant 0 : i32
      %dma_wait3A_115 = tpu.memref_slice %arg7[%run_scoped3A_93, %dma_wait3A_114] : memref<40x128xi32, #tpu.memory_space<vmem>> -> memref<1x128xi32, #tpu.memory_space<vmem>>
      %dma_wait3A_116 = tpu.memref_squeeze %dma_wait3A_115 : memref<1x128xi32, #tpu.memory_space<vmem>> -> memref<128xi32, #tpu.memory_space<vmem>>
      %dma_wait3A_117 = arith.constant 0 : i32
      %dma_wait3A_118 = arith.constant 0 : i32
      %dma_wait3A_119 = tpu.memref_slice %arg10[%dma_wait3A_117, %dma_wait3A_118] : memref<10240x128xf32, #tpu.memory_space<vmem_shared>> -> memref<10240x128xf32, #tpu.memory_space<vmem_shared>>
      tpu.wait_indirect_dma semaphore(%run_scoped3A_107 : memref<!tpu.dma_semaphore, #tpu.memory_space<semaphore_mem>>) src(%arg8 : memref<128x128xf32, #tpu.memory_space<vmem>>) dst(%dma_wait3A_119 : memref<10240x128xf32, #tpu.memory_space<vmem_shared>>)
      tpu.yield
    }) : () -> ()
    %dma_wait3A_94 = arith.constant 39 : i32
    %dma_wait3A_95 = arith.constant 0 : i32
    %dma_wait3A_96 = tpu.memref_slice %arg6[%dma_wait3A_94, %dma_wait3A_95] : memref<40x128xi32, #tpu.memory_space<vmem>> -> memref<1x128xi32, #tpu.memory_space<vmem>>
    %dma_wait3A_97 = tpu.memref_squeeze %dma_wait3A_96 : memref<1x128xi32, #tpu.memory_space<vmem>> -> memref<128xi32, #tpu.memory_space<vmem>>
    %dma_wait3A_98 = arith.constant 0 : i32
    %dma_wait3A_99 = arith.constant 0 : i32
    %dma_wait3A_100 = tpu.memref_slice %arg2[%dma_wait3A_98, %dma_wait3A_99] : memref<10240x128xf32, #tpu.memory_space<hbm>> -> memref<10240x128xf32, #tpu.memory_space<hbm>>
    tpu.wait_indirect_dma semaphore(%arg12 : memref<!tpu.dma_semaphore, #tpu.memory_space<semaphore_mem>>) src(%dma_wait3A_100 : memref<10240x128xf32, #tpu.memory_space<hbm>>) dst(%arg9 : memref<128x128xf32, #tpu.memory_space<vmem>>)
    %run_scoped3A_101 = arith.constant 39 : i32
    "tpu.region"() ({
      %run_scoped3A_107 = tpu.sem_alloc : memref<!tpu.dma_semaphore, #tpu.memory_space<semaphore_mem>>
      %dma_start3A_108 = arith.constant 0 : i32
      %dma_start3A_109 = tpu.memref_slice %arg7[%run_scoped3A_101, %dma_start3A_108] : memref<40x128xi32, #tpu.memory_space<vmem>> -> memref<1x128xi32, #tpu.memory_space<vmem>>
      %dma_start3A_110 = tpu.memref_squeeze %dma_start3A_109 : memref<1x128xi32, #tpu.memory_space<vmem>> -> memref<128xi32, #tpu.memory_space<vmem>>
      %dma_start3A_111 = arith.constant 0 : i32
      %dma_start3A_112 = arith.constant 0 : i32
      %dma_start3A_113 = tpu.memref_slice %arg10[%dma_start3A_111, %dma_start3A_112] : memref<10240x128xf32, #tpu.memory_space<vmem_shared>> -> memref<10240x128xf32, #tpu.memory_space<vmem_shared>>
      tpu.enqueue_indirect_dma source(%arg9 : memref<128x128xf32, #tpu.memory_space<vmem>>) target(%dma_start3A_113 : memref<10240x128xf32, #tpu.memory_space<vmem_shared>>) offsets(%dma_start3A_110 : memref<128xi32, #tpu.memory_space<vmem>>) semaphore(%run_scoped3A_107 : memref<!tpu.dma_semaphore, #tpu.memory_space<semaphore_mem>>) {add = true}
      %dma_wait3A_114 = arith.constant 0 : i32
      %dma_wait3A_115 = tpu.memref_slice %arg7[%run_scoped3A_101, %dma_wait3A_114] : memref<40x128xi32, #tpu.memory_space<vmem>> -> memref<1x128xi32, #tpu.memory_space<vmem>>
      %dma_wait3A_116 = tpu.memref_squeeze %dma_wait3A_115 : memref<1x128xi32, #tpu.memory_space<vmem>> -> memref<128xi32, #tpu.memory_space<vmem>>
      %dma_wait3A_117 = arith.constant 0 : i32
      %dma_wait3A_118 = arith.constant 0 : i32
      %dma_wait3A_119 = tpu.memref_slice %arg10[%dma_wait3A_117, %dma_wait3A_118] : memref<10240x128xf32, #tpu.memory_space<vmem_shared>> -> memref<10240x128xf32, #tpu.memory_space<vmem_shared>>
      tpu.wait_indirect_dma semaphore(%run_scoped3A_107 : memref<!tpu.dma_semaphore, #tpu.memory_space<semaphore_mem>>) src(%arg9 : memref<128x128xf32, #tpu.memory_space<vmem>>) dst(%dma_wait3A_119 : memref<10240x128xf32, #tpu.memory_space<vmem_shared>>)
      tpu.yield
    }) : () -> ()
    %barrier3A_102 = arith.constant 0 : index
    tpu.barrier barrier_id(%barrier3A_102)
    %mul3A_103 = arith.constant 640 : i32
    %mul3A_104 = arith.muli %arg1, %mul3A_103 : i32
    %mul3A_105 = arith.constant 640 : i32
    %mul3A_106 = arith.muli %arg1, %mul3A_105 : i32
    "tpu.region"() ({
      %run_scoped3A_107 = tpu.sem_alloc : memref<!tpu.dma_semaphore, #tpu.memory_space<semaphore_mem>>
      %dma_start3A_108 = arith.constant 0 : i32
      %dma_start3A_109 = tpu.memref_slice %arg5[%arg0, %mul3A_106, %dma_start3A_108] : memref<2x10240x128xf32, #tpu.memory_space<hbm>> -> memref<1x640x128xf32, #tpu.memory_space<hbm>>
      %dma_start3A_110 = tpu.memref_squeeze %dma_start3A_109 : memref<1x640x128xf32, #tpu.memory_space<hbm>> -> memref<640x128xf32, #tpu.memory_space<hbm>>
      %dma_start3A_111 = arith.constant 0 : i32
      %dma_start3A_112 = tpu.memref_slice %arg10[%mul3A_104, %dma_start3A_111] : memref<10240x128xf32, #tpu.memory_space<vmem_shared>> -> memref<640x128xf32, #tpu.memory_space<vmem_shared>>
      tpu.enqueue_dma source(%dma_start3A_112 : memref<640x128xf32, #tpu.memory_space<vmem_shared>>) target(%dma_start3A_110 : memref<640x128xf32, #tpu.memory_space<hbm>>) target_semaphore(%run_scoped3A_107 : memref<!tpu.dma_semaphore, #tpu.memory_space<semaphore_mem>>)
      %dma_wait3A_113 = arith.constant 0 : i32
      %dma_wait3A_114 = tpu.memref_slice %arg5[%arg0, %mul3A_106, %dma_wait3A_113] : memref<2x10240x128xf32, #tpu.memory_space<hbm>> -> memref<1x640x128xf32, #tpu.memory_space<hbm>>
      %dma_wait3A_115 = tpu.memref_squeeze %dma_wait3A_114 : memref<1x640x128xf32, #tpu.memory_space<hbm>> -> memref<640x128xf32, #tpu.memory_space<hbm>>
      %dma_wait3A_116 = arith.constant 0 : i32
      %dma_wait3A_117 = tpu.memref_slice %arg10[%mul3A_104, %dma_wait3A_116] : memref<10240x128xf32, #tpu.memory_space<vmem_shared>> -> memref<640x128xf32, #tpu.memory_space<vmem_shared>>
      tpu.wait_dma2 semaphore(%run_scoped3A_107 : memref<!tpu.dma_semaphore, #tpu.memory_space<semaphore_mem>>) src(%dma_wait3A_117 : memref<640x128xf32, #tpu.memory_space<vmem_shared>>) dst(%dma_wait3A_115 : memref<640x128xf32, #tpu.memory_space<hbm>>)
      tpu.yield
    }) : () -> ()
    return
  }
}

#map = affine_map<(d0, d1) -> (0, 0)>
#map1 = affine_map<(d0, d1) -> (0, 0, 0, 0)>
#map2 = affine_map<(d0, d1) -> (0, 0, 0)>
module attributes {stable_mosaic.version = 14 : i64} {
  func.func @_acc_body(%arg0: i32, %arg1: i32, %arg2: memref<10240x128xf32, #tpu.memory_space<hbm>>, %arg3: memref<32x2x40x128xi32, #tpu.memory_space<hbm>>, %arg4: memref<32x2x40x128xi32, #tpu.memory_space<hbm>>, %arg5: memref<2x10240x128xf32, #tpu.memory_space<hbm>>, %arg6: memref<40x128xi32, #tpu.memory_space<vmem>>, %arg7: memref<40x128xi32, #tpu.memory_space<vmem>>, %arg8: memref<128x128xf32, #tpu.memory_space<vmem>>, %arg9: memref<128x128xf32, #tpu.memory_space<vmem>>, %arg10: memref<10240x128xf32, #tpu.memory_space<vmem_shared>>, %arg11: memref<!tpu.dma_semaphore, #tpu.memory_space<semaphore_mem>>, %arg12: memref<!tpu.dma_semaphore, #tpu.memory_space<semaphore_mem>>) attributes {dimension_semantics = [#tpu.dimension_semantics<core_parallel>, #tpu.dimension_semantics<subcore_parallel>], iteration_bounds = array<i64: 2, 16>, scalar_prefetch = 0 : i64, scratch_operands = 7 : i64, tpu.core_type = #tpu.core_type<sc_vector_subcore>, window_params = [{transform_indices = #map}, {transform_indices = #map1}, {transform_indices = #map1}, {transform_indices = #map2}]} {
    %mul3A = arith.constant 16 : i32
    %mul3A_0 = arith.muli %arg0, %mul3A : i32
    %add3A = arith.addi %mul3A_0, %arg1 : i32
    %scan3A = arith.constant 0 : i32
    %scan3A_1 = arith.constant 0 : i32
    %scan3A_2 = arith.constant 128 : i32
    %scan3A_3 = arith.addi %scan3A_1, %scan3A_2 : i32
    %scan3A_4 = arith.constant 1 : i32
    %scan3A_5 = scf.for %scan3A_107 = %scan3A_1 to %scan3A_3 step %scan3A_4 iter_args(%scan3A_108 = %scan3A) -> (i32)  : i32 {
      %broadcast_in_dim3A = arith.constant 0.000000e+00 : f32
      %broadcast_in_dim3A_109 = vector.broadcast %broadcast_in_dim3A : f32 to vector<16xf32>
      %swap3A = arith.index_cast %scan3A_107 : i32 to index
      %swap3A_110 = arith.constant 0 : index
      %swap3A_111 = tpu.vector_load %arg8[%swap3A, %swap3A_110] {strides = array<i32>} : memref<128x128xf32, #tpu.memory_space<vmem>>, vector<1x16xf32>,
      %swap3A_112 = vector.shape_cast %swap3A_111 : vector<1x16xf32> to vector<16xf32>
      %swap3A_113 = vector.shape_cast %broadcast_in_dim3A_109 : vector<16xf32> to vector<1x16xf32>
      tpu.vector_store %arg8[%swap3A, %swap3A_110], %swap3A_113 {strides = array<i32>} : memref<128x128xf32, #tpu.memory_space<vmem>>, vector<1x16xf32>,
      %broadcast_in_dim3A_114 = arith.constant 0.000000e+00 : f32
      %broadcast_in_dim3A_115 = vector.broadcast %broadcast_in_dim3A_114 : f32 to vector<16xf32>
      %swap3A_116 = arith.index_cast %scan3A_107 : i32 to index
      %swap3A_117 = arith.constant 16 : index
      %swap3A_118 = tpu.vector_load %arg8[%swap3A_116, %swap3A_117] {strides = array<i32>} : memref<128x128xf32, #tpu.memory_space<vmem>>, vector<1x16xf32>,
      %swap3A_119 = vector.shape_cast %swap3A_118 : vector<1x16xf32> to vector<16xf32>
      %swap3A_120 = vector.shape_cast %broadcast_in_dim3A_115 : vector<16xf32> to vector<1x16xf32>
      tpu.vector_store %arg8[%swap3A_116, %swap3A_117], %swap3A_120 {strides = array<i32>} : memref<128x128xf32, #tpu.memory_space<vmem>>, vector<1x16xf32>,
      %broadcast_in_dim3A_121 = arith.constant 0.000000e+00 : f32
      %broadcast_in_dim3A_122 = vector.broadcast %broadcast_in_dim3A_121 : f32 to vector<16xf32>
      %swap3A_123 = arith.index_cast %scan3A_107 : i32 to index
      %swap3A_124 = arith.constant 32 : index
      %swap3A_125 = tpu.vector_load %arg8[%swap3A_123, %swap3A_124] {strides = array<i32>} : memref<128x128xf32, #tpu.memory_space<vmem>>, vector<1x16xf32>,
      %swap3A_126 = vector.shape_cast %swap3A_125 : vector<1x16xf32> to vector<16xf32>
      %swap3A_127 = vector.shape_cast %broadcast_in_dim3A_122 : vector<16xf32> to vector<1x16xf32>
      tpu.vector_store %arg8[%swap3A_123, %swap3A_124], %swap3A_127 {strides = array<i32>} : memref<128x128xf32, #tpu.memory_space<vmem>>, vector<1x16xf32>,
      %broadcast_in_dim3A_128 = arith.constant 0.000000e+00 : f32
      %broadcast_in_dim3A_129 = vector.broadcast %broadcast_in_dim3A_128 : f32 to vector<16xf32>
      %swap3A_130 = arith.index_cast %scan3A_107 : i32 to index
      %swap3A_131 = arith.constant 48 : index
      %swap3A_132 = tpu.vector_load %arg8[%swap3A_130, %swap3A_131] {strides = array<i32>} : memref<128x128xf32, #tpu.memory_space<vmem>>, vector<1x16xf32>,
      %swap3A_133 = vector.shape_cast %swap3A_132 : vector<1x16xf32> to vector<16xf32>
      %swap3A_134 = vector.shape_cast %broadcast_in_dim3A_129 : vector<16xf32> to vector<1x16xf32>
      tpu.vector_store %arg8[%swap3A_130, %swap3A_131], %swap3A_134 {strides = array<i32>} : memref<128x128xf32, #tpu.memory_space<vmem>>, vector<1x16xf32>,
      %broadcast_in_dim3A_135 = arith.constant 0.000000e+00 : f32
      %broadcast_in_dim3A_136 = vector.broadcast %broadcast_in_dim3A_135 : f32 to vector<16xf32>
      %swap3A_137 = arith.index_cast %scan3A_107 : i32 to index
      %swap3A_138 = arith.constant 64 : index
      %swap3A_139 = tpu.vector_load %arg8[%swap3A_137, %swap3A_138] {strides = array<i32>} : memref<128x128xf32, #tpu.memory_space<vmem>>, vector<1x16xf32>,
      %swap3A_140 = vector.shape_cast %swap3A_139 : vector<1x16xf32> to vector<16xf32>
      %swap3A_141 = vector.shape_cast %broadcast_in_dim3A_136 : vector<16xf32> to vector<1x16xf32>
      tpu.vector_store %arg8[%swap3A_137, %swap3A_138], %swap3A_141 {strides = array<i32>} : memref<128x128xf32, #tpu.memory_space<vmem>>, vector<1x16xf32>,
      %broadcast_in_dim3A_142 = arith.constant 0.000000e+00 : f32
      %broadcast_in_dim3A_143 = vector.broadcast %broadcast_in_dim3A_142 : f32 to vector<16xf32>
      %swap3A_144 = arith.index_cast %scan3A_107 : i32 to index
      %swap3A_145 = arith.constant 80 : index
      %swap3A_146 = tpu.vector_load %arg8[%swap3A_144, %swap3A_145] {strides = array<i32>} : memref<128x128xf32, #tpu.memory_space<vmem>>, vector<1x16xf32>,
      %swap3A_147 = vector.shape_cast %swap3A_146 : vector<1x16xf32> to vector<16xf32>
      %swap3A_148 = vector.shape_cast %broadcast_in_dim3A_143 : vector<16xf32> to vector<1x16xf32>
      tpu.vector_store %arg8[%swap3A_144, %swap3A_145], %swap3A_148 {strides = array<i32>} : memref<128x128xf32, #tpu.memory_space<vmem>>, vector<1x16xf32>,
      %broadcast_in_dim3A_149 = arith.constant 0.000000e+00 : f32
      %broadcast_in_dim3A_150 = vector.broadcast %broadcast_in_dim3A_149 : f32 to vector<16xf32>
      %swap3A_151 = arith.index_cast %scan3A_107 : i32 to index
      %swap3A_152 = arith.constant 96 : index
      %swap3A_153 = tpu.vector_load %arg8[%swap3A_151, %swap3A_152] {strides = array<i32>} : memref<128x128xf32, #tpu.memory_space<vmem>>, vector<1x16xf32>,
      %swap3A_154 = vector.shape_cast %swap3A_153 : vector<1x16xf32> to vector<16xf32>
      %swap3A_155 = vector.shape_cast %broadcast_in_dim3A_150 : vector<16xf32> to vector<1x16xf32>
      tpu.vector_store %arg8[%swap3A_151, %swap3A_152], %swap3A_155 {strides = array<i32>} : memref<128x128xf32, #tpu.memory_space<vmem>>, vector<1x16xf32>,
      %broadcast_in_dim3A_156 = arith.constant 0.000000e+00 : f32
      %broadcast_in_dim3A_157 = vector.broadcast %broadcast_in_dim3A_156 : f32 to vector<16xf32>
      %swap3A_158 = arith.index_cast %scan3A_107 : i32 to index
      %swap3A_159 = arith.constant 112 : index
      %swap3A_160 = tpu.vector_load %arg8[%swap3A_158, %swap3A_159] {strides = array<i32>} : memref<128x128xf32, #tpu.memory_space<vmem>>, vector<1x16xf32>,
      %swap3A_161 = vector.shape_cast %swap3A_160 : vector<1x16xf32> to vector<16xf32>
      %swap3A_162 = vector.shape_cast %broadcast_in_dim3A_157 : vector<16xf32> to vector<1x16xf32>
      tpu.vector_store %arg8[%swap3A_158, %swap3A_159], %swap3A_162 {strides = array<i32>} : memref<128x128xf32, #tpu.memory_space<vmem>>, vector<1x16xf32>,
      %scan3A_163 = arith.constant 0 : i32
      scf.yield %scan3A_163 : i32
    }
    %scan3A_6 = arith.constant 128 : i32
    %mul3A_7 = arith.constant 640 : i32
    %mul3A_8 = arith.muli %arg1, %mul3A_7 : i32
    %add3A_9 = arith.constant 0 : i32
    %add3A_10 = arith.addi %mul3A_8, %add3A_9 : i32
    "tpu.region"() ({
      %run_scoped3A_107 = tpu.sem_alloc : memref<!tpu.dma_semaphore, #tpu.memory_space<semaphore_mem>>
      %dma_start3A_108 = arith.constant 0 : i32
      %dma_start3A_109 = tpu.memref_slice %arg10[%add3A_10, %dma_start3A_108] : memref<10240x128xf32, #tpu.memory_space<vmem_shared>> -> memref<128x128xf32, #tpu.memory_space<vmem_shared>>
      %dma_start3A_110 = arith.constant 0 : i32
      %dma_start3A_111 = tpu.memref_slice %arg10[%add3A_10, %dma_start3A_110] : memref<10240x128xf32, #tpu.memory_space<vmem_shared>> -> memref<128x128xf32, #tpu.memory_space<vmem_shared>>
      tpu.enqueue_dma source(%arg8 : memref<128x128xf32, #tpu.memory_space<vmem>>) target(%dma_start3A_111 : memref<128x128xf32, #tpu.memory_space<vmem_shared>>) target_semaphore(%run_scoped3A_107 : memref<!tpu.dma_semaphore, #tpu.memory_space<semaphore_mem>>)
      %dma_wait3A_112 = arith.constant 0 : i32
      %dma_wait3A_113 = tpu.memref_slice %arg10[%add3A_10, %dma_wait3A_112] : memref<10240x128xf32, #tpu.memory_space<vmem_shared>> -> memref<128x128xf32, #tpu.memory_space<vmem_shared>>
      %dma_wait3A_114 = arith.constant 0 : i32
      %dma_wait3A_115 = tpu.memref_slice %arg10[%add3A_10, %dma_wait3A_114] : memref<10240x128xf32, #tpu.memory_space<vmem_shared>> -> memref<128x128xf32, #tpu.memory_space<vmem_shared>>
      tpu.wait_dma2 semaphore(%run_scoped3A_107 : memref<!tpu.dma_semaphore, #tpu.memory_space<semaphore_mem>>) src(%arg8 : memref<128x128xf32, #tpu.memory_space<vmem>>) dst(%dma_wait3A_115 : memref<128x128xf32, #tpu.memory_space<vmem_shared>>)
      tpu.yield
    }) : () -> ()
    %mul3A_11 = arith.constant 640 : i32
    %mul3A_12 = arith.muli %arg1, %mul3A_11 : i32
    %add3A_13 = arith.constant 128 : i32
    %add3A_14 = arith.addi %mul3A_12, %add3A_13 : i32
    "tpu.region"() ({
      %run_scoped3A_107 = tpu.sem_alloc : memref<!tpu.dma_semaphore, #tpu.memory_space<semaphore_mem>>
      %dma_start3A_108 = arith.constant 0 : i32
      %dma_start3A_109 = tpu.memref_slice %arg10[%add3A_14, %dma_start3A_108] : memref<10240x128xf32, #tpu.memory_space<vmem_shared>> -> memref<128x128xf32, #tpu.memory_space<vmem_shared>>
      %dma_start3A_110 = arith.constant 0 : i32
      %dma_start3A_111 = tpu.memref_slice %arg10[%add3A_14, %dma_start3A_110] : memref<10240x128xf32, #tpu.memory_space<vmem_shared>> -> memref<128x128xf32, #tpu.memory_space<vmem_shared>>
      tpu.enqueue_dma source(%arg8 : memref<128x128xf32, #tpu.memory_space<vmem>>) target(%dma_start3A_111 : memref<128x128xf32, #tpu.memory_space<vmem_shared>>) target_semaphore(%run_scoped3A_107 : memref<!tpu.dma_semaphore, #tpu.memory_space<semaphore_mem>>)
      %dma_wait3A_112 = arith.constant 0 : i32
      %dma_wait3A_113 = tpu.memref_slice %arg10[%add3A_14, %dma_wait3A_112] : memref<10240x128xf32, #tpu.memory_space<vmem_shared>> -> memref<128x128xf32, #tpu.memory_space<vmem_shared>>
      %dma_wait3A_114 = arith.constant 0 : i32
      %dma_wait3A_115 = tpu.memref_slice %arg10[%add3A_14, %dma_wait3A_114] : memref<10240x128xf32, #tpu.memory_space<vmem_shared>> -> memref<128x128xf32, #tpu.memory_space<vmem_shared>>
      tpu.wait_dma2 semaphore(%run_scoped3A_107 : memref<!tpu.dma_semaphore, #tpu.memory_space<semaphore_mem>>) src(%arg8 : memref<128x128xf32, #tpu.memory_space<vmem>>) dst(%dma_wait3A_115 : memref<128x128xf32, #tpu.memory_space<vmem_shared>>)
      tpu.yield
    }) : () -> ()
    %mul3A_15 = arith.constant 640 : i32
    %mul3A_16 = arith.muli %arg1, %mul3A_15 : i32
    %add3A_17 = arith.constant 256 : i32
    %add3A_18 = arith.addi %mul3A_16, %add3A_17 : i32
    "tpu.region"() ({
      %run_scoped3A_107 = tpu.sem_alloc : memref<!tpu.dma_semaphore, #tpu.memory_space<semaphore_mem>>
      %dma_start3A_108 = arith.constant 0 : i32
      %dma_start3A_109 = tpu.memref_slice %arg10[%add3A_18, %dma_start3A_108] : memref<10240x128xf32, #tpu.memory_space<vmem_shared>> -> memref<128x128xf32, #tpu.memory_space<vmem_shared>>
      %dma_start3A_110 = arith.constant 0 : i32
      %dma_start3A_111 = tpu.memref_slice %arg10[%add3A_18, %dma_start3A_110] : memref<10240x128xf32, #tpu.memory_space<vmem_shared>> -> memref<128x128xf32, #tpu.memory_space<vmem_shared>>
      tpu.enqueue_dma source(%arg8 : memref<128x128xf32, #tpu.memory_space<vmem>>) target(%dma_start3A_111 : memref<128x128xf32, #tpu.memory_space<vmem_shared>>) target_semaphore(%run_scoped3A_107 : memref<!tpu.dma_semaphore, #tpu.memory_space<semaphore_mem>>)
      %dma_wait3A_112 = arith.constant 0 : i32
      %dma_wait3A_113 = tpu.memref_slice %arg10[%add3A_18, %dma_wait3A_112] : memref<10240x128xf32, #tpu.memory_space<vmem_shared>> -> memref<128x128xf32, #tpu.memory_space<vmem_shared>>
      %dma_wait3A_114 = arith.constant 0 : i32
      %dma_wait3A_115 = tpu.memref_slice %arg10[%add3A_18, %dma_wait3A_114] : memref<10240x128xf32, #tpu.memory_space<vmem_shared>> -> memref<128x128xf32, #tpu.memory_space<vmem_shared>>
      tpu.wait_dma2 semaphore(%run_scoped3A_107 : memref<!tpu.dma_semaphore, #tpu.memory_space<semaphore_mem>>) src(%arg8 : memref<128x128xf32, #tpu.memory_space<vmem>>) dst(%dma_wait3A_115 : memref<128x128xf32, #tpu.memory_space<vmem_shared>>)
      tpu.yield
    }) : () -> ()
    %mul3A_19 = arith.constant 640 : i32
    %mul3A_20 = arith.muli %arg1, %mul3A_19 : i32
    %add3A_21 = arith.constant 384 : i32
    %add3A_22 = arith.addi %mul3A_20, %add3A_21 : i32
    "tpu.region"() ({
      %run_scoped3A_107 = tpu.sem_alloc : memref<!tpu.dma_semaphore, #tpu.memory_space<semaphore_mem>>
      %dma_start3A_108 = arith.constant 0 : i32
      %dma_start3A_109 = tpu.memref_slice %arg10[%add3A_22, %dma_start3A_108] : memref<10240x128xf32, #tpu.memory_space<vmem_shared>> -> memref<128x128xf32, #tpu.memory_space<vmem_shared>>
      %dma_start3A_110 = arith.constant 0 : i32
      %dma_start3A_111 = tpu.memref_slice %arg10[%add3A_22, %dma_start3A_110] : memref<10240x128xf32, #tpu.memory_space<vmem_shared>> -> memref<128x128xf32, #tpu.memory_space<vmem_shared>>
      tpu.enqueue_dma source(%arg8 : memref<128x128xf32, #tpu.memory_space<vmem>>) target(%dma_start3A_111 : memref<128x128xf32, #tpu.memory_space<vmem_shared>>) target_semaphore(%run_scoped3A_107 : memref<!tpu.dma_semaphore, #tpu.memory_space<semaphore_mem>>)
      %dma_wait3A_112 = arith.constant 0 : i32
      %dma_wait3A_113 = tpu.memref_slice %arg10[%add3A_22, %dma_wait3A_112] : memref<10240x128xf32, #tpu.memory_space<vmem_shared>> -> memref<128x128xf32, #tpu.memory_space<vmem_shared>>
      %dma_wait3A_114 = arith.constant 0 : i32
      %dma_wait3A_115 = tpu.memref_slice %arg10[%add3A_22, %dma_wait3A_114] : memref<10240x128xf32, #tpu.memory_space<vmem_shared>> -> memref<128x128xf32, #tpu.memory_space<vmem_shared>>
      tpu.wait_dma2 semaphore(%run_scoped3A_107 : memref<!tpu.dma_semaphore, #tpu.memory_space<semaphore_mem>>) src(%arg8 : memref<128x128xf32, #tpu.memory_space<vmem>>) dst(%dma_wait3A_115 : memref<128x128xf32, #tpu.memory_space<vmem_shared>>)
      tpu.yield
    }) : () -> ()
    %mul3A_23 = arith.constant 640 : i32
    %mul3A_24 = arith.muli %arg1, %mul3A_23 : i32
    %add3A_25 = arith.constant 512 : i32
    %add3A_26 = arith.addi %mul3A_24, %add3A_25 : i32
    "tpu.region"() ({
      %run_scoped3A_107 = tpu.sem_alloc : memref<!tpu.dma_semaphore, #tpu.memory_space<semaphore_mem>>
      %dma_start3A_108 = arith.constant 0 : i32
      %dma_start3A_109 = tpu.memref_slice %arg10[%add3A_26, %dma_start3A_108] : memref<10240x128xf32, #tpu.memory_space<vmem_shared>> -> memref<128x128xf32, #tpu.memory_space<vmem_shared>>
      %dma_start3A_110 = arith.constant 0 : i32
      %dma_start3A_111 = tpu.memref_slice %arg10[%add3A_26, %dma_start3A_110] : memref<10240x128xf32, #tpu.memory_space<vmem_shared>> -> memref<128x128xf32, #tpu.memory_space<vmem_shared>>
      tpu.enqueue_dma source(%arg8 : memref<128x128xf32, #tpu.memory_space<vmem>>) target(%dma_start3A_111 : memref<128x128xf32, #tpu.memory_space<vmem_shared>>) target_semaphore(%run_scoped3A_107 : memref<!tpu.dma_semaphore, #tpu.memory_space<semaphore_mem>>)
      %dma_wait3A_112 = arith.constant 0 : i32
      %dma_wait3A_113 = tpu.memref_slice %arg10[%add3A_26, %dma_wait3A_112] : memref<10240x128xf32, #tpu.memory_space<vmem_shared>> -> memref<128x128xf32, #tpu.memory_space<vmem_shared>>
      %dma_wait3A_114 = arith.constant 0 : i32
      %dma_wait3A_115 = tpu.memref_slice %arg10[%add3A_26, %dma_wait3A_114] : memref<10240x128xf32, #tpu.memory_space<vmem_shared>> -> memref<128x128xf32, #tpu.memory_space<vmem_shared>>
      tpu.wait_dma2 semaphore(%run_scoped3A_107 : memref<!tpu.dma_semaphore, #tpu.memory_space<semaphore_mem>>) src(%arg8 : memref<128x128xf32, #tpu.memory_space<vmem>>) dst(%dma_wait3A_115 : memref<128x128xf32, #tpu.memory_space<vmem_shared>>)
      tpu.yield
    }) : () -> ()
    %barrier3A = arith.constant 0 : index
    tpu.barrier barrier_id(%barrier3A)
    %run_scoped3A = arith.constant 0 : i32
    "tpu.region"() ({
      %run_scoped3A_107 = tpu.sem_alloc : memref<!tpu.dma_semaphore, #tpu.memory_space<semaphore_mem>>
      %dma_start3A_108 = arith.constant 0 : i32
      %dma_start3A_109 = arith.constant 0 : i32
      %dma_start3A_110 = tpu.memref_slice %arg3[%add3A, %run_scoped3A, %dma_start3A_108, %dma_start3A_109] : memref<32x2x40x128xi32, #tpu.memory_space<hbm>> -> memref<1x1x40x128xi32, #tpu.memory_space<hbm>>
      %dma_start3A_111 = tpu.memref_squeeze %dma_start3A_110 : memref<1x1x40x128xi32, #tpu.memory_space<hbm>> -> memref<40x128xi32, #tpu.memory_space<hbm>>
      %dma_start3A_112 = arith.constant 0 : i32
      %dma_start3A_113 = arith.constant 0 : i32
      %dma_start3A_114 = tpu.memref_slice %arg3[%add3A, %run_scoped3A, %dma_start3A_112, %dma_start3A_113] : memref<32x2x40x128xi32, #tpu.memory_space<hbm>> -> memref<1x1x40x128xi32, #tpu.memory_space<hbm>>
      %dma_start3A_115 = tpu.memref_squeeze %dma_start3A_114 : memref<1x1x40x128xi32, #tpu.memory_space<hbm>> -> memref<40x128xi32, #tpu.memory_space<hbm>>
      tpu.enqueue_dma source(%dma_start3A_115 : memref<40x128xi32, #tpu.memory_space<hbm>>) target(%arg6 : memref<40x128xi32, #tpu.memory_space<vmem>>) target_semaphore(%run_scoped3A_107 : memref<!tpu.dma_semaphore, #tpu.memory_space<semaphore_mem>>)
      %dma_wait3A_116 = arith.constant 0 : i32
      %dma_wait3A_117 = arith.constant 0 : i32
      %dma_wait3A_118 = tpu.memref_slice %arg3[%add3A, %run_scoped3A, %dma_wait3A_116, %dma_wait3A_117] : memref<32x2x40x128xi32, #tpu.memory_space<hbm>> -> memref<1x1x40x128xi32, #tpu.memory_space<hbm>>
      %dma_wait3A_119 = tpu.memref_squeeze %dma_wait3A_118 : memref<1x1x40x128xi32, #tpu.memory_space<hbm>> -> memref<40x128xi32, #tpu.memory_space<hbm>>
      %dma_wait3A_120 = arith.constant 0 : i32
      %dma_wait3A_121 = arith.constant 0 : i32
      %dma_wait3A_122 = tpu.memref_slice %arg3[%add3A, %run_scoped3A, %dma_wait3A_120, %dma_wait3A_121] : memref<32x2x40x128xi32, #tpu.memory_space<hbm>> -> memref<1x1x40x128xi32, #tpu.memory_space<hbm>>
      %dma_wait3A_123 = tpu.memref_squeeze %dma_wait3A_122 : memref<1x1x40x128xi32, #tpu.memory_space<hbm>> -> memref<40x128xi32, #tpu.memory_space<hbm>>
      tpu.wait_dma2 semaphore(%run_scoped3A_107 : memref<!tpu.dma_semaphore, #tpu.memory_space<semaphore_mem>>) src(%dma_wait3A_123 : memref<40x128xi32, #tpu.memory_space<hbm>>) dst(%arg6 : memref<40x128xi32, #tpu.memory_space<vmem>>)
      tpu.yield
    }) : () -> ()
    %run_scoped3A_27 = arith.constant 0 : i32
    "tpu.region"() ({
      %run_scoped3A_107 = tpu.sem_alloc : memref<!tpu.dma_semaphore, #tpu.memory_space<semaphore_mem>>
      %dma_start3A_108 = arith.constant 0 : i32
      %dma_start3A_109 = arith.constant 0 : i32
      %dma_start3A_110 = tpu.memref_slice %arg4[%add3A, %run_scoped3A_27, %dma_start3A_108, %dma_start3A_109] : memref<32x2x40x128xi32, #tpu.memory_space<hbm>> -> memref<1x1x40x128xi32, #tpu.memory_space<hbm>>
      %dma_start3A_111 = tpu.memref_squeeze %dma_start3A_110 : memref<1x1x40x128xi32, #tpu.memory_space<hbm>> -> memref<40x128xi32, #tpu.memory_space<hbm>>
      %dma_start3A_112 = arith.constant 0 : i32
      %dma_start3A_113 = arith.constant 0 : i32
      %dma_start3A_114 = tpu.memref_slice %arg4[%add3A, %run_scoped3A_27, %dma_start3A_112, %dma_start3A_113] : memref<32x2x40x128xi32, #tpu.memory_space<hbm>> -> memref<1x1x40x128xi32, #tpu.memory_space<hbm>>
      %dma_start3A_115 = tpu.memref_squeeze %dma_start3A_114 : memref<1x1x40x128xi32, #tpu.memory_space<hbm>> -> memref<40x128xi32, #tpu.memory_space<hbm>>
      tpu.enqueue_dma source(%dma_start3A_115 : memref<40x128xi32, #tpu.memory_space<hbm>>) target(%arg7 : memref<40x128xi32, #tpu.memory_space<vmem>>) target_semaphore(%run_scoped3A_107 : memref<!tpu.dma_semaphore, #tpu.memory_space<semaphore_mem>>)
      %dma_wait3A_116 = arith.constant 0 : i32
      %dma_wait3A_117 = arith.constant 0 : i32
      %dma_wait3A_118 = tpu.memref_slice %arg4[%add3A, %run_scoped3A_27, %dma_wait3A_116, %dma_wait3A_117] : memref<32x2x40x128xi32, #tpu.memory_space<hbm>> -> memref<1x1x40x128xi32, #tpu.memory_space<hbm>>
      %dma_wait3A_119 = tpu.memref_squeeze %dma_wait3A_118 : memref<1x1x40x128xi32, #tpu.memory_space<hbm>> -> memref<40x128xi32, #tpu.memory_space<hbm>>
      %dma_wait3A_120 = arith.constant 0 : i32
      %dma_wait3A_121 = arith.constant 0 : i32
      %dma_wait3A_122 = tpu.memref_slice %arg4[%add3A, %run_scoped3A_27, %dma_wait3A_120, %dma_wait3A_121] : memref<32x2x40x128xi32, #tpu.memory_space<hbm>> -> memref<1x1x40x128xi32, #tpu.memory_space<hbm>>
      %dma_wait3A_123 = tpu.memref_squeeze %dma_wait3A_122 : memref<1x1x40x128xi32, #tpu.memory_space<hbm>> -> memref<40x128xi32, #tpu.memory_space<hbm>>
      tpu.wait_dma2 semaphore(%run_scoped3A_107 : memref<!tpu.dma_semaphore, #tpu.memory_space<semaphore_mem>>) src(%dma_wait3A_123 : memref<40x128xi32, #tpu.memory_space<hbm>>) dst(%arg7 : memref<40x128xi32, #tpu.memory_space<vmem>>)
      tpu.yield
    }) : () -> ()
    %dma_start3A = arith.constant 0 : i32
    %dma_start3A_28 = arith.constant 0 : i32
    %dma_start3A_29 = tpu.memref_slice %arg6[%dma_start3A, %dma_start3A_28] : memref<40x128xi32, #tpu.memory_space<vmem>> -> memref<1x128xi32, #tpu.memory_space<vmem>>
    %dma_start3A_30 = tpu.memref_squeeze %dma_start3A_29 : memref<1x128xi32, #tpu.memory_space<vmem>> -> memref<128xi32, #tpu.memory_space<vmem>>
    %dma_start3A_31 = arith.constant 0 : i32
    %dma_start3A_32 = arith.constant 0 : i32
    %dma_start3A_33 = tpu.memref_slice %arg2[%dma_start3A_31, %dma_start3A_32] : memref<10240x128xf32, #tpu.memory_space<hbm>> -> memref<10240x128xf32, #tpu.memory_space<hbm>>
    tpu.enqueue_indirect_dma source(%dma_start3A_33 : memref<10240x128xf32, #tpu.memory_space<hbm>>) target(%arg8 : memref<128x128xf32, #tpu.memory_space<vmem>>) offsets(%dma_start3A_30 : memref<128xi32, #tpu.memory_space<vmem>>) semaphore(%arg11 : memref<!tpu.dma_semaphore, #tpu.memory_space<semaphore_mem>>)
    %scan3A_34 = arith.constant 0 : i32
    %scan3A_35 = arith.constant 0 : i32
    %scan3A_36 = arith.constant 19 : i32
    %scan3A_37 = arith.addi %scan3A_35, %scan3A_36 : i32
    %scan3A_38 = arith.constant 1 : i32
    %scan3A_39 = scf.for %scan3A_107 = %scan3A_35 to %scan3A_37 step %scan3A_38 iter_args(%scan3A_108 = %scan3A_34) -> (i32)  : i32 {
      %mul3A_109 = arith.constant 2 : i32
      %mul3A_110 = arith.muli %mul3A_109, %scan3A_107 : i32
      %add3A_111 = arith.constant 1 : i32
      %add3A_112 = arith.addi %mul3A_110, %add3A_111 : i32
      %dma_start3A_113 = arith.constant 0 : i32
      %dma_start3A_114 = tpu.memref_slice %arg6[%add3A_112, %dma_start3A_113] : memref<40x128xi32, #tpu.memory_space<vmem>> -> memref<1x128xi32, #tpu.memory_space<vmem>>
      %dma_start3A_115 = tpu.memref_squeeze %dma_start3A_114 : memref<1x128xi32, #tpu.memory_space<vmem>> -> memref<128xi32, #tpu.memory_space<vmem>>
      %dma_start3A_116 = arith.constant 0 : i32
      %dma_start3A_117 = arith.constant 0 : i32
      %dma_start3A_118 = tpu.memref_slice %arg2[%dma_start3A_116, %dma_start3A_117] : memref<10240x128xf32, #tpu.memory_space<hbm>> -> memref<10240x128xf32, #tpu.memory_space<hbm>>
      tpu.enqueue_indirect_dma source(%dma_start3A_118 : memref<10240x128xf32, #tpu.memory_space<hbm>>) target(%arg9 : memref<128x128xf32, #tpu.memory_space<vmem>>) offsets(%dma_start3A_115 : memref<128xi32, #tpu.memory_space<vmem>>) semaphore(%arg12 : memref<!tpu.dma_semaphore, #tpu.memory_space<semaphore_mem>>)
      %mul3A_119 = arith.constant 2 : i32
      %mul3A_120 = arith.muli %mul3A_119, %scan3A_107 : i32
      %dma_wait3A_121 = arith.constant 0 : i32
      %dma_wait3A_122 = tpu.memref_slice %arg6[%mul3A_120, %dma_wait3A_121] : memref<40x128xi32, #tpu.memory_space<vmem>> -> memref<1x128xi32, #tpu.memory_space<vmem>>
      %dma_wait3A_123 = tpu.memref_squeeze %dma_wait3A_122 : memref<1x128xi32, #tpu.memory_space<vmem>> -> memref<128xi32, #tpu.memory_space<vmem>>
      %dma_wait3A_124 = arith.constant 0 : i32
      %dma_wait3A_125 = arith.constant 0 : i32
      %dma_wait3A_126 = tpu.memref_slice %arg2[%dma_wait3A_124, %dma_wait3A_125] : memref<10240x128xf32, #tpu.memory_space<hbm>> -> memref<10240x128xf32, #tpu.memory_space<hbm>>
      tpu.wait_indirect_dma semaphore(%arg11 : memref<!tpu.dma_semaphore, #tpu.memory_space<semaphore_mem>>) src(%dma_wait3A_126 : memref<10240x128xf32, #tpu.memory_space<hbm>>) dst(%arg8 : memref<128x128xf32, #tpu.memory_space<vmem>>)
      %mul3A_127 = arith.constant 2 : i32
      %mul3A_128 = arith.muli %mul3A_127, %scan3A_107 : i32
      "tpu.region"() ({
        %run_scoped3A_154 = tpu.sem_alloc : memref<!tpu.dma_semaphore, #tpu.memory_space<semaphore_mem>>
        %dma_start3A_155 = arith.constant 0 : i32
        %dma_start3A_156 = tpu.memref_slice %arg7[%mul3A_128, %dma_start3A_155] : memref<40x128xi32, #tpu.memory_space<vmem>> -> memref<1x128xi32, #tpu.memory_space<vmem>>
        %dma_start3A_157 = tpu.memref_squeeze %dma_start3A_156 : memref<1x128xi32, #tpu.memory_space<vmem>> -> memref<128xi32, #tpu.memory_space<vmem>>
        %dma_start3A_158 = arith.constant 0 : i32
        %dma_start3A_159 = arith.constant 0 : i32
        %dma_start3A_160 = tpu.memref_slice %arg10[%dma_start3A_158, %dma_start3A_159] : memref<10240x128xf32, #tpu.memory_space<vmem_shared>> -> memref<10240x128xf32, #tpu.memory_space<vmem_shared>>
        tpu.enqueue_indirect_dma source(%arg8 : memref<128x128xf32, #tpu.memory_space<vmem>>) target(%dma_start3A_160 : memref<10240x128xf32, #tpu.memory_space<vmem_shared>>) offsets(%dma_start3A_157 : memref<128xi32, #tpu.memory_space<vmem>>) semaphore(%run_scoped3A_154 : memref<!tpu.dma_semaphore, #tpu.memory_space<semaphore_mem>>) {add = true}
        %dma_wait3A_161 = arith.constant 0 : i32
        %dma_wait3A_162 = tpu.memref_slice %arg7[%mul3A_128, %dma_wait3A_161] : memref<40x128xi32, #tpu.memory_space<vmem>> -> memref<1x128xi32, #tpu.memory_space<vmem>>
        %dma_wait3A_163 = tpu.memref_squeeze %dma_wait3A_162 : memref<1x128xi32, #tpu.memory_space<vmem>> -> memref<128xi32, #tpu.memory_space<vmem>>
        %dma_wait3A_164 = arith.constant 0 : i32
        %dma_wait3A_165 = arith.constant 0 : i32
        %dma_wait3A_166 = tpu.memref_slice %arg10[%dma_wait3A_164, %dma_wait3A_165] : memref<10240x128xf32, #tpu.memory_space<vmem_shared>> -> memref<10240x128xf32, #tpu.memory_space<vmem_shared>>
        tpu.wait_indirect_dma semaphore(%run_scoped3A_154 : memref<!tpu.dma_semaphore, #tpu.memory_space<semaphore_mem>>) src(%arg8 : memref<128x128xf32, #tpu.memory_space<vmem>>) dst(%dma_wait3A_166 : memref<10240x128xf32, #tpu.memory_space<vmem_shared>>)
        tpu.yield
      }) : () -> ()
      %mul3A_129 = arith.constant 2 : i32
      %mul3A_130 = arith.muli %mul3A_129, %scan3A_107 : i32
      %add3A_131 = arith.constant 2 : i32
      %add3A_132 = arith.addi %mul3A_130, %add3A_131 : i32
      %dma_start3A_133 = arith.constant 0 : i32
      %dma_start3A_134 = tpu.memref_slice %arg6[%add3A_132, %dma_start3A_133] : memref<40x128xi32, #tpu.memory_space<vmem>> -> memref<1x128xi32, #tpu.memory_space<vmem>>
      %dma_start3A_135 = tpu.memref_squeeze %dma_start3A_134 : memref<1x128xi32, #tpu.memory_space<vmem>> -> memref<128xi32, #tpu.memory_space<vmem>>
      %dma_start3A_136 = arith.constant 0 : i32
      %dma_start3A_137 = arith.constant 0 : i32
      %dma_start3A_138 = tpu.memref_slice %arg2[%dma_start3A_136, %dma_start3A_137] : memref<10240x128xf32, #tpu.memory_space<hbm>> -> memref<10240x128xf32, #tpu.memory_space<hbm>>
      tpu.enqueue_indirect_dma source(%dma_start3A_138 : memref<10240x128xf32, #tpu.memory_space<hbm>>) target(%arg8 : memref<128x128xf32, #tpu.memory_space<vmem>>) offsets(%dma_start3A_135 : memref<128xi32, #tpu.memory_space<vmem>>) semaphore(%arg11 : memref<!tpu.dma_semaphore, #tpu.memory_space<semaphore_mem>>)
      %mul3A_139 = arith.constant 2 : i32
      %mul3A_140 = arith.muli %mul3A_139, %scan3A_107 : i32
      %add3A_141 = arith.constant 1 : i32
      %add3A_142 = arith.addi %mul3A_140, %add3A_141 : i32
      %dma_wait3A_143 = arith.constant 0 : i32
      %dma_wait3A_144 = tpu.memref_slice %arg6[%add3A_142, %dma_wait3A_143] : memref<40x128xi32, #tpu.memory_space<vmem>> -> memref<1x128xi32, #tpu.memory_space<vmem>>
      %dma_wait3A_145 = tpu.memref_squeeze %dma_wait3A_144 : memref<1x128xi32, #tpu.memory_space<vmem>> -> memref<128xi32, #tpu.memory_space<vmem>>
      %dma_wait3A_146 = arith.constant 0 : i32
      %dma_wait3A_147 = arith.constant 0 : i32
      %dma_wait3A_148 = tpu.memref_slice %arg2[%dma_wait3A_146, %dma_wait3A_147] : memref<10240x128xf32, #tpu.memory_space<hbm>> -> memref<10240x128xf32, #tpu.memory_space<hbm>>
      tpu.wait_indirect_dma semaphore(%arg12 : memref<!tpu.dma_semaphore, #tpu.memory_space<semaphore_mem>>) src(%dma_wait3A_148 : memref<10240x128xf32, #tpu.memory_space<hbm>>) dst(%arg9 : memref<128x128xf32, #tpu.memory_space<vmem>>)
      %mul3A_149 = arith.constant 2 : i32
      %mul3A_150 = arith.muli %mul3A_149, %scan3A_107 : i32
      %add3A_151 = arith.constant 1 : i32
      %add3A_152 = arith.addi %mul3A_150, %add3A_151 : i32
      "tpu.region"() ({
        %run_scoped3A_154 = tpu.sem_alloc : memref<!tpu.dma_semaphore, #tpu.memory_space<semaphore_mem>>
        %dma_start3A_155 = arith.constant 0 : i32
        %dma_start3A_156 = tpu.memref_slice %arg7[%add3A_152, %dma_start3A_155] : memref<40x128xi32, #tpu.memory_space<vmem>> -> memref<1x128xi32, #tpu.memory_space<vmem>>
        %dma_start3A_157 = tpu.memref_squeeze %dma_start3A_156 : memref<1x128xi32, #tpu.memory_space<vmem>> -> memref<128xi32, #tpu.memory_space<vmem>>
        %dma_start3A_158 = arith.constant 0 : i32
        %dma_start3A_159 = arith.constant 0 : i32
        %dma_start3A_160 = tpu.memref_slice %arg10[%dma_start3A_158, %dma_start3A_159] : memref<10240x128xf32, #tpu.memory_space<vmem_shared>> -> memref<10240x128xf32, #tpu.memory_space<vmem_shared>>
        tpu.enqueue_indirect_dma source(%arg9 : memref<128x128xf32, #tpu.memory_space<vmem>>) target(%dma_start3A_160 : memref<10240x128xf32, #tpu.memory_space<vmem_shared>>) offsets(%dma_start3A_157 : memref<128xi32, #tpu.memory_space<vmem>>) semaphore(%run_scoped3A_154 : memref<!tpu.dma_semaphore, #tpu.memory_space<semaphore_mem>>) {add = true}
        %dma_wait3A_161 = arith.constant 0 : i32
        %dma_wait3A_162 = tpu.memref_slice %arg7[%add3A_152, %dma_wait3A_161] : memref<40x128xi32, #tpu.memory_space<vmem>> -> memref<1x128xi32, #tpu.memory_space<vmem>>
        %dma_wait3A_163 = tpu.memref_squeeze %dma_wait3A_162 : memref<1x128xi32, #tpu.memory_space<vmem>> -> memref<128xi32, #tpu.memory_space<vmem>>
        %dma_wait3A_164 = arith.constant 0 : i32
        %dma_wait3A_165 = arith.constant 0 : i32
        %dma_wait3A_166 = tpu.memref_slice %arg10[%dma_wait3A_164, %dma_wait3A_165] : memref<10240x128xf32, #tpu.memory_space<vmem_shared>> -> memref<10240x128xf32, #tpu.memory_space<vmem_shared>>
        tpu.wait_indirect_dma semaphore(%run_scoped3A_154 : memref<!tpu.dma_semaphore, #tpu.memory_space<semaphore_mem>>) src(%arg9 : memref<128x128xf32, #tpu.memory_space<vmem>>) dst(%dma_wait3A_166 : memref<10240x128xf32, #tpu.memory_space<vmem_shared>>)
        tpu.yield
      }) : () -> ()
      %scan3A_153 = arith.constant 0 : i32
      scf.yield %scan3A_153 : i32
    }
    %scan3A_40 = arith.constant 19 : i32
    %dma_start3A_41 = arith.constant 39 : i32
    %dma_start3A_42 = arith.constant 0 : i32
    %dma_start3A_43 = tpu.memref_slice %arg6[%dma_start3A_41, %dma_start3A_42] : memref<40x128xi32, #tpu.memory_space<vmem>> -> memref<1x128xi32, #tpu.memory_space<vmem>>
    %dma_start3A_44 = tpu.memref_squeeze %dma_start3A_43 : memref<1x128xi32, #tpu.memory_space<vmem>> -> memref<128xi32, #tpu.memory_space<vmem>>
    %dma_start3A_45 = arith.constant 0 : i32
    %dma_start3A_46 = arith.constant 0 : i32
    %dma_start3A_47 = tpu.memref_slice %arg2[%dma_start3A_45, %dma_start3A_46] : memref<10240x128xf32, #tpu.memory_space<hbm>> -> memref<10240x128xf32, #tpu.memory_space<hbm>>
    tpu.enqueue_indirect_dma source(%dma_start3A_47 : memref<10240x128xf32, #tpu.memory_space<hbm>>) target(%arg9 : memref<128x128xf32, #tpu.memory_space<vmem>>) offsets(%dma_start3A_44 : memref<128xi32, #tpu.memory_space<vmem>>) semaphore(%arg12 : memref<!tpu.dma_semaphore, #tpu.memory_space<semaphore_mem>>)
    %dma_wait3A = arith.constant 38 : i32
    %dma_wait3A_48 = arith.constant 0 : i32
    %dma_wait3A_49 = tpu.memref_slice %arg6[%dma_wait3A, %dma_wait3A_48] : memref<40x128xi32, #tpu.memory_space<vmem>> -> memref<1x128xi32, #tpu.memory_space<vmem>>
    %dma_wait3A_50 = tpu.memref_squeeze %dma_wait3A_49 : memref<1x128xi32, #tpu.memory_space<vmem>> -> memref<128xi32, #tpu.memory_space<vmem>>
    %dma_wait3A_51 = arith.constant 0 : i32
    %dma_wait3A_52 = arith.constant 0 : i32
    %dma_wait3A_53 = tpu.memref_slice %arg2[%dma_wait3A_51, %dma_wait3A_52] : memref<10240x128xf32, #tpu.memory_space<hbm>> -> memref<10240x128xf32, #tpu.memory_space<hbm>>
    tpu.wait_indirect_dma semaphore(%arg11 : memref<!tpu.dma_semaphore, #tpu.memory_space<semaphore_mem>>) src(%dma_wait3A_53 : memref<10240x128xf32, #tpu.memory_space<hbm>>) dst(%arg8 : memref<128x128xf32, #tpu.memory_space<vmem>>)
    %run_scoped3A_54 = arith.constant 38 : i32
    "tpu.region"() ({
      %run_scoped3A_107 = tpu.sem_alloc : memref<!tpu.dma_semaphore, #tpu.memory_space<semaphore_mem>>
      %dma_start3A_108 = arith.constant 0 : i32
      %dma_start3A_109 = tpu.memref_slice %arg7[%run_scoped3A_54, %dma_start3A_108] : memref<40x128xi32, #tpu.memory_space<vmem>> -> memref<1x128xi32, #tpu.memory_space<vmem>>
      %dma_start3A_110 = tpu.memref_squeeze %dma_start3A_109 : memref<1x128xi32, #tpu.memory_space<vmem>> -> memref<128xi32, #tpu.memory_space<vmem>>
      %dma_start3A_111 = arith.constant 0 : i32
      %dma_start3A_112 = arith.constant 0 : i32
      %dma_start3A_113 = tpu.memref_slice %arg10[%dma_start3A_111, %dma_start3A_112] : memref<10240x128xf32, #tpu.memory_space<vmem_shared>> -> memref<10240x128xf32, #tpu.memory_space<vmem_shared>>
      tpu.enqueue_indirect_dma source(%arg8 : memref<128x128xf32, #tpu.memory_space<vmem>>) target(%dma_start3A_113 : memref<10240x128xf32, #tpu.memory_space<vmem_shared>>) offsets(%dma_start3A_110 : memref<128xi32, #tpu.memory_space<vmem>>) semaphore(%run_scoped3A_107 : memref<!tpu.dma_semaphore, #tpu.memory_space<semaphore_mem>>) {add = true}
      %dma_wait3A_114 = arith.constant 0 : i32
      %dma_wait3A_115 = tpu.memref_slice %arg7[%run_scoped3A_54, %dma_wait3A_114] : memref<40x128xi32, #tpu.memory_space<vmem>> -> memref<1x128xi32, #tpu.memory_space<vmem>>
      %dma_wait3A_116 = tpu.memref_squeeze %dma_wait3A_115 : memref<1x128xi32, #tpu.memory_space<vmem>> -> memref<128xi32, #tpu.memory_space<vmem>>
      %dma_wait3A_117 = arith.constant 0 : i32
      %dma_wait3A_118 = arith.constant 0 : i32
      %dma_wait3A_119 = tpu.memref_slice %arg10[%dma_wait3A_117, %dma_wait3A_118] : memref<10240x128xf32, #tpu.memory_space<vmem_shared>> -> memref<10240x128xf32, #tpu.memory_space<vmem_shared>>
      tpu.wait_indirect_dma semaphore(%run_scoped3A_107 : memref<!tpu.dma_semaphore, #tpu.memory_space<semaphore_mem>>) src(%arg8 : memref<128x128xf32, #tpu.memory_space<vmem>>) dst(%dma_wait3A_119 : memref<10240x128xf32, #tpu.memory_space<vmem_shared>>)
      tpu.yield
    }) : () -> ()
    %dma_wait3A_55 = arith.constant 39 : i32
    %dma_wait3A_56 = arith.constant 0 : i32
    %dma_wait3A_57 = tpu.memref_slice %arg6[%dma_wait3A_55, %dma_wait3A_56] : memref<40x128xi32, #tpu.memory_space<vmem>> -> memref<1x128xi32, #tpu.memory_space<vmem>>
    %dma_wait3A_58 = tpu.memref_squeeze %dma_wait3A_57 : memref<1x128xi32, #tpu.memory_space<vmem>> -> memref<128xi32, #tpu.memory_space<vmem>>
    %dma_wait3A_59 = arith.constant 0 : i32
    %dma_wait3A_60 = arith.constant 0 : i32
    %dma_wait3A_61 = tpu.memref_slice %arg2[%dma_wait3A_59, %dma_wait3A_60] : memref<10240x128xf32, #tpu.memory_space<hbm>> -> memref<10240x128xf32, #tpu.memory_space<hbm>>
    tpu.wait_indirect_dma semaphore(%arg12 : memref<!tpu.dma_semaphore, #tpu.memory_space<semaphore_mem>>) src(%dma_wait3A_61 : memref<10240x128xf32, #tpu.memory_space<hbm>>) dst(%arg9 : memref<128x128xf32, #tpu.memory_space<vmem>>)
    %run_scoped3A_62 = arith.constant 39 : i32
    "tpu.region"() ({
      %run_scoped3A_107 = tpu.sem_alloc : memref<!tpu.dma_semaphore, #tpu.memory_space<semaphore_mem>>
      %dma_start3A_108 = arith.constant 0 : i32
      %dma_start3A_109 = tpu.memref_slice %arg7[%run_scoped3A_62, %dma_start3A_108] : memref<40x128xi32, #tpu.memory_space<vmem>> -> memref<1x128xi32, #tpu.memory_space<vmem>>
      %dma_start3A_110 = tpu.memref_squeeze %dma_start3A_109 : memref<1x128xi32, #tpu.memory_space<vmem>> -> memref<128xi32, #tpu.memory_space<vmem>>
      %dma_start3A_111 = arith.constant 0 : i32
      %dma_start3A_112 = arith.constant 0 : i32
      %dma_start3A_113 = tpu.memref_slice %arg10[%dma_start3A_111, %dma_start3A_112] : memref<10240x128xf32, #tpu.memory_space<vmem_shared>> -> memref<10240x128xf32, #tpu.memory_space<vmem_shared>>
      tpu.enqueue_indirect_dma source(%arg9 : memref<128x128xf32, #tpu.memory_space<vmem>>) target(%dma_start3A_113 : memref<10240x128xf32, #tpu.memory_space<vmem_shared>>) offsets(%dma_start3A_110 : memref<128xi32, #tpu.memory_space<vmem>>) semaphore(%run_scoped3A_107 : memref<!tpu.dma_semaphore, #tpu.memory_space<semaphore_mem>>) {add = true}
      %dma_wait3A_114 = arith.constant 0 : i32
      %dma_wait3A_115 = tpu.memref_slice %arg7[%run_scoped3A_62, %dma_wait3A_114] : memref<40x128xi32, #tpu.memory_space<vmem>> -> memref<1x128xi32, #tpu.memory_space<vmem>>
      %dma_wait3A_116 = tpu.memref_squeeze %dma_wait3A_115 : memref<1x128xi32, #tpu.memory_space<vmem>> -> memref<128xi32, #tpu.memory_space<vmem>>
      %dma_wait3A_117 = arith.constant 0 : i32
      %dma_wait3A_118 = arith.constant 0 : i32
      %dma_wait3A_119 = tpu.memref_slice %arg10[%dma_wait3A_117, %dma_wait3A_118] : memref<10240x128xf32, #tpu.memory_space<vmem_shared>> -> memref<10240x128xf32, #tpu.memory_space<vmem_shared>>
      tpu.wait_indirect_dma semaphore(%run_scoped3A_107 : memref<!tpu.dma_semaphore, #tpu.memory_space<semaphore_mem>>) src(%arg9 : memref<128x128xf32, #tpu.memory_space<vmem>>) dst(%dma_wait3A_119 : memref<10240x128xf32, #tpu.memory_space<vmem_shared>>)
      tpu.yield
    }) : () -> ()
    %run_scoped3A_63 = arith.constant 1 : i32
    "tpu.region"() ({
      %run_scoped3A_107 = tpu.sem_alloc : memref<!tpu.dma_semaphore, #tpu.memory_space<semaphore_mem>>
      %dma_start3A_108 = arith.constant 0 : i32
      %dma_start3A_109 = arith.constant 0 : i32
      %dma_start3A_110 = tpu.memref_slice %arg3[%add3A, %run_scoped3A_63, %dma_start3A_108, %dma_start3A_109] : memref<32x2x40x128xi32, #tpu.memory_space<hbm>> -> memref<1x1x40x128xi32, #tpu.memory_space<hbm>>
      %dma_start3A_111 = tpu.memref_squeeze %dma_start3A_110 : memref<1x1x40x128xi32, #tpu.memory_space<hbm>> -> memref<40x128xi32, #tpu.memory_space<hbm>>
      %dma_start3A_112 = arith.constant 0 : i32
      %dma_start3A_113 = arith.constant 0 : i32
      %dma_start3A_114 = tpu.memref_slice %arg3[%add3A, %run_scoped3A_63, %dma_start3A_112, %dma_start3A_113] : memref<32x2x40x128xi32, #tpu.memory_space<hbm>> -> memref<1x1x40x128xi32, #tpu.memory_space<hbm>>
      %dma_start3A_115 = tpu.memref_squeeze %dma_start3A_114 : memref<1x1x40x128xi32, #tpu.memory_space<hbm>> -> memref<40x128xi32, #tpu.memory_space<hbm>>
      tpu.enqueue_dma source(%dma_start3A_115 : memref<40x128xi32, #tpu.memory_space<hbm>>) target(%arg6 : memref<40x128xi32, #tpu.memory_space<vmem>>) target_semaphore(%run_scoped3A_107 : memref<!tpu.dma_semaphore, #tpu.memory_space<semaphore_mem>>)
      %dma_wait3A_116 = arith.constant 0 : i32
      %dma_wait3A_117 = arith.constant 0 : i32
      %dma_wait3A_118 = tpu.memref_slice %arg3[%add3A, %run_scoped3A_63, %dma_wait3A_116, %dma_wait3A_117] : memref<32x2x40x128xi32, #tpu.memory_space<hbm>> -> memref<1x1x40x128xi32, #tpu.memory_space<hbm>>
      %dma_wait3A_119 = tpu.memref_squeeze %dma_wait3A_118 : memref<1x1x40x128xi32, #tpu.memory_space<hbm>> -> memref<40x128xi32, #tpu.memory_space<hbm>>
      %dma_wait3A_120 = arith.constant 0 : i32
      %dma_wait3A_121 = arith.constant 0 : i32
      %dma_wait3A_122 = tpu.memref_slice %arg3[%add3A, %run_scoped3A_63, %dma_wait3A_120, %dma_wait3A_121] : memref<32x2x40x128xi32, #tpu.memory_space<hbm>> -> memref<1x1x40x128xi32, #tpu.memory_space<hbm>>
      %dma_wait3A_123 = tpu.memref_squeeze %dma_wait3A_122 : memref<1x1x40x128xi32, #tpu.memory_space<hbm>> -> memref<40x128xi32, #tpu.memory_space<hbm>>
      tpu.wait_dma2 semaphore(%run_scoped3A_107 : memref<!tpu.dma_semaphore, #tpu.memory_space<semaphore_mem>>) src(%dma_wait3A_123 : memref<40x128xi32, #tpu.memory_space<hbm>>) dst(%arg6 : memref<40x128xi32, #tpu.memory_space<vmem>>)
      tpu.yield
    }) : () -> ()
    %run_scoped3A_64 = arith.constant 1 : i32
    "tpu.region"() ({
      %run_scoped3A_107 = tpu.sem_alloc : memref<!tpu.dma_semaphore, #tpu.memory_space<semaphore_mem>>
      %dma_start3A_108 = arith.constant 0 : i32
      %dma_start3A_109 = arith.constant 0 : i32
      %dma_start3A_110 = tpu.memref_slice %arg4[%add3A, %run_scoped3A_64, %dma_start3A_108, %dma_start3A_109] : memref<32x2x40x128xi32, #tpu.memory_space<hbm>> -> memref<1x1x40x128xi32, #tpu.memory_space<hbm>>
      %dma_start3A_111 = tpu.memref_squeeze %dma_start3A_110 : memref<1x1x40x128xi32, #tpu.memory_space<hbm>> -> memref<40x128xi32, #tpu.memory_space<hbm>>
      %dma_start3A_112 = arith.constant 0 : i32
      %dma_start3A_113 = arith.constant 0 : i32
      %dma_start3A_114 = tpu.memref_slice %arg4[%add3A, %run_scoped3A_64, %dma_start3A_112, %dma_start3A_113] : memref<32x2x40x128xi32, #tpu.memory_space<hbm>> -> memref<1x1x40x128xi32, #tpu.memory_space<hbm>>
      %dma_start3A_115 = tpu.memref_squeeze %dma_start3A_114 : memref<1x1x40x128xi32, #tpu.memory_space<hbm>> -> memref<40x128xi32, #tpu.memory_space<hbm>>
      tpu.enqueue_dma source(%dma_start3A_115 : memref<40x128xi32, #tpu.memory_space<hbm>>) target(%arg7 : memref<40x128xi32, #tpu.memory_space<vmem>>) target_semaphore(%run_scoped3A_107 : memref<!tpu.dma_semaphore, #tpu.memory_space<semaphore_mem>>)
      %dma_wait3A_116 = arith.constant 0 : i32
      %dma_wait3A_117 = arith.constant 0 : i32
      %dma_wait3A_118 = tpu.memref_slice %arg4[%add3A, %run_scoped3A_64, %dma_wait3A_116, %dma_wait3A_117] : memref<32x2x40x128xi32, #tpu.memory_space<hbm>> -> memref<1x1x40x128xi32, #tpu.memory_space<hbm>>
      %dma_wait3A_119 = tpu.memref_squeeze %dma_wait3A_118 : memref<1x1x40x128xi32, #tpu.memory_space<hbm>> -> memref<40x128xi32, #tpu.memory_space<hbm>>
      %dma_wait3A_120 = arith.constant 0 : i32
      %dma_wait3A_121 = arith.constant 0 : i32
      %dma_wait3A_122 = tpu.memref_slice %arg4[%add3A, %run_scoped3A_64, %dma_wait3A_120, %dma_wait3A_121] : memref<32x2x40x128xi32, #tpu.memory_space<hbm>> -> memref<1x1x40x128xi32, #tpu.memory_space<hbm>>
      %dma_wait3A_123 = tpu.memref_squeeze %dma_wait3A_122 : memref<1x1x40x128xi32, #tpu.memory_space<hbm>> -> memref<40x128xi32, #tpu.memory_space<hbm>>
      tpu.wait_dma2 semaphore(%run_scoped3A_107 : memref<!tpu.dma_semaphore, #tpu.memory_space<semaphore_mem>>) src(%dma_wait3A_123 : memref<40x128xi32, #tpu.memory_space<hbm>>) dst(%arg7 : memref<40x128xi32, #tpu.memory_space<vmem>>)
      tpu.yield
    }) : () -> ()
    %dma_start3A_65 = arith.constant 0 : i32
    %dma_start3A_66 = arith.constant 0 : i32
    %dma_start3A_67 = tpu.memref_slice %arg6[%dma_start3A_65, %dma_start3A_66] : memref<40x128xi32, #tpu.memory_space<vmem>> -> memref<1x128xi32, #tpu.memory_space<vmem>>
    %dma_start3A_68 = tpu.memref_squeeze %dma_start3A_67 : memref<1x128xi32, #tpu.memory_space<vmem>> -> memref<128xi32, #tpu.memory_space<vmem>>
    %dma_start3A_69 = arith.constant 0 : i32
    %dma_start3A_70 = arith.constant 0 : i32
    %dma_start3A_71 = tpu.memref_slice %arg2[%dma_start3A_69, %dma_start3A_70] : memref<10240x128xf32, #tpu.memory_space<hbm>> -> memref<10240x128xf32, #tpu.memory_space<hbm>>
    tpu.enqueue_indirect_dma source(%dma_start3A_71 : memref<10240x128xf32, #tpu.memory_space<hbm>>) target(%arg8 : memref<128x128xf32, #tpu.memory_space<vmem>>) offsets(%dma_start3A_68 : memref<128xi32, #tpu.memory_space<vmem>>) semaphore(%arg11 : memref<!tpu.dma_semaphore, #tpu.memory_space<semaphore_mem>>)
    %scan3A_72 = arith.constant 0 : i32
    %scan3A_73 = arith.constant 0 : i32
    %scan3A_74 = arith.constant 19 : i32
    %scan3A_75 = arith.addi %scan3A_73, %scan3A_74 : i32
    %scan3A_76 = arith.constant 1 : i32
    %scan3A_77 = scf.for %scan3A_107 = %scan3A_73 to %scan3A_75 step %scan3A_76 iter_args(%scan3A_108 = %scan3A_72) -> (i32)  : i32 {
      %mul3A_109 = arith.constant 2 : i32
      %mul3A_110 = arith.muli %mul3A_109, %scan3A_107 : i32
      %add3A_111 = arith.constant 1 : i32
      %add3A_112 = arith.addi %mul3A_110, %add3A_111 : i32
      %dma_start3A_113 = arith.constant 0 : i32
      %dma_start3A_114 = tpu.memref_slice %arg6[%add3A_112, %dma_start3A_113] : memref<40x128xi32, #tpu.memory_space<vmem>> -> memref<1x128xi32, #tpu.memory_space<vmem>>
      %dma_start3A_115 = tpu.memref_squeeze %dma_start3A_114 : memref<1x128xi32, #tpu.memory_space<vmem>> -> memref<128xi32, #tpu.memory_space<vmem>>
      %dma_start3A_116 = arith.constant 0 : i32
      %dma_start3A_117 = arith.constant 0 : i32
      %dma_start3A_118 = tpu.memref_slice %arg2[%dma_start3A_116, %dma_start3A_117] : memref<10240x128xf32, #tpu.memory_space<hbm>> -> memref<10240x128xf32, #tpu.memory_space<hbm>>
      tpu.enqueue_indirect_dma source(%dma_start3A_118 : memref<10240x128xf32, #tpu.memory_space<hbm>>) target(%arg9 : memref<128x128xf32, #tpu.memory_space<vmem>>) offsets(%dma_start3A_115 : memref<128xi32, #tpu.memory_space<vmem>>) semaphore(%arg12 : memref<!tpu.dma_semaphore, #tpu.memory_space<semaphore_mem>>)
      %mul3A_119 = arith.constant 2 : i32
      %mul3A_120 = arith.muli %mul3A_119, %scan3A_107 : i32
      %dma_wait3A_121 = arith.constant 0 : i32
      %dma_wait3A_122 = tpu.memref_slice %arg6[%mul3A_120, %dma_wait3A_121] : memref<40x128xi32, #tpu.memory_space<vmem>> -> memref<1x128xi32, #tpu.memory_space<vmem>>
      %dma_wait3A_123 = tpu.memref_squeeze %dma_wait3A_122 : memref<1x128xi32, #tpu.memory_space<vmem>> -> memref<128xi32, #tpu.memory_space<vmem>>
      %dma_wait3A_124 = arith.constant 0 : i32
      %dma_wait3A_125 = arith.constant 0 : i32
      %dma_wait3A_126 = tpu.memref_slice %arg2[%dma_wait3A_124, %dma_wait3A_125] : memref<10240x128xf32, #tpu.memory_space<hbm>> -> memref<10240x128xf32, #tpu.memory_space<hbm>>
      tpu.wait_indirect_dma semaphore(%arg11 : memref<!tpu.dma_semaphore, #tpu.memory_space<semaphore_mem>>) src(%dma_wait3A_126 : memref<10240x128xf32, #tpu.memory_space<hbm>>) dst(%arg8 : memref<128x128xf32, #tpu.memory_space<vmem>>)
      %mul3A_127 = arith.constant 2 : i32
      %mul3A_128 = arith.muli %mul3A_127, %scan3A_107 : i32
      "tpu.region"() ({
        %run_scoped3A_154 = tpu.sem_alloc : memref<!tpu.dma_semaphore, #tpu.memory_space<semaphore_mem>>
        %dma_start3A_155 = arith.constant 0 : i32
        %dma_start3A_156 = tpu.memref_slice %arg7[%mul3A_128, %dma_start3A_155] : memref<40x128xi32, #tpu.memory_space<vmem>> -> memref<1x128xi32, #tpu.memory_space<vmem>>
        %dma_start3A_157 = tpu.memref_squeeze %dma_start3A_156 : memref<1x128xi32, #tpu.memory_space<vmem>> -> memref<128xi32, #tpu.memory_space<vmem>>
        %dma_start3A_158 = arith.constant 0 : i32
        %dma_start3A_159 = arith.constant 0 : i32
        %dma_start3A_160 = tpu.memref_slice %arg10[%dma_start3A_158, %dma_start3A_159] : memref<10240x128xf32, #tpu.memory_space<vmem_shared>> -> memref<10240x128xf32, #tpu.memory_space<vmem_shared>>
        tpu.enqueue_indirect_dma source(%arg8 : memref<128x128xf32, #tpu.memory_space<vmem>>) target(%dma_start3A_160 : memref<10240x128xf32, #tpu.memory_space<vmem_shared>>) offsets(%dma_start3A_157 : memref<128xi32, #tpu.memory_space<vmem>>) semaphore(%run_scoped3A_154 : memref<!tpu.dma_semaphore, #tpu.memory_space<semaphore_mem>>) {add = true}
        %dma_wait3A_161 = arith.constant 0 : i32
        %dma_wait3A_162 = tpu.memref_slice %arg7[%mul3A_128, %dma_wait3A_161] : memref<40x128xi32, #tpu.memory_space<vmem>> -> memref<1x128xi32, #tpu.memory_space<vmem>>
        %dma_wait3A_163 = tpu.memref_squeeze %dma_wait3A_162 : memref<1x128xi32, #tpu.memory_space<vmem>> -> memref<128xi32, #tpu.memory_space<vmem>>
        %dma_wait3A_164 = arith.constant 0 : i32
        %dma_wait3A_165 = arith.constant 0 : i32
        %dma_wait3A_166 = tpu.memref_slice %arg10[%dma_wait3A_164, %dma_wait3A_165] : memref<10240x128xf32, #tpu.memory_space<vmem_shared>> -> memref<10240x128xf32, #tpu.memory_space<vmem_shared>>
        tpu.wait_indirect_dma semaphore(%run_scoped3A_154 : memref<!tpu.dma_semaphore, #tpu.memory_space<semaphore_mem>>) src(%arg8 : memref<128x128xf32, #tpu.memory_space<vmem>>) dst(%dma_wait3A_166 : memref<10240x128xf32, #tpu.memory_space<vmem_shared>>)
        tpu.yield
      }) : () -> ()
      %mul3A_129 = arith.constant 2 : i32
      %mul3A_130 = arith.muli %mul3A_129, %scan3A_107 : i32
      %add3A_131 = arith.constant 2 : i32
      %add3A_132 = arith.addi %mul3A_130, %add3A_131 : i32
      %dma_start3A_133 = arith.constant 0 : i32
      %dma_start3A_134 = tpu.memref_slice %arg6[%add3A_132, %dma_start3A_133] : memref<40x128xi32, #tpu.memory_space<vmem>> -> memref<1x128xi32, #tpu.memory_space<vmem>>
      %dma_start3A_135 = tpu.memref_squeeze %dma_start3A_134 : memref<1x128xi32, #tpu.memory_space<vmem>> -> memref<128xi32, #tpu.memory_space<vmem>>
      %dma_start3A_136 = arith.constant 0 : i32
      %dma_start3A_137 = arith.constant 0 : i32
      %dma_start3A_138 = tpu.memref_slice %arg2[%dma_start3A_136, %dma_start3A_137] : memref<10240x128xf32, #tpu.memory_space<hbm>> -> memref<10240x128xf32, #tpu.memory_space<hbm>>
      tpu.enqueue_indirect_dma source(%dma_start3A_138 : memref<10240x128xf32, #tpu.memory_space<hbm>>) target(%arg8 : memref<128x128xf32, #tpu.memory_space<vmem>>) offsets(%dma_start3A_135 : memref<128xi32, #tpu.memory_space<vmem>>) semaphore(%arg11 : memref<!tpu.dma_semaphore, #tpu.memory_space<semaphore_mem>>)
      %mul3A_139 = arith.constant 2 : i32
      %mul3A_140 = arith.muli %mul3A_139, %scan3A_107 : i32
      %add3A_141 = arith.constant 1 : i32
      %add3A_142 = arith.addi %mul3A_140, %add3A_141 : i32
      %dma_wait3A_143 = arith.constant 0 : i32
      %dma_wait3A_144 = tpu.memref_slice %arg6[%add3A_142, %dma_wait3A_143] : memref<40x128xi32, #tpu.memory_space<vmem>> -> memref<1x128xi32, #tpu.memory_space<vmem>>
      %dma_wait3A_145 = tpu.memref_squeeze %dma_wait3A_144 : memref<1x128xi32, #tpu.memory_space<vmem>> -> memref<128xi32, #tpu.memory_space<vmem>>
      %dma_wait3A_146 = arith.constant 0 : i32
      %dma_wait3A_147 = arith.constant 0 : i32
      %dma_wait3A_148 = tpu.memref_slice %arg2[%dma_wait3A_146, %dma_wait3A_147] : memref<10240x128xf32, #tpu.memory_space<hbm>> -> memref<10240x128xf32, #tpu.memory_space<hbm>>
      tpu.wait_indirect_dma semaphore(%arg12 : memref<!tpu.dma_semaphore, #tpu.memory_space<semaphore_mem>>) src(%dma_wait3A_148 : memref<10240x128xf32, #tpu.memory_space<hbm>>) dst(%arg9 : memref<128x128xf32, #tpu.memory_space<vmem>>)
      %mul3A_149 = arith.constant 2 : i32
      %mul3A_150 = arith.muli %mul3A_149, %scan3A_107 : i32
      %add3A_151 = arith.constant 1 : i32
      %add3A_152 = arith.addi %mul3A_150, %add3A_151 : i32
      "tpu.region"() ({
        %run_scoped3A_154 = tpu.sem_alloc : memref<!tpu.dma_semaphore, #tpu.memory_space<semaphore_mem>>
        %dma_start3A_155 = arith.constant 0 : i32
        %dma_start3A_156 = tpu.memref_slice %arg7[%add3A_152, %dma_start3A_155] : memref<40x128xi32, #tpu.memory_space<vmem>> -> memref<1x128xi32, #tpu.memory_space<vmem>>
        %dma_start3A_157 = tpu.memref_squeeze %dma_start3A_156 : memref<1x128xi32, #tpu.memory_space<vmem>> -> memref<128xi32, #tpu.memory_space<vmem>>
        %dma_start3A_158 = arith.constant 0 : i32
        %dma_start3A_159 = arith.constant 0 : i32
        %dma_start3A_160 = tpu.memref_slice %arg10[%dma_start3A_158, %dma_start3A_159] : memref<10240x128xf32, #tpu.memory_space<vmem_shared>> -> memref<10240x128xf32, #tpu.memory_space<vmem_shared>>
        tpu.enqueue_indirect_dma source(%arg9 : memref<128x128xf32, #tpu.memory_space<vmem>>) target(%dma_start3A_160 : memref<10240x128xf32, #tpu.memory_space<vmem_shared>>) offsets(%dma_start3A_157 : memref<128xi32, #tpu.memory_space<vmem>>) semaphore(%run_scoped3A_154 : memref<!tpu.dma_semaphore, #tpu.memory_space<semaphore_mem>>) {add = true}
        %dma_wait3A_161 = arith.constant 0 : i32
        %dma_wait3A_162 = tpu.memref_slice %arg7[%add3A_152, %dma_wait3A_161] : memref<40x128xi32, #tpu.memory_space<vmem>> -> memref<1x128xi32, #tpu.memory_space<vmem>>
        %dma_wait3A_163 = tpu.memref_squeeze %dma_wait3A_162 : memref<1x128xi32, #tpu.memory_space<vmem>> -> memref<128xi32, #tpu.memory_space<vmem>>
        %dma_wait3A_164 = arith.constant 0 : i32
        %dma_wait3A_165 = arith.constant 0 : i32
        %dma_wait3A_166 = tpu.memref_slice %arg10[%dma_wait3A_164, %dma_wait3A_165] : memref<10240x128xf32, #tpu.memory_space<vmem_shared>> -> memref<10240x128xf32, #tpu.memory_space<vmem_shared>>
        tpu.wait_indirect_dma semaphore(%run_scoped3A_154 : memref<!tpu.dma_semaphore, #tpu.memory_space<semaphore_mem>>) src(%arg9 : memref<128x128xf32, #tpu.memory_space<vmem>>) dst(%dma_wait3A_166 : memref<10240x128xf32, #tpu.memory_space<vmem_shared>>)
        tpu.yield
      }) : () -> ()
      %scan3A_153 = arith.constant 0 : i32
      scf.yield %scan3A_153 : i32
    }
    %scan3A_78 = arith.constant 19 : i32
    %dma_start3A_79 = arith.constant 39 : i32
    %dma_start3A_80 = arith.constant 0 : i32
    %dma_start3A_81 = tpu.memref_slice %arg6[%dma_start3A_79, %dma_start3A_80] : memref<40x128xi32, #tpu.memory_space<vmem>> -> memref<1x128xi32, #tpu.memory_space<vmem>>
    %dma_start3A_82 = tpu.memref_squeeze %dma_start3A_81 : memref<1x128xi32, #tpu.memory_space<vmem>> -> memref<128xi32, #tpu.memory_space<vmem>>
    %dma_start3A_83 = arith.constant 0 : i32
    %dma_start3A_84 = arith.constant 0 : i32
    %dma_start3A_85 = tpu.memref_slice %arg2[%dma_start3A_83, %dma_start3A_84] : memref<10240x128xf32, #tpu.memory_space<hbm>> -> memref<10240x128xf32, #tpu.memory_space<hbm>>
    tpu.enqueue_indirect_dma source(%dma_start3A_85 : memref<10240x128xf32, #tpu.memory_space<hbm>>) target(%arg9 : memref<128x128xf32, #tpu.memory_space<vmem>>) offsets(%dma_start3A_82 : memref<128xi32, #tpu.memory_space<vmem>>) semaphore(%arg12 : memref<!tpu.dma_semaphore, #tpu.memory_space<semaphore_mem>>)
    %dma_wait3A_86 = arith.constant 38 : i32
    %dma_wait3A_87 = arith.constant 0 : i32
    %dma_wait3A_88 = tpu.memref_slice %arg6[%dma_wait3A_86, %dma_wait3A_87] : memref<40x128xi32, #tpu.memory_space<vmem>> -> memref<1x128xi32, #tpu.memory_space<vmem>>
    %dma_wait3A_89 = tpu.memref_squeeze %dma_wait3A_88 : memref<1x128xi32, #tpu.memory_space<vmem>> -> memref<128xi32, #tpu.memory_space<vmem>>
    %dma_wait3A_90 = arith.constant 0 : i32
    %dma_wait3A_91 = arith.constant 0 : i32
    %dma_wait3A_92 = tpu.memref_slice %arg2[%dma_wait3A_90, %dma_wait3A_91] : memref<10240x128xf32, #tpu.memory_space<hbm>> -> memref<10240x128xf32, #tpu.memory_space<hbm>>
    tpu.wait_indirect_dma semaphore(%arg11 : memref<!tpu.dma_semaphore, #tpu.memory_space<semaphore_mem>>) src(%dma_wait3A_92 : memref<10240x128xf32, #tpu.memory_space<hbm>>) dst(%arg8 : memref<128x128xf32, #tpu.memory_space<vmem>>)
    %run_scoped3A_93 = arith.constant 38 : i32
    "tpu.region"() ({
      %run_scoped3A_107 = tpu.sem_alloc : memref<!tpu.dma_semaphore, #tpu.memory_space<semaphore_mem>>
      %dma_start3A_108 = arith.constant 0 : i32
      %dma_start3A_109 = tpu.memref_slice %arg7[%run_scoped3A_93, %dma_start3A_108] : memref<40x128xi32, #tpu.memory_space<vmem>> -> memref<1x128xi32, #tpu.memory_space<vmem>>
      %dma_start3A_110 = tpu.memref_squeeze %dma_start3A_109 : memref<1x128xi32, #tpu.memory_space<vmem>> -> memref<128xi32, #tpu.memory_space<vmem>>
      %dma_start3A_111 = arith.constant 0 : i32
      %dma_start3A_112 = arith.constant 0 : i32
      %dma_start3A_113 = tpu.memref_slice %arg10[%dma_start3A_111, %dma_start3A_112] : memref<10240x128xf32, #tpu.memory_space<vmem_shared>> -> memref<10240x128xf32, #tpu.memory_space<vmem_shared>>
      tpu.enqueue_indirect_dma source(%arg8 : memref<128x128xf32, #tpu.memory_space<vmem>>) target(%dma_start3A_113 : memref<10240x128xf32, #tpu.memory_space<vmem_shared>>) offsets(%dma_start3A_110 : memref<128xi32, #tpu.memory_space<vmem>>) semaphore(%run_scoped3A_107 : memref<!tpu.dma_semaphore, #tpu.memory_space<semaphore_mem>>) {add = true}
      %dma_wait3A_114 = arith.constant 0 : i32
      %dma_wait3A_115 = tpu.memref_slice %arg7[%run_scoped3A_93, %dma_wait3A_114] : memref<40x128xi32, #tpu.memory_space<vmem>> -> memref<1x128xi32, #tpu.memory_space<vmem>>
      %dma_wait3A_116 = tpu.memref_squeeze %dma_wait3A_115 : memref<1x128xi32, #tpu.memory_space<vmem>> -> memref<128xi32, #tpu.memory_space<vmem>>
      %dma_wait3A_117 = arith.constant 0 : i32
      %dma_wait3A_118 = arith.constant 0 : i32
      %dma_wait3A_119 = tpu.memref_slice %arg10[%dma_wait3A_117, %dma_wait3A_118] : memref<10240x128xf32, #tpu.memory_space<vmem_shared>> -> memref<10240x128xf32, #tpu.memory_space<vmem_shared>>
      tpu.wait_indirect_dma semaphore(%run_scoped3A_107 : memref<!tpu.dma_semaphore, #tpu.memory_space<semaphore_mem>>) src(%arg8 : memref<128x128xf32, #tpu.memory_space<vmem>>) dst(%dma_wait3A_119 : memref<10240x128xf32, #tpu.memory_space<vmem_shared>>)
      tpu.yield
    }) : () -> ()
    %dma_wait3A_94 = arith.constant 39 : i32
    %dma_wait3A_95 = arith.constant 0 : i32
    %dma_wait3A_96 = tpu.memref_slice %arg6[%dma_wait3A_94, %dma_wait3A_95] : memref<40x128xi32, #tpu.memory_space<vmem>> -> memref<1x128xi32, #tpu.memory_space<vmem>>
    %dma_wait3A_97 = tpu.memref_squeeze %dma_wait3A_96 : memref<1x128xi32, #tpu.memory_space<vmem>> -> memref<128xi32, #tpu.memory_space<vmem>>
    %dma_wait3A_98 = arith.constant 0 : i32
    %dma_wait3A_99 = arith.constant 0 : i32
    %dma_wait3A_100 = tpu.memref_slice %arg2[%dma_wait3A_98, %dma_wait3A_99] : memref<10240x128xf32, #tpu.memory_space<hbm>> -> memref<10240x128xf32, #tpu.memory_space<hbm>>
    tpu.wait_indirect_dma semaphore(%arg12 : memref<!tpu.dma_semaphore, #tpu.memory_space<semaphore_mem>>) src(%dma_wait3A_100 : memref<10240x128xf32, #tpu.memory_space<hbm>>) dst(%arg9 : memref<128x128xf32, #tpu.memory_space<vmem>>)
    %run_scoped3A_101 = arith.constant 39 : i32
    "tpu.region"() ({
      %run_scoped3A_107 = tpu.sem_alloc : memref<!tpu.dma_semaphore, #tpu.memory_space<semaphore_mem>>
      %dma_start3A_108 = arith.constant 0 : i32
      %dma_start3A_109 = tpu.memref_slice %arg7[%run_scoped3A_101, %dma_start3A_108] : memref<40x128xi32, #tpu.memory_space<vmem>> -> memref<1x128xi32, #tpu.memory_space<vmem>>
      %dma_start3A_110 = tpu.memref_squeeze %dma_start3A_109 : memref<1x128xi32, #tpu.memory_space<vmem>> -> memref<128xi32, #tpu.memory_space<vmem>>
      %dma_start3A_111 = arith.constant 0 : i32
      %dma_start3A_112 = arith.constant 0 : i32
      %dma_start3A_113 = tpu.memref_slice %arg10[%dma_start3A_111, %dma_start3A_112] : memref<10240x128xf32, #tpu.memory_space<vmem_shared>> -> memref<10240x128xf32, #tpu.memory_space<vmem_shared>>
      tpu.enqueue_indirect_dma source(%arg9 : memref<128x128xf32, #tpu.memory_space<vmem>>) target(%dma_start3A_113 : memref<10240x128xf32, #tpu.memory_space<vmem_shared>>) offsets(%dma_start3A_110 : memref<128xi32, #tpu.memory_space<vmem>>) semaphore(%run_scoped3A_107 : memref<!tpu.dma_semaphore, #tpu.memory_space<semaphore_mem>>) {add = true}
      %dma_wait3A_114 = arith.constant 0 : i32
      %dma_wait3A_115 = tpu.memref_slice %arg7[%run_scoped3A_101, %dma_wait3A_114] : memref<40x128xi32, #tpu.memory_space<vmem>> -> memref<1x128xi32, #tpu.memory_space<vmem>>
      %dma_wait3A_116 = tpu.memref_squeeze %dma_wait3A_115 : memref<1x128xi32, #tpu.memory_space<vmem>> -> memref<128xi32, #tpu.memory_space<vmem>>
      %dma_wait3A_117 = arith.constant 0 : i32
      %dma_wait3A_118 = arith.constant 0 : i32
      %dma_wait3A_119 = tpu.memref_slice %arg10[%dma_wait3A_117, %dma_wait3A_118] : memref<10240x128xf32, #tpu.memory_space<vmem_shared>> -> memref<10240x128xf32, #tpu.memory_space<vmem_shared>>
      tpu.wait_indirect_dma semaphore(%run_scoped3A_107 : memref<!tpu.dma_semaphore, #tpu.memory_space<semaphore_mem>>) src(%arg9 : memref<128x128xf32, #tpu.memory_space<vmem>>) dst(%dma_wait3A_119 : memref<10240x128xf32, #tpu.memory_space<vmem_shared>>)
      tpu.yield
    }) : () -> ()
    %barrier3A_102 = arith.constant 0 : index
    tpu.barrier barrier_id(%barrier3A_102)
    %mul3A_103 = arith.constant 640 : i32
    %mul3A_104 = arith.muli %arg1, %mul3A_103 : i32
    %mul3A_105 = arith.constant 640 : i32
    %mul3A_106 = arith.muli %arg1, %mul3A_105 : i32
    "tpu.region"() ({
      %run_scoped3A_107 = tpu.sem_alloc : memref<!tpu.dma_semaphore, #tpu.memory_space<semaphore_mem>>
      %dma_start3A_108 = arith.constant 0 : i32
      %dma_start3A_109 = tpu.memref_slice %arg5[%arg0, %mul3A_106, %dma_start3A_108] : memref<2x10240x128xf32, #tpu.memory_space<hbm>> -> memref<1x640x128xf32, #tpu.memory_space<hbm>>
      %dma_start3A_110 = tpu.memref_squeeze %dma_start3A_109 : memref<1x640x128xf32, #tpu.memory_space<hbm>> -> memref<640x128xf32, #tpu.memory_space<hbm>>
      %dma_start3A_111 = arith.constant 0 : i32
      %dma_start3A_112 = tpu.memref_slice %arg10[%mul3A_104, %dma_start3A_111] : memref<10240x128xf32, #tpu.memory_space<vmem_shared>> -> memref<640x128xf32, #tpu.memory_space<vmem_shared>>
      tpu.enqueue_dma source(%dma_start3A_112 : memref<640x128xf32, #tpu.memory_space<vmem_shared>>) target(%dma_start3A_110 : memref<640x128xf32, #tpu.memory_space<hbm>>) target_semaphore(%run_scoped3A_107 : memref<!tpu.dma_semaphore, #tpu.memory_space<semaphore_mem>>)
      %dma_wait3A_113 = arith.constant 0 : i32
      %dma_wait3A_114 = tpu.memref_slice %arg5[%arg0, %mul3A_106, %dma_wait3A_113] : memref<2x10240x128xf32, #tpu.memory_space<hbm>> -> memref<1x640x128xf32, #tpu.memory_space<hbm>>
      %dma_wait3A_115 = tpu.memref_squeeze %dma_wait3A_114 : memref<1x640x128xf32, #tpu.memory_space<hbm>> -> memref<640x128xf32, #tpu.memory_space<hbm>>
      %dma_wait3A_116 = arith.constant 0 : i32
      %dma_wait3A_117 = tpu.memref_slice %arg10[%mul3A_104, %dma_wait3A_116] : memref<10240x128xf32, #tpu.memory_space<vmem_shared>> -> memref<640x128xf32, #tpu.memory_space<vmem_shared>>
      tpu.wait_dma2 semaphore(%run_scoped3A_107 : memref<!tpu.dma_semaphore, #tpu.memory_space<semaphore_mem>>) src(%dma_wait3A_117 : memref<640x128xf32, #tpu.memory_space<vmem_shared>>) dst(%dma_wait3A_115 : memref<640x128xf32, #tpu.memory_space<hbm>>)
      tpu.yield
    }) : () -> ()
    return
  }
}

#map = affine_map<(d0, d1) -> (0, 0)>
#map1 = affine_map<(d0, d1) -> (0, 0, 0, 0)>
#map2 = affine_map<(d0, d1) -> (0, 0, 0)>
module attributes {stable_mosaic.version = 14 : i64} {
  func.func @_acc_body(%arg0: i32, %arg1: i32, %arg2: memref<10240x128xf32, #tpu.memory_space<hbm>>, %arg3: memref<32x2x40x128xi32, #tpu.memory_space<hbm>>, %arg4: memref<32x2x40x128xi32, #tpu.memory_space<hbm>>, %arg5: memref<2x10240x128xf32, #tpu.memory_space<hbm>>, %arg6: memref<40x128xi32, #tpu.memory_space<vmem>>, %arg7: memref<40x128xi32, #tpu.memory_space<vmem>>, %arg8: memref<128x128xf32, #tpu.memory_space<vmem>>, %arg9: memref<128x128xf32, #tpu.memory_space<vmem>>, %arg10: memref<10240x128xf32, #tpu.memory_space<vmem_shared>>, %arg11: memref<!tpu.dma_semaphore, #tpu.memory_space<semaphore_mem>>, %arg12: memref<!tpu.dma_semaphore, #tpu.memory_space<semaphore_mem>>) attributes {dimension_semantics = [#tpu.dimension_semantics<core_parallel>, #tpu.dimension_semantics<subcore_parallel>], iteration_bounds = array<i64: 2, 16>, scalar_prefetch = 0 : i64, scratch_operands = 7 : i64, tpu.core_type = #tpu.core_type<sc_vector_subcore>, window_params = [{transform_indices = #map}, {transform_indices = #map1}, {transform_indices = #map1}, {transform_indices = #map2}]} {
    %mul3A = arith.constant 16 : i32
    %mul3A_0 = arith.muli %arg0, %mul3A : i32
    %add3A = arith.addi %mul3A_0, %arg1 : i32
    %scan3A = arith.constant 0 : i32
    %scan3A_1 = arith.constant 0 : i32
    %scan3A_2 = arith.constant 128 : i32
    %scan3A_3 = arith.addi %scan3A_1, %scan3A_2 : i32
    %scan3A_4 = arith.constant 1 : i32
    %scan3A_5 = scf.for %scan3A_107 = %scan3A_1 to %scan3A_3 step %scan3A_4 iter_args(%scan3A_108 = %scan3A) -> (i32)  : i32 {
      %broadcast_in_dim3A = arith.constant 0.000000e+00 : f32
      %broadcast_in_dim3A_109 = vector.broadcast %broadcast_in_dim3A : f32 to vector<16xf32>
      %swap3A = arith.index_cast %scan3A_107 : i32 to index
      %swap3A_110 = arith.constant 0 : index
      %swap3A_111 = tpu.vector_load %arg8[%swap3A, %swap3A_110] {strides = array<i32>} : memref<128x128xf32, #tpu.memory_space<vmem>>, vector<1x16xf32>,
      %swap3A_112 = vector.shape_cast %swap3A_111 : vector<1x16xf32> to vector<16xf32>
      %swap3A_113 = vector.shape_cast %broadcast_in_dim3A_109 : vector<16xf32> to vector<1x16xf32>
      tpu.vector_store %arg8[%swap3A, %swap3A_110], %swap3A_113 {strides = array<i32>} : memref<128x128xf32, #tpu.memory_space<vmem>>, vector<1x16xf32>,
      %broadcast_in_dim3A_114 = arith.constant 0.000000e+00 : f32
      %broadcast_in_dim3A_115 = vector.broadcast %broadcast_in_dim3A_114 : f32 to vector<16xf32>
      %swap3A_116 = arith.index_cast %scan3A_107 : i32 to index
      %swap3A_117 = arith.constant 16 : index
      %swap3A_118 = tpu.vector_load %arg8[%swap3A_116, %swap3A_117] {strides = array<i32>} : memref<128x128xf32, #tpu.memory_space<vmem>>, vector<1x16xf32>,
      %swap3A_119 = vector.shape_cast %swap3A_118 : vector<1x16xf32> to vector<16xf32>
      %swap3A_120 = vector.shape_cast %broadcast_in_dim3A_115 : vector<16xf32> to vector<1x16xf32>
      tpu.vector_store %arg8[%swap3A_116, %swap3A_117], %swap3A_120 {strides = array<i32>} : memref<128x128xf32, #tpu.memory_space<vmem>>, vector<1x16xf32>,
      %broadcast_in_dim3A_121 = arith.constant 0.000000e+00 : f32
      %broadcast_in_dim3A_122 = vector.broadcast %broadcast_in_dim3A_121 : f32 to vector<16xf32>
      %swap3A_123 = arith.index_cast %scan3A_107 : i32 to index
      %swap3A_124 = arith.constant 32 : index
      %swap3A_125 = tpu.vector_load %arg8[%swap3A_123, %swap3A_124] {strides = array<i32>} : memref<128x128xf32, #tpu.memory_space<vmem>>, vector<1x16xf32>,
      %swap3A_126 = vector.shape_cast %swap3A_125 : vector<1x16xf32> to vector<16xf32>
      %swap3A_127 = vector.shape_cast %broadcast_in_dim3A_122 : vector<16xf32> to vector<1x16xf32>
      tpu.vector_store %arg8[%swap3A_123, %swap3A_124], %swap3A_127 {strides = array<i32>} : memref<128x128xf32, #tpu.memory_space<vmem>>, vector<1x16xf32>,
      %broadcast_in_dim3A_128 = arith.constant 0.000000e+00 : f32
      %broadcast_in_dim3A_129 = vector.broadcast %broadcast_in_dim3A_128 : f32 to vector<16xf32>
      %swap3A_130 = arith.index_cast %scan3A_107 : i32 to index
      %swap3A_131 = arith.constant 48 : index
      %swap3A_132 = tpu.vector_load %arg8[%swap3A_130, %swap3A_131] {strides = array<i32>} : memref<128x128xf32, #tpu.memory_space<vmem>>, vector<1x16xf32>,
      %swap3A_133 = vector.shape_cast %swap3A_132 : vector<1x16xf32> to vector<16xf32>
      %swap3A_134 = vector.shape_cast %broadcast_in_dim3A_129 : vector<16xf32> to vector<1x16xf32>
      tpu.vector_store %arg8[%swap3A_130, %swap3A_131], %swap3A_134 {strides = array<i32>} : memref<128x128xf32, #tpu.memory_space<vmem>>, vector<1x16xf32>,
      %broadcast_in_dim3A_135 = arith.constant 0.000000e+00 : f32
      %broadcast_in_dim3A_136 = vector.broadcast %broadcast_in_dim3A_135 : f32 to vector<16xf32>
      %swap3A_137 = arith.index_cast %scan3A_107 : i32 to index
      %swap3A_138 = arith.constant 64 : index
      %swap3A_139 = tpu.vector_load %arg8[%swap3A_137, %swap3A_138] {strides = array<i32>} : memref<128x128xf32, #tpu.memory_space<vmem>>, vector<1x16xf32>,
      %swap3A_140 = vector.shape_cast %swap3A_139 : vector<1x16xf32> to vector<16xf32>
      %swap3A_141 = vector.shape_cast %broadcast_in_dim3A_136 : vector<16xf32> to vector<1x16xf32>
      tpu.vector_store %arg8[%swap3A_137, %swap3A_138], %swap3A_141 {strides = array<i32>} : memref<128x128xf32, #tpu.memory_space<vmem>>, vector<1x16xf32>,
      %broadcast_in_dim3A_142 = arith.constant 0.000000e+00 : f32
      %broadcast_in_dim3A_143 = vector.broadcast %broadcast_in_dim3A_142 : f32 to vector<16xf32>
      %swap3A_144 = arith.index_cast %scan3A_107 : i32 to index
      %swap3A_145 = arith.constant 80 : index
      %swap3A_146 = tpu.vector_load %arg8[%swap3A_144, %swap3A_145] {strides = array<i32>} : memref<128x128xf32, #tpu.memory_space<vmem>>, vector<1x16xf32>,
      %swap3A_147 = vector.shape_cast %swap3A_146 : vector<1x16xf32> to vector<16xf32>
      %swap3A_148 = vector.shape_cast %broadcast_in_dim3A_143 : vector<16xf32> to vector<1x16xf32>
      tpu.vector_store %arg8[%swap3A_144, %swap3A_145], %swap3A_148 {strides = array<i32>} : memref<128x128xf32, #tpu.memory_space<vmem>>, vector<1x16xf32>,
      %broadcast_in_dim3A_149 = arith.constant 0.000000e+00 : f32
      %broadcast_in_dim3A_150 = vector.broadcast %broadcast_in_dim3A_149 : f32 to vector<16xf32>
      %swap3A_151 = arith.index_cast %scan3A_107 : i32 to index
      %swap3A_152 = arith.constant 96 : index
      %swap3A_153 = tpu.vector_load %arg8[%swap3A_151, %swap3A_152] {strides = array<i32>} : memref<128x128xf32, #tpu.memory_space<vmem>>, vector<1x16xf32>,
      %swap3A_154 = vector.shape_cast %swap3A_153 : vector<1x16xf32> to vector<16xf32>
      %swap3A_155 = vector.shape_cast %broadcast_in_dim3A_150 : vector<16xf32> to vector<1x16xf32>
      tpu.vector_store %arg8[%swap3A_151, %swap3A_152], %swap3A_155 {strides = array<i32>} : memref<128x128xf32, #tpu.memory_space<vmem>>, vector<1x16xf32>,
      %broadcast_in_dim3A_156 = arith.constant 0.000000e+00 : f32
      %broadcast_in_dim3A_157 = vector.broadcast %broadcast_in_dim3A_156 : f32 to vector<16xf32>
      %swap3A_158 = arith.index_cast %scan3A_107 : i32 to index
      %swap3A_159 = arith.constant 112 : index
      %swap3A_160 = tpu.vector_load %arg8[%swap3A_158, %swap3A_159] {strides = array<i32>} : memref<128x128xf32, #tpu.memory_space<vmem>>, vector<1x16xf32>,
      %swap3A_161 = vector.shape_cast %swap3A_160 : vector<1x16xf32> to vector<16xf32>
      %swap3A_162 = vector.shape_cast %broadcast_in_dim3A_157 : vector<16xf32> to vector<1x16xf32>
      tpu.vector_store %arg8[%swap3A_158, %swap3A_159], %swap3A_162 {strides = array<i32>} : memref<128x128xf32, #tpu.memory_space<vmem>>, vector<1x16xf32>,
      %scan3A_163 = arith.constant 0 : i32
      scf.yield %scan3A_163 : i32
    }
    %scan3A_6 = arith.constant 128 : i32
    %mul3A_7 = arith.constant 640 : i32
    %mul3A_8 = arith.muli %arg1, %mul3A_7 : i32
    %add3A_9 = arith.constant 0 : i32
    %add3A_10 = arith.addi %mul3A_8, %add3A_9 : i32
    "tpu.region"() ({
      %run_scoped3A_107 = tpu.sem_alloc : memref<!tpu.dma_semaphore, #tpu.memory_space<semaphore_mem>>
      %dma_start3A_108 = arith.constant 0 : i32
      %dma_start3A_109 = tpu.memref_slice %arg10[%add3A_10, %dma_start3A_108] : memref<10240x128xf32, #tpu.memory_space<vmem_shared>> -> memref<128x128xf32, #tpu.memory_space<vmem_shared>>
      %dma_start3A_110 = arith.constant 0 : i32
      %dma_start3A_111 = tpu.memref_slice %arg10[%add3A_10, %dma_start3A_110] : memref<10240x128xf32, #tpu.memory_space<vmem_shared>> -> memref<128x128xf32, #tpu.memory_space<vmem_shared>>
      tpu.enqueue_dma source(%arg8 : memref<128x128xf32, #tpu.memory_space<vmem>>) target(%dma_start3A_111 : memref<128x128xf32, #tpu.memory_space<vmem_shared>>) target_semaphore(%run_scoped3A_107 : memref<!tpu.dma_semaphore, #tpu.memory_space<semaphore_mem>>)
      %dma_wait3A_112 = arith.constant 0 : i32
      %dma_wait3A_113 = tpu.memref_slice %arg10[%add3A_10, %dma_wait3A_112] : memref<10240x128xf32, #tpu.memory_space<vmem_shared>> -> memref<128x128xf32, #tpu.memory_space<vmem_shared>>
      %dma_wait3A_114 = arith.constant 0 : i32
      %dma_wait3A_115 = tpu.memref_slice %arg10[%add3A_10, %dma_wait3A_114] : memref<10240x128xf32, #tpu.memory_space<vmem_shared>> -> memref<128x128xf32, #tpu.memory_space<vmem_shared>>
      tpu.wait_dma2 semaphore(%run_scoped3A_107 : memref<!tpu.dma_semaphore, #tpu.memory_space<semaphore_mem>>) src(%arg8 : memref<128x128xf32, #tpu.memory_space<vmem>>) dst(%dma_wait3A_115 : memref<128x128xf32, #tpu.memory_space<vmem_shared>>)
      tpu.yield
    }) : () -> ()
    %mul3A_11 = arith.constant 640 : i32
    %mul3A_12 = arith.muli %arg1, %mul3A_11 : i32
    %add3A_13 = arith.constant 128 : i32
    %add3A_14 = arith.addi %mul3A_12, %add3A_13 : i32
    "tpu.region"() ({
      %run_scoped3A_107 = tpu.sem_alloc : memref<!tpu.dma_semaphore, #tpu.memory_space<semaphore_mem>>
      %dma_start3A_108 = arith.constant 0 : i32
      %dma_start3A_109 = tpu.memref_slice %arg10[%add3A_14, %dma_start3A_108] : memref<10240x128xf32, #tpu.memory_space<vmem_shared>> -> memref<128x128xf32, #tpu.memory_space<vmem_shared>>
      %dma_start3A_110 = arith.constant 0 : i32
      %dma_start3A_111 = tpu.memref_slice %arg10[%add3A_14, %dma_start3A_110] : memref<10240x128xf32, #tpu.memory_space<vmem_shared>> -> memref<128x128xf32, #tpu.memory_space<vmem_shared>>
      tpu.enqueue_dma source(%arg8 : memref<128x128xf32, #tpu.memory_space<vmem>>) target(%dma_start3A_111 : memref<128x128xf32, #tpu.memory_space<vmem_shared>>) target_semaphore(%run_scoped3A_107 : memref<!tpu.dma_semaphore, #tpu.memory_space<semaphore_mem>>)
      %dma_wait3A_112 = arith.constant 0 : i32
      %dma_wait3A_113 = tpu.memref_slice %arg10[%add3A_14, %dma_wait3A_112] : memref<10240x128xf32, #tpu.memory_space<vmem_shared>> -> memref<128x128xf32, #tpu.memory_space<vmem_shared>>
      %dma_wait3A_114 = arith.constant 0 : i32
      %dma_wait3A_115 = tpu.memref_slice %arg10[%add3A_14, %dma_wait3A_114] : memref<10240x128xf32, #tpu.memory_space<vmem_shared>> -> memref<128x128xf32, #tpu.memory_space<vmem_shared>>
      tpu.wait_dma2 semaphore(%run_scoped3A_107 : memref<!tpu.dma_semaphore, #tpu.memory_space<semaphore_mem>>) src(%arg8 : memref<128x128xf32, #tpu.memory_space<vmem>>) dst(%dma_wait3A_115 : memref<128x128xf32, #tpu.memory_space<vmem_shared>>)
      tpu.yield
    }) : () -> ()
    %mul3A_15 = arith.constant 640 : i32
    %mul3A_16 = arith.muli %arg1, %mul3A_15 : i32
    %add3A_17 = arith.constant 256 : i32
    %add3A_18 = arith.addi %mul3A_16, %add3A_17 : i32
    "tpu.region"() ({
      %run_scoped3A_107 = tpu.sem_alloc : memref<!tpu.dma_semaphore, #tpu.memory_space<semaphore_mem>>
      %dma_start3A_108 = arith.constant 0 : i32
      %dma_start3A_109 = tpu.memref_slice %arg10[%add3A_18, %dma_start3A_108] : memref<10240x128xf32, #tpu.memory_space<vmem_shared>> -> memref<128x128xf32, #tpu.memory_space<vmem_shared>>
      %dma_start3A_110 = arith.constant 0 : i32
      %dma_start3A_111 = tpu.memref_slice %arg10[%add3A_18, %dma_start3A_110] : memref<10240x128xf32, #tpu.memory_space<vmem_shared>> -> memref<128x128xf32, #tpu.memory_space<vmem_shared>>
      tpu.enqueue_dma source(%arg8 : memref<128x128xf32, #tpu.memory_space<vmem>>) target(%dma_start3A_111 : memref<128x128xf32, #tpu.memory_space<vmem_shared>>) target_semaphore(%run_scoped3A_107 : memref<!tpu.dma_semaphore, #tpu.memory_space<semaphore_mem>>)
      %dma_wait3A_112 = arith.constant 0 : i32
      %dma_wait3A_113 = tpu.memref_slice %arg10[%add3A_18, %dma_wait3A_112] : memref<10240x128xf32, #tpu.memory_space<vmem_shared>> -> memref<128x128xf32, #tpu.memory_space<vmem_shared>>
      %dma_wait3A_114 = arith.constant 0 : i32
      %dma_wait3A_115 = tpu.memref_slice %arg10[%add3A_18, %dma_wait3A_114] : memref<10240x128xf32, #tpu.memory_space<vmem_shared>> -> memref<128x128xf32, #tpu.memory_space<vmem_shared>>
      tpu.wait_dma2 semaphore(%run_scoped3A_107 : memref<!tpu.dma_semaphore, #tpu.memory_space<semaphore_mem>>) src(%arg8 : memref<128x128xf32, #tpu.memory_space<vmem>>) dst(%dma_wait3A_115 : memref<128x128xf32, #tpu.memory_space<vmem_shared>>)
      tpu.yield
    }) : () -> ()
    %mul3A_19 = arith.constant 640 : i32
    %mul3A_20 = arith.muli %arg1, %mul3A_19 : i32
    %add3A_21 = arith.constant 384 : i32
    %add3A_22 = arith.addi %mul3A_20, %add3A_21 : i32
    "tpu.region"() ({
      %run_scoped3A_107 = tpu.sem_alloc : memref<!tpu.dma_semaphore, #tpu.memory_space<semaphore_mem>>
      %dma_start3A_108 = arith.constant 0 : i32
      %dma_start3A_109 = tpu.memref_slice %arg10[%add3A_22, %dma_start3A_108] : memref<10240x128xf32, #tpu.memory_space<vmem_shared>> -> memref<128x128xf32, #tpu.memory_space<vmem_shared>>
      %dma_start3A_110 = arith.constant 0 : i32
      %dma_start3A_111 = tpu.memref_slice %arg10[%add3A_22, %dma_start3A_110] : memref<10240x128xf32, #tpu.memory_space<vmem_shared>> -> memref<128x128xf32, #tpu.memory_space<vmem_shared>>
      tpu.enqueue_dma source(%arg8 : memref<128x128xf32, #tpu.memory_space<vmem>>) target(%dma_start3A_111 : memref<128x128xf32, #tpu.memory_space<vmem_shared>>) target_semaphore(%run_scoped3A_107 : memref<!tpu.dma_semaphore, #tpu.memory_space<semaphore_mem>>)
      %dma_wait3A_112 = arith.constant 0 : i32
      %dma_wait3A_113 = tpu.memref_slice %arg10[%add3A_22, %dma_wait3A_112] : memref<10240x128xf32, #tpu.memory_space<vmem_shared>> -> memref<128x128xf32, #tpu.memory_space<vmem_shared>>
      %dma_wait3A_114 = arith.constant 0 : i32
      %dma_wait3A_115 = tpu.memref_slice %arg10[%add3A_22, %dma_wait3A_114] : memref<10240x128xf32, #tpu.memory_space<vmem_shared>> -> memref<128x128xf32, #tpu.memory_space<vmem_shared>>
      tpu.wait_dma2 semaphore(%run_scoped3A_107 : memref<!tpu.dma_semaphore, #tpu.memory_space<semaphore_mem>>) src(%arg8 : memref<128x128xf32, #tpu.memory_space<vmem>>) dst(%dma_wait3A_115 : memref<128x128xf32, #tpu.memory_space<vmem_shared>>)
      tpu.yield
    }) : () -> ()
    %mul3A_23 = arith.constant 640 : i32
    %mul3A_24 = arith.muli %arg1, %mul3A_23 : i32
    %add3A_25 = arith.constant 512 : i32
    %add3A_26 = arith.addi %mul3A_24, %add3A_25 : i32
    "tpu.region"() ({
      %run_scoped3A_107 = tpu.sem_alloc : memref<!tpu.dma_semaphore, #tpu.memory_space<semaphore_mem>>
      %dma_start3A_108 = arith.constant 0 : i32
      %dma_start3A_109 = tpu.memref_slice %arg10[%add3A_26, %dma_start3A_108] : memref<10240x128xf32, #tpu.memory_space<vmem_shared>> -> memref<128x128xf32, #tpu.memory_space<vmem_shared>>
      %dma_start3A_110 = arith.constant 0 : i32
      %dma_start3A_111 = tpu.memref_slice %arg10[%add3A_26, %dma_start3A_110] : memref<10240x128xf32, #tpu.memory_space<vmem_shared>> -> memref<128x128xf32, #tpu.memory_space<vmem_shared>>
      tpu.enqueue_dma source(%arg8 : memref<128x128xf32, #tpu.memory_space<vmem>>) target(%dma_start3A_111 : memref<128x128xf32, #tpu.memory_space<vmem_shared>>) target_semaphore(%run_scoped3A_107 : memref<!tpu.dma_semaphore, #tpu.memory_space<semaphore_mem>>)
      %dma_wait3A_112 = arith.constant 0 : i32
      %dma_wait3A_113 = tpu.memref_slice %arg10[%add3A_26, %dma_wait3A_112] : memref<10240x128xf32, #tpu.memory_space<vmem_shared>> -> memref<128x128xf32, #tpu.memory_space<vmem_shared>>
      %dma_wait3A_114 = arith.constant 0 : i32
      %dma_wait3A_115 = tpu.memref_slice %arg10[%add3A_26, %dma_wait3A_114] : memref<10240x128xf32, #tpu.memory_space<vmem_shared>> -> memref<128x128xf32, #tpu.memory_space<vmem_shared>>
      tpu.wait_dma2 semaphore(%run_scoped3A_107 : memref<!tpu.dma_semaphore, #tpu.memory_space<semaphore_mem>>) src(%arg8 : memref<128x128xf32, #tpu.memory_space<vmem>>) dst(%dma_wait3A_115 : memref<128x128xf32, #tpu.memory_space<vmem_shared>>)
      tpu.yield
    }) : () -> ()
    %barrier3A = arith.constant 0 : index
    tpu.barrier barrier_id(%barrier3A)
    %run_scoped3A = arith.constant 0 : i32
    "tpu.region"() ({
      %run_scoped3A_107 = tpu.sem_alloc : memref<!tpu.dma_semaphore, #tpu.memory_space<semaphore_mem>>
      %dma_start3A_108 = arith.constant 0 : i32
      %dma_start3A_109 = arith.constant 0 : i32
      %dma_start3A_110 = tpu.memref_slice %arg3[%add3A, %run_scoped3A, %dma_start3A_108, %dma_start3A_109] : memref<32x2x40x128xi32, #tpu.memory_space<hbm>> -> memref<1x1x40x128xi32, #tpu.memory_space<hbm>>
      %dma_start3A_111 = tpu.memref_squeeze %dma_start3A_110 : memref<1x1x40x128xi32, #tpu.memory_space<hbm>> -> memref<40x128xi32, #tpu.memory_space<hbm>>
      %dma_start3A_112 = arith.constant 0 : i32
      %dma_start3A_113 = arith.constant 0 : i32
      %dma_start3A_114 = tpu.memref_slice %arg3[%add3A, %run_scoped3A, %dma_start3A_112, %dma_start3A_113] : memref<32x2x40x128xi32, #tpu.memory_space<hbm>> -> memref<1x1x40x128xi32, #tpu.memory_space<hbm>>
      %dma_start3A_115 = tpu.memref_squeeze %dma_start3A_114 : memref<1x1x40x128xi32, #tpu.memory_space<hbm>> -> memref<40x128xi32, #tpu.memory_space<hbm>>
      tpu.enqueue_dma source(%dma_start3A_115 : memref<40x128xi32, #tpu.memory_space<hbm>>) target(%arg6 : memref<40x128xi32, #tpu.memory_space<vmem>>) target_semaphore(%run_scoped3A_107 : memref<!tpu.dma_semaphore, #tpu.memory_space<semaphore_mem>>)
      %dma_wait3A_116 = arith.constant 0 : i32
      %dma_wait3A_117 = arith.constant 0 : i32
      %dma_wait3A_118 = tpu.memref_slice %arg3[%add3A, %run_scoped3A, %dma_wait3A_116, %dma_wait3A_117] : memref<32x2x40x128xi32, #tpu.memory_space<hbm>> -> memref<1x1x40x128xi32, #tpu.memory_space<hbm>>
      %dma_wait3A_119 = tpu.memref_squeeze %dma_wait3A_118 : memref<1x1x40x128xi32, #tpu.memory_space<hbm>> -> memref<40x128xi32, #tpu.memory_space<hbm>>
      %dma_wait3A_120 = arith.constant 0 : i32
      %dma_wait3A_121 = arith.constant 0 : i32
      %dma_wait3A_122 = tpu.memref_slice %arg3[%add3A, %run_scoped3A, %dma_wait3A_120, %dma_wait3A_121] : memref<32x2x40x128xi32, #tpu.memory_space<hbm>> -> memref<1x1x40x128xi32, #tpu.memory_space<hbm>>
      %dma_wait3A_123 = tpu.memref_squeeze %dma_wait3A_122 : memref<1x1x40x128xi32, #tpu.memory_space<hbm>> -> memref<40x128xi32, #tpu.memory_space<hbm>>
      tpu.wait_dma2 semaphore(%run_scoped3A_107 : memref<!tpu.dma_semaphore, #tpu.memory_space<semaphore_mem>>) src(%dma_wait3A_123 : memref<40x128xi32, #tpu.memory_space<hbm>>) dst(%arg6 : memref<40x128xi32, #tpu.memory_space<vmem>>)
      tpu.yield
    }) : () -> ()
    %run_scoped3A_27 = arith.constant 0 : i32
    "tpu.region"() ({
      %run_scoped3A_107 = tpu.sem_alloc : memref<!tpu.dma_semaphore, #tpu.memory_space<semaphore_mem>>
      %dma_start3A_108 = arith.constant 0 : i32
      %dma_start3A_109 = arith.constant 0 : i32
      %dma_start3A_110 = tpu.memref_slice %arg4[%add3A, %run_scoped3A_27, %dma_start3A_108, %dma_start3A_109] : memref<32x2x40x128xi32, #tpu.memory_space<hbm>> -> memref<1x1x40x128xi32, #tpu.memory_space<hbm>>
      %dma_start3A_111 = tpu.memref_squeeze %dma_start3A_110 : memref<1x1x40x128xi32, #tpu.memory_space<hbm>> -> memref<40x128xi32, #tpu.memory_space<hbm>>
      %dma_start3A_112 = arith.constant 0 : i32
      %dma_start3A_113 = arith.constant 0 : i32
      %dma_start3A_114 = tpu.memref_slice %arg4[%add3A, %run_scoped3A_27, %dma_start3A_112, %dma_start3A_113] : memref<32x2x40x128xi32, #tpu.memory_space<hbm>> -> memref<1x1x40x128xi32, #tpu.memory_space<hbm>>
      %dma_start3A_115 = tpu.memref_squeeze %dma_start3A_114 : memref<1x1x40x128xi32, #tpu.memory_space<hbm>> -> memref<40x128xi32, #tpu.memory_space<hbm>>
      tpu.enqueue_dma source(%dma_start3A_115 : memref<40x128xi32, #tpu.memory_space<hbm>>) target(%arg7 : memref<40x128xi32, #tpu.memory_space<vmem>>) target_semaphore(%run_scoped3A_107 : memref<!tpu.dma_semaphore, #tpu.memory_space<semaphore_mem>>)
      %dma_wait3A_116 = arith.constant 0 : i32
      %dma_wait3A_117 = arith.constant 0 : i32
      %dma_wait3A_118 = tpu.memref_slice %arg4[%add3A, %run_scoped3A_27, %dma_wait3A_116, %dma_wait3A_117] : memref<32x2x40x128xi32, #tpu.memory_space<hbm>> -> memref<1x1x40x128xi32, #tpu.memory_space<hbm>>
      %dma_wait3A_119 = tpu.memref_squeeze %dma_wait3A_118 : memref<1x1x40x128xi32, #tpu.memory_space<hbm>> -> memref<40x128xi32, #tpu.memory_space<hbm>>
      %dma_wait3A_120 = arith.constant 0 : i32
      %dma_wait3A_121 = arith.constant 0 : i32
      %dma_wait3A_122 = tpu.memref_slice %arg4[%add3A, %run_scoped3A_27, %dma_wait3A_120, %dma_wait3A_121] : memref<32x2x40x128xi32, #tpu.memory_space<hbm>> -> memref<1x1x40x128xi32, #tpu.memory_space<hbm>>
      %dma_wait3A_123 = tpu.memref_squeeze %dma_wait3A_122 : memref<1x1x40x128xi32, #tpu.memory_space<hbm>> -> memref<40x128xi32, #tpu.memory_space<hbm>>
      tpu.wait_dma2 semaphore(%run_scoped3A_107 : memref<!tpu.dma_semaphore, #tpu.memory_space<semaphore_mem>>) src(%dma_wait3A_123 : memref<40x128xi32, #tpu.memory_space<hbm>>) dst(%arg7 : memref<40x128xi32, #tpu.memory_space<vmem>>)
      tpu.yield
    }) : () -> ()
    %dma_start3A = arith.constant 0 : i32
    %dma_start3A_28 = arith.constant 0 : i32
    %dma_start3A_29 = tpu.memref_slice %arg6[%dma_start3A, %dma_start3A_28] : memref<40x128xi32, #tpu.memory_space<vmem>> -> memref<1x128xi32, #tpu.memory_space<vmem>>
    %dma_start3A_30 = tpu.memref_squeeze %dma_start3A_29 : memref<1x128xi32, #tpu.memory_space<vmem>> -> memref<128xi32, #tpu.memory_space<vmem>>
    %dma_start3A_31 = arith.constant 0 : i32
    %dma_start3A_32 = arith.constant 0 : i32
    %dma_start3A_33 = tpu.memref_slice %arg2[%dma_start3A_31, %dma_start3A_32] : memref<10240x128xf32, #tpu.memory_space<hbm>> -> memref<10240x128xf32, #tpu.memory_space<hbm>>
    tpu.enqueue_indirect_dma source(%dma_start3A_33 : memref<10240x128xf32, #tpu.memory_space<hbm>>) target(%arg8 : memref<128x128xf32, #tpu.memory_space<vmem>>) offsets(%dma_start3A_30 : memref<128xi32, #tpu.memory_space<vmem>>) semaphore(%arg11 : memref<!tpu.dma_semaphore, #tpu.memory_space<semaphore_mem>>)
    %scan3A_34 = arith.constant 0 : i32
    %scan3A_35 = arith.constant 0 : i32
    %scan3A_36 = arith.constant 19 : i32
    %scan3A_37 = arith.addi %scan3A_35, %scan3A_36 : i32
    %scan3A_38 = arith.constant 1 : i32
    %scan3A_39 = scf.for %scan3A_107 = %scan3A_35 to %scan3A_37 step %scan3A_38 iter_args(%scan3A_108 = %scan3A_34) -> (i32)  : i32 {
      %mul3A_109 = arith.constant 2 : i32
      %mul3A_110 = arith.muli %mul3A_109, %scan3A_107 : i32
      %add3A_111 = arith.constant 1 : i32
      %add3A_112 = arith.addi %mul3A_110, %add3A_111 : i32
      %dma_start3A_113 = arith.constant 0 : i32
      %dma_start3A_114 = tpu.memref_slice %arg6[%add3A_112, %dma_start3A_113] : memref<40x128xi32, #tpu.memory_space<vmem>> -> memref<1x128xi32, #tpu.memory_space<vmem>>
      %dma_start3A_115 = tpu.memref_squeeze %dma_start3A_114 : memref<1x128xi32, #tpu.memory_space<vmem>> -> memref<128xi32, #tpu.memory_space<vmem>>
      %dma_start3A_116 = arith.constant 0 : i32
      %dma_start3A_117 = arith.constant 0 : i32
      %dma_start3A_118 = tpu.memref_slice %arg2[%dma_start3A_116, %dma_start3A_117] : memref<10240x128xf32, #tpu.memory_space<hbm>> -> memref<10240x128xf32, #tpu.memory_space<hbm>>
      tpu.enqueue_indirect_dma source(%dma_start3A_118 : memref<10240x128xf32, #tpu.memory_space<hbm>>) target(%arg9 : memref<128x128xf32, #tpu.memory_space<vmem>>) offsets(%dma_start3A_115 : memref<128xi32, #tpu.memory_space<vmem>>) semaphore(%arg12 : memref<!tpu.dma_semaphore, #tpu.memory_space<semaphore_mem>>)
      %mul3A_119 = arith.constant 2 : i32
      %mul3A_120 = arith.muli %mul3A_119, %scan3A_107 : i32
      %dma_wait3A_121 = arith.constant 0 : i32
      %dma_wait3A_122 = tpu.memref_slice %arg6[%mul3A_120, %dma_wait3A_121] : memref<40x128xi32, #tpu.memory_space<vmem>> -> memref<1x128xi32, #tpu.memory_space<vmem>>
      %dma_wait3A_123 = tpu.memref_squeeze %dma_wait3A_122 : memref<1x128xi32, #tpu.memory_space<vmem>> -> memref<128xi32, #tpu.memory_space<vmem>>
      %dma_wait3A_124 = arith.constant 0 : i32
      %dma_wait3A_125 = arith.constant 0 : i32
      %dma_wait3A_126 = tpu.memref_slice %arg2[%dma_wait3A_124, %dma_wait3A_125] : memref<10240x128xf32, #tpu.memory_space<hbm>> -> memref<10240x128xf32, #tpu.memory_space<hbm>>
      tpu.wait_indirect_dma semaphore(%arg11 : memref<!tpu.dma_semaphore, #tpu.memory_space<semaphore_mem>>) src(%dma_wait3A_126 : memref<10240x128xf32, #tpu.memory_space<hbm>>) dst(%arg8 : memref<128x128xf32, #tpu.memory_space<vmem>>)
      %mul3A_127 = arith.constant 2 : i32
      %mul3A_128 = arith.muli %mul3A_127, %scan3A_107 : i32
      "tpu.region"() ({
        %run_scoped3A_154 = tpu.sem_alloc : memref<!tpu.dma_semaphore, #tpu.memory_space<semaphore_mem>>
        %dma_start3A_155 = arith.constant 0 : i32
        %dma_start3A_156 = tpu.memref_slice %arg7[%mul3A_128, %dma_start3A_155] : memref<40x128xi32, #tpu.memory_space<vmem>> -> memref<1x128xi32, #tpu.memory_space<vmem>>
        %dma_start3A_157 = tpu.memref_squeeze %dma_start3A_156 : memref<1x128xi32, #tpu.memory_space<vmem>> -> memref<128xi32, #tpu.memory_space<vmem>>
        %dma_start3A_158 = arith.constant 0 : i32
        %dma_start3A_159 = arith.constant 0 : i32
        %dma_start3A_160 = tpu.memref_slice %arg10[%dma_start3A_158, %dma_start3A_159] : memref<10240x128xf32, #tpu.memory_space<vmem_shared>> -> memref<10240x128xf32, #tpu.memory_space<vmem_shared>>
        tpu.enqueue_indirect_dma source(%arg8 : memref<128x128xf32, #tpu.memory_space<vmem>>) target(%dma_start3A_160 : memref<10240x128xf32, #tpu.memory_space<vmem_shared>>) offsets(%dma_start3A_157 : memref<128xi32, #tpu.memory_space<vmem>>) semaphore(%run_scoped3A_154 : memref<!tpu.dma_semaphore, #tpu.memory_space<semaphore_mem>>) {add = true}
        %dma_wait3A_161 = arith.constant 0 : i32
        %dma_wait3A_162 = tpu.memref_slice %arg7[%mul3A_128, %dma_wait3A_161] : memref<40x128xi32, #tpu.memory_space<vmem>> -> memref<1x128xi32, #tpu.memory_space<vmem>>
        %dma_wait3A_163 = tpu.memref_squeeze %dma_wait3A_162 : memref<1x128xi32, #tpu.memory_space<vmem>> -> memref<128xi32, #tpu.memory_space<vmem>>
        %dma_wait3A_164 = arith.constant 0 : i32
        %dma_wait3A_165 = arith.constant 0 : i32
        %dma_wait3A_166 = tpu.memref_slice %arg10[%dma_wait3A_164, %dma_wait3A_165] : memref<10240x128xf32, #tpu.memory_space<vmem_shared>> -> memref<10240x128xf32, #tpu.memory_space<vmem_shared>>
        tpu.wait_indirect_dma semaphore(%run_scoped3A_154 : memref<!tpu.dma_semaphore, #tpu.memory_space<semaphore_mem>>) src(%arg8 : memref<128x128xf32, #tpu.memory_space<vmem>>) dst(%dma_wait3A_166 : memref<10240x128xf32, #tpu.memory_space<vmem_shared>>)
        tpu.yield
      }) : () -> ()
      %mul3A_129 = arith.constant 2 : i32
      %mul3A_130 = arith.muli %mul3A_129, %scan3A_107 : i32
      %add3A_131 = arith.constant 2 : i32
      %add3A_132 = arith.addi %mul3A_130, %add3A_131 : i32
      %dma_start3A_133 = arith.constant 0 : i32
      %dma_start3A_134 = tpu.memref_slice %arg6[%add3A_132, %dma_start3A_133] : memref<40x128xi32, #tpu.memory_space<vmem>> -> memref<1x128xi32, #tpu.memory_space<vmem>>
      %dma_start3A_135 = tpu.memref_squeeze %dma_start3A_134 : memref<1x128xi32, #tpu.memory_space<vmem>> -> memref<128xi32, #tpu.memory_space<vmem>>
      %dma_start3A_136 = arith.constant 0 : i32
      %dma_start3A_137 = arith.constant 0 : i32
      %dma_start3A_138 = tpu.memref_slice %arg2[%dma_start3A_136, %dma_start3A_137] : memref<10240x128xf32, #tpu.memory_space<hbm>> -> memref<10240x128xf32, #tpu.memory_space<hbm>>
      tpu.enqueue_indirect_dma source(%dma_start3A_138 : memref<10240x128xf32, #tpu.memory_space<hbm>>) target(%arg8 : memref<128x128xf32, #tpu.memory_space<vmem>>) offsets(%dma_start3A_135 : memref<128xi32, #tpu.memory_space<vmem>>) semaphore(%arg11 : memref<!tpu.dma_semaphore, #tpu.memory_space<semaphore_mem>>)
      %mul3A_139 = arith.constant 2 : i32
      %mul3A_140 = arith.muli %mul3A_139, %scan3A_107 : i32
      %add3A_141 = arith.constant 1 : i32
      %add3A_142 = arith.addi %mul3A_140, %add3A_141 : i32
      %dma_wait3A_143 = arith.constant 0 : i32
      %dma_wait3A_144 = tpu.memref_slice %arg6[%add3A_142, %dma_wait3A_143] : memref<40x128xi32, #tpu.memory_space<vmem>> -> memref<1x128xi32, #tpu.memory_space<vmem>>
      %dma_wait3A_145 = tpu.memref_squeeze %dma_wait3A_144 : memref<1x128xi32, #tpu.memory_space<vmem>> -> memref<128xi32, #tpu.memory_space<vmem>>
      %dma_wait3A_146 = arith.constant 0 : i32
      %dma_wait3A_147 = arith.constant 0 : i32
      %dma_wait3A_148 = tpu.memref_slice %arg2[%dma_wait3A_146, %dma_wait3A_147] : memref<10240x128xf32, #tpu.memory_space<hbm>> -> memref<10240x128xf32, #tpu.memory_space<hbm>>
      tpu.wait_indirect_dma semaphore(%arg12 : memref<!tpu.dma_semaphore, #tpu.memory_space<semaphore_mem>>) src(%dma_wait3A_148 : memref<10240x128xf32, #tpu.memory_space<hbm>>) dst(%arg9 : memref<128x128xf32, #tpu.memory_space<vmem>>)
      %mul3A_149 = arith.constant 2 : i32
      %mul3A_150 = arith.muli %mul3A_149, %scan3A_107 : i32
      %add3A_151 = arith.constant 1 : i32
      %add3A_152 = arith.addi %mul3A_150, %add3A_151 : i32
      "tpu.region"() ({
        %run_scoped3A_154 = tpu.sem_alloc : memref<!tpu.dma_semaphore, #tpu.memory_space<semaphore_mem>>
        %dma_start3A_155 = arith.constant 0 : i32
        %dma_start3A_156 = tpu.memref_slice %arg7[%add3A_152, %dma_start3A_155] : memref<40x128xi32, #tpu.memory_space<vmem>> -> memref<1x128xi32, #tpu.memory_space<vmem>>
        %dma_start3A_157 = tpu.memref_squeeze %dma_start3A_156 : memref<1x128xi32, #tpu.memory_space<vmem>> -> memref<128xi32, #tpu.memory_space<vmem>>
        %dma_start3A_158 = arith.constant 0 : i32
        %dma_start3A_159 = arith.constant 0 : i32
        %dma_start3A_160 = tpu.memref_slice %arg10[%dma_start3A_158, %dma_start3A_159] : memref<10240x128xf32, #tpu.memory_space<vmem_shared>> -> memref<10240x128xf32, #tpu.memory_space<vmem_shared>>
        tpu.enqueue_indirect_dma source(%arg9 : memref<128x128xf32, #tpu.memory_space<vmem>>) target(%dma_start3A_160 : memref<10240x128xf32, #tpu.memory_space<vmem_shared>>) offsets(%dma_start3A_157 : memref<128xi32, #tpu.memory_space<vmem>>) semaphore(%run_scoped3A_154 : memref<!tpu.dma_semaphore, #tpu.memory_space<semaphore_mem>>) {add = true}
        %dma_wait3A_161 = arith.constant 0 : i32
        %dma_wait3A_162 = tpu.memref_slice %arg7[%add3A_152, %dma_wait3A_161] : memref<40x128xi32, #tpu.memory_space<vmem>> -> memref<1x128xi32, #tpu.memory_space<vmem>>
        %dma_wait3A_163 = tpu.memref_squeeze %dma_wait3A_162 : memref<1x128xi32, #tpu.memory_space<vmem>> -> memref<128xi32, #tpu.memory_space<vmem>>
        %dma_wait3A_164 = arith.constant 0 : i32
        %dma_wait3A_165 = arith.constant 0 : i32
        %dma_wait3A_166 = tpu.memref_slice %arg10[%dma_wait3A_164, %dma_wait3A_165] : memref<10240x128xf32, #tpu.memory_space<vmem_shared>> -> memref<10240x128xf32, #tpu.memory_space<vmem_shared>>
        tpu.wait_indirect_dma semaphore(%run_scoped3A_154 : memref<!tpu.dma_semaphore, #tpu.memory_space<semaphore_mem>>) src(%arg9 : memref<128x128xf32, #tpu.memory_space<vmem>>) dst(%dma_wait3A_166 : memref<10240x128xf32, #tpu.memory_space<vmem_shared>>)
        tpu.yield
      }) : () -> ()
      %scan3A_153 = arith.constant 0 : i32
      scf.yield %scan3A_153 : i32
    }
    %scan3A_40 = arith.constant 19 : i32
    %dma_start3A_41 = arith.constant 39 : i32
    %dma_start3A_42 = arith.constant 0 : i32
    %dma_start3A_43 = tpu.memref_slice %arg6[%dma_start3A_41, %dma_start3A_42] : memref<40x128xi32, #tpu.memory_space<vmem>> -> memref<1x128xi32, #tpu.memory_space<vmem>>
    %dma_start3A_44 = tpu.memref_squeeze %dma_start3A_43 : memref<1x128xi32, #tpu.memory_space<vmem>> -> memref<128xi32, #tpu.memory_space<vmem>>
    %dma_start3A_45 = arith.constant 0 : i32
    %dma_start3A_46 = arith.constant 0 : i32
    %dma_start3A_47 = tpu.memref_slice %arg2[%dma_start3A_45, %dma_start3A_46] : memref<10240x128xf32, #tpu.memory_space<hbm>> -> memref<10240x128xf32, #tpu.memory_space<hbm>>
    tpu.enqueue_indirect_dma source(%dma_start3A_47 : memref<10240x128xf32, #tpu.memory_space<hbm>>) target(%arg9 : memref<128x128xf32, #tpu.memory_space<vmem>>) offsets(%dma_start3A_44 : memref<128xi32, #tpu.memory_space<vmem>>) semaphore(%arg12 : memref<!tpu.dma_semaphore, #tpu.memory_space<semaphore_mem>>)
    %dma_wait3A = arith.constant 38 : i32
    %dma_wait3A_48 = arith.constant 0 : i32
    %dma_wait3A_49 = tpu.memref_slice %arg6[%dma_wait3A, %dma_wait3A_48] : memref<40x128xi32, #tpu.memory_space<vmem>> -> memref<1x128xi32, #tpu.memory_space<vmem>>
    %dma_wait3A_50 = tpu.memref_squeeze %dma_wait3A_49 : memref<1x128xi32, #tpu.memory_space<vmem>> -> memref<128xi32, #tpu.memory_space<vmem>>
    %dma_wait3A_51 = arith.constant 0 : i32
    %dma_wait3A_52 = arith.constant 0 : i32
    %dma_wait3A_53 = tpu.memref_slice %arg2[%dma_wait3A_51, %dma_wait3A_52] : memref<10240x128xf32, #tpu.memory_space<hbm>> -> memref<10240x128xf32, #tpu.memory_space<hbm>>
    tpu.wait_indirect_dma semaphore(%arg11 : memref<!tpu.dma_semaphore, #tpu.memory_space<semaphore_mem>>) src(%dma_wait3A_53 : memref<10240x128xf32, #tpu.memory_space<hbm>>) dst(%arg8 : memref<128x128xf32, #tpu.memory_space<vmem>>)
    %run_scoped3A_54 = arith.constant 38 : i32
    "tpu.region"() ({
      %run_scoped3A_107 = tpu.sem_alloc : memref<!tpu.dma_semaphore, #tpu.memory_space<semaphore_mem>>
      %dma_start3A_108 = arith.constant 0 : i32
      %dma_start3A_109 = tpu.memref_slice %arg7[%run_scoped3A_54, %dma_start3A_108] : memref<40x128xi32, #tpu.memory_space<vmem>> -> memref<1x128xi32, #tpu.memory_space<vmem>>
      %dma_start3A_110 = tpu.memref_squeeze %dma_start3A_109 : memref<1x128xi32, #tpu.memory_space<vmem>> -> memref<128xi32, #tpu.memory_space<vmem>>
      %dma_start3A_111 = arith.constant 0 : i32
      %dma_start3A_112 = arith.constant 0 : i32
      %dma_start3A_113 = tpu.memref_slice %arg10[%dma_start3A_111, %dma_start3A_112] : memref<10240x128xf32, #tpu.memory_space<vmem_shared>> -> memref<10240x128xf32, #tpu.memory_space<vmem_shared>>
      tpu.enqueue_indirect_dma source(%arg8 : memref<128x128xf32, #tpu.memory_space<vmem>>) target(%dma_start3A_113 : memref<10240x128xf32, #tpu.memory_space<vmem_shared>>) offsets(%dma_start3A_110 : memref<128xi32, #tpu.memory_space<vmem>>) semaphore(%run_scoped3A_107 : memref<!tpu.dma_semaphore, #tpu.memory_space<semaphore_mem>>) {add = true}
      %dma_wait3A_114 = arith.constant 0 : i32
      %dma_wait3A_115 = tpu.memref_slice %arg7[%run_scoped3A_54, %dma_wait3A_114] : memref<40x128xi32, #tpu.memory_space<vmem>> -> memref<1x128xi32, #tpu.memory_space<vmem>>
      %dma_wait3A_116 = tpu.memref_squeeze %dma_wait3A_115 : memref<1x128xi32, #tpu.memory_space<vmem>> -> memref<128xi32, #tpu.memory_space<vmem>>
      %dma_wait3A_117 = arith.constant 0 : i32
      %dma_wait3A_118 = arith.constant 0 : i32
      %dma_wait3A_119 = tpu.memref_slice %arg10[%dma_wait3A_117, %dma_wait3A_118] : memref<10240x128xf32, #tpu.memory_space<vmem_shared>> -> memref<10240x128xf32, #tpu.memory_space<vmem_shared>>
      tpu.wait_indirect_dma semaphore(%run_scoped3A_107 : memref<!tpu.dma_semaphore, #tpu.memory_space<semaphore_mem>>) src(%arg8 : memref<128x128xf32, #tpu.memory_space<vmem>>) dst(%dma_wait3A_119 : memref<10240x128xf32, #tpu.memory_space<vmem_shared>>)
      tpu.yield
    }) : () -> ()
    %dma_wait3A_55 = arith.constant 39 : i32
    %dma_wait3A_56 = arith.constant 0 : i32
    %dma_wait3A_57 = tpu.memref_slice %arg6[%dma_wait3A_55, %dma_wait3A_56] : memref<40x128xi32, #tpu.memory_space<vmem>> -> memref<1x128xi32, #tpu.memory_space<vmem>>
    %dma_wait3A_58 = tpu.memref_squeeze %dma_wait3A_57 : memref<1x128xi32, #tpu.memory_space<vmem>> -> memref<128xi32, #tpu.memory_space<vmem>>
    %dma_wait3A_59 = arith.constant 0 : i32
    %dma_wait3A_60 = arith.constant 0 : i32
    %dma_wait3A_61 = tpu.memref_slice %arg2[%dma_wait3A_59, %dma_wait3A_60] : memref<10240x128xf32, #tpu.memory_space<hbm>> -> memref<10240x128xf32, #tpu.memory_space<hbm>>
    tpu.wait_indirect_dma semaphore(%arg12 : memref<!tpu.dma_semaphore, #tpu.memory_space<semaphore_mem>>) src(%dma_wait3A_61 : memref<10240x128xf32, #tpu.memory_space<hbm>>) dst(%arg9 : memref<128x128xf32, #tpu.memory_space<vmem>>)
    %run_scoped3A_62 = arith.constant 39 : i32
    "tpu.region"() ({
      %run_scoped3A_107 = tpu.sem_alloc : memref<!tpu.dma_semaphore, #tpu.memory_space<semaphore_mem>>
      %dma_start3A_108 = arith.constant 0 : i32
      %dma_start3A_109 = tpu.memref_slice %arg7[%run_scoped3A_62, %dma_start3A_108] : memref<40x128xi32, #tpu.memory_space<vmem>> -> memref<1x128xi32, #tpu.memory_space<vmem>>
      %dma_start3A_110 = tpu.memref_squeeze %dma_start3A_109 : memref<1x128xi32, #tpu.memory_space<vmem>> -> memref<128xi32, #tpu.memory_space<vmem>>
      %dma_start3A_111 = arith.constant 0 : i32
      %dma_start3A_112 = arith.constant 0 : i32
      %dma_start3A_113 = tpu.memref_slice %arg10[%dma_start3A_111, %dma_start3A_112] : memref<10240x128xf32, #tpu.memory_space<vmem_shared>> -> memref<10240x128xf32, #tpu.memory_space<vmem_shared>>
      tpu.enqueue_indirect_dma source(%arg9 : memref<128x128xf32, #tpu.memory_space<vmem>>) target(%dma_start3A_113 : memref<10240x128xf32, #tpu.memory_space<vmem_shared>>) offsets(%dma_start3A_110 : memref<128xi32, #tpu.memory_space<vmem>>) semaphore(%run_scoped3A_107 : memref<!tpu.dma_semaphore, #tpu.memory_space<semaphore_mem>>) {add = true}
      %dma_wait3A_114 = arith.constant 0 : i32
      %dma_wait3A_115 = tpu.memref_slice %arg7[%run_scoped3A_62, %dma_wait3A_114] : memref<40x128xi32, #tpu.memory_space<vmem>> -> memref<1x128xi32, #tpu.memory_space<vmem>>
      %dma_wait3A_116 = tpu.memref_squeeze %dma_wait3A_115 : memref<1x128xi32, #tpu.memory_space<vmem>> -> memref<128xi32, #tpu.memory_space<vmem>>
      %dma_wait3A_117 = arith.constant 0 : i32
      %dma_wait3A_118 = arith.constant 0 : i32
      %dma_wait3A_119 = tpu.memref_slice %arg10[%dma_wait3A_117, %dma_wait3A_118] : memref<10240x128xf32, #tpu.memory_space<vmem_shared>> -> memref<10240x128xf32, #tpu.memory_space<vmem_shared>>
      tpu.wait_indirect_dma semaphore(%run_scoped3A_107 : memref<!tpu.dma_semaphore, #tpu.memory_space<semaphore_mem>>) src(%arg9 : memref<128x128xf32, #tpu.memory_space<vmem>>) dst(%dma_wait3A_119 : memref<10240x128xf32, #tpu.memory_space<vmem_shared>>)
      tpu.yield
    }) : () -> ()
    %run_scoped3A_63 = arith.constant 1 : i32
    "tpu.region"() ({
      %run_scoped3A_107 = tpu.sem_alloc : memref<!tpu.dma_semaphore, #tpu.memory_space<semaphore_mem>>
      %dma_start3A_108 = arith.constant 0 : i32
      %dma_start3A_109 = arith.constant 0 : i32
      %dma_start3A_110 = tpu.memref_slice %arg3[%add3A, %run_scoped3A_63, %dma_start3A_108, %dma_start3A_109] : memref<32x2x40x128xi32, #tpu.memory_space<hbm>> -> memref<1x1x40x128xi32, #tpu.memory_space<hbm>>
      %dma_start3A_111 = tpu.memref_squeeze %dma_start3A_110 : memref<1x1x40x128xi32, #tpu.memory_space<hbm>> -> memref<40x128xi32, #tpu.memory_space<hbm>>
      %dma_start3A_112 = arith.constant 0 : i32
      %dma_start3A_113 = arith.constant 0 : i32
      %dma_start3A_114 = tpu.memref_slice %arg3[%add3A, %run_scoped3A_63, %dma_start3A_112, %dma_start3A_113] : memref<32x2x40x128xi32, #tpu.memory_space<hbm>> -> memref<1x1x40x128xi32, #tpu.memory_space<hbm>>
      %dma_start3A_115 = tpu.memref_squeeze %dma_start3A_114 : memref<1x1x40x128xi32, #tpu.memory_space<hbm>> -> memref<40x128xi32, #tpu.memory_space<hbm>>
      tpu.enqueue_dma source(%dma_start3A_115 : memref<40x128xi32, #tpu.memory_space<hbm>>) target(%arg6 : memref<40x128xi32, #tpu.memory_space<vmem>>) target_semaphore(%run_scoped3A_107 : memref<!tpu.dma_semaphore, #tpu.memory_space<semaphore_mem>>)
      %dma_wait3A_116 = arith.constant 0 : i32
      %dma_wait3A_117 = arith.constant 0 : i32
      %dma_wait3A_118 = tpu.memref_slice %arg3[%add3A, %run_scoped3A_63, %dma_wait3A_116, %dma_wait3A_117] : memref<32x2x40x128xi32, #tpu.memory_space<hbm>> -> memref<1x1x40x128xi32, #tpu.memory_space<hbm>>
      %dma_wait3A_119 = tpu.memref_squeeze %dma_wait3A_118 : memref<1x1x40x128xi32, #tpu.memory_space<hbm>> -> memref<40x128xi32, #tpu.memory_space<hbm>>
      %dma_wait3A_120 = arith.constant 0 : i32
      %dma_wait3A_121 = arith.constant 0 : i32
      %dma_wait3A_122 = tpu.memref_slice %arg3[%add3A, %run_scoped3A_63, %dma_wait3A_120, %dma_wait3A_121] : memref<32x2x40x128xi32, #tpu.memory_space<hbm>> -> memref<1x1x40x128xi32, #tpu.memory_space<hbm>>
      %dma_wait3A_123 = tpu.memref_squeeze %dma_wait3A_122 : memref<1x1x40x128xi32, #tpu.memory_space<hbm>> -> memref<40x128xi32, #tpu.memory_space<hbm>>
      tpu.wait_dma2 semaphore(%run_scoped3A_107 : memref<!tpu.dma_semaphore, #tpu.memory_space<semaphore_mem>>) src(%dma_wait3A_123 : memref<40x128xi32, #tpu.memory_space<hbm>>) dst(%arg6 : memref<40x128xi32, #tpu.memory_space<vmem>>)
      tpu.yield
    }) : () -> ()
    %run_scoped3A_64 = arith.constant 1 : i32
    "tpu.region"() ({
      %run_scoped3A_107 = tpu.sem_alloc : memref<!tpu.dma_semaphore, #tpu.memory_space<semaphore_mem>>
      %dma_start3A_108 = arith.constant 0 : i32
      %dma_start3A_109 = arith.constant 0 : i32
      %dma_start3A_110 = tpu.memref_slice %arg4[%add3A, %run_scoped3A_64, %dma_start3A_108, %dma_start3A_109] : memref<32x2x40x128xi32, #tpu.memory_space<hbm>> -> memref<1x1x40x128xi32, #tpu.memory_space<hbm>>
      %dma_start3A_111 = tpu.memref_squeeze %dma_start3A_110 : memref<1x1x40x128xi32, #tpu.memory_space<hbm>> -> memref<40x128xi32, #tpu.memory_space<hbm>>
      %dma_start3A_112 = arith.constant 0 : i32
      %dma_start3A_113 = arith.constant 0 : i32
      %dma_start3A_114 = tpu.memref_slice %arg4[%add3A, %run_scoped3A_64, %dma_start3A_112, %dma_start3A_113] : memref<32x2x40x128xi32, #tpu.memory_space<hbm>> -> memref<1x1x40x128xi32, #tpu.memory_space<hbm>>
      %dma_start3A_115 = tpu.memref_squeeze %dma_start3A_114 : memref<1x1x40x128xi32, #tpu.memory_space<hbm>> -> memref<40x128xi32, #tpu.memory_space<hbm>>
      tpu.enqueue_dma source(%dma_start3A_115 : memref<40x128xi32, #tpu.memory_space<hbm>>) target(%arg7 : memref<40x128xi32, #tpu.memory_space<vmem>>) target_semaphore(%run_scoped3A_107 : memref<!tpu.dma_semaphore, #tpu.memory_space<semaphore_mem>>)
      %dma_wait3A_116 = arith.constant 0 : i32
      %dma_wait3A_117 = arith.constant 0 : i32
      %dma_wait3A_118 = tpu.memref_slice %arg4[%add3A, %run_scoped3A_64, %dma_wait3A_116, %dma_wait3A_117] : memref<32x2x40x128xi32, #tpu.memory_space<hbm>> -> memref<1x1x40x128xi32, #tpu.memory_space<hbm>>
      %dma_wait3A_119 = tpu.memref_squeeze %dma_wait3A_118 : memref<1x1x40x128xi32, #tpu.memory_space<hbm>> -> memref<40x128xi32, #tpu.memory_space<hbm>>
      %dma_wait3A_120 = arith.constant 0 : i32
      %dma_wait3A_121 = arith.constant 0 : i32
      %dma_wait3A_122 = tpu.memref_slice %arg4[%add3A, %run_scoped3A_64, %dma_wait3A_120, %dma_wait3A_121] : memref<32x2x40x128xi32, #tpu.memory_space<hbm>> -> memref<1x1x40x128xi32, #tpu.memory_space<hbm>>
      %dma_wait3A_123 = tpu.memref_squeeze %dma_wait3A_122 : memref<1x1x40x128xi32, #tpu.memory_space<hbm>> -> memref<40x128xi32, #tpu.memory_space<hbm>>
      tpu.wait_dma2 semaphore(%run_scoped3A_107 : memref<!tpu.dma_semaphore, #tpu.memory_space<semaphore_mem>>) src(%dma_wait3A_123 : memref<40x128xi32, #tpu.memory_space<hbm>>) dst(%arg7 : memref<40x128xi32, #tpu.memory_space<vmem>>)
      tpu.yield
    }) : () -> ()
    %dma_start3A_65 = arith.constant 0 : i32
    %dma_start3A_66 = arith.constant 0 : i32
    %dma_start3A_67 = tpu.memref_slice %arg6[%dma_start3A_65, %dma_start3A_66] : memref<40x128xi32, #tpu.memory_space<vmem>> -> memref<1x128xi32, #tpu.memory_space<vmem>>
    %dma_start3A_68 = tpu.memref_squeeze %dma_start3A_67 : memref<1x128xi32, #tpu.memory_space<vmem>> -> memref<128xi32, #tpu.memory_space<vmem>>
    %dma_start3A_69 = arith.constant 0 : i32
    %dma_start3A_70 = arith.constant 0 : i32
    %dma_start3A_71 = tpu.memref_slice %arg2[%dma_start3A_69, %dma_start3A_70] : memref<10240x128xf32, #tpu.memory_space<hbm>> -> memref<10240x128xf32, #tpu.memory_space<hbm>>
    tpu.enqueue_indirect_dma source(%dma_start3A_71 : memref<10240x128xf32, #tpu.memory_space<hbm>>) target(%arg8 : memref<128x128xf32, #tpu.memory_space<vmem>>) offsets(%dma_start3A_68 : memref<128xi32, #tpu.memory_space<vmem>>) semaphore(%arg11 : memref<!tpu.dma_semaphore, #tpu.memory_space<semaphore_mem>>)
    %scan3A_72 = arith.constant 0 : i32
    %scan3A_73 = arith.constant 0 : i32
    %scan3A_74 = arith.constant 19 : i32
    %scan3A_75 = arith.addi %scan3A_73, %scan3A_74 : i32
    %scan3A_76 = arith.constant 1 : i32
    %scan3A_77 = scf.for %scan3A_107 = %scan3A_73 to %scan3A_75 step %scan3A_76 iter_args(%scan3A_108 = %scan3A_72) -> (i32)  : i32 {
      %mul3A_109 = arith.constant 2 : i32
      %mul3A_110 = arith.muli %mul3A_109, %scan3A_107 : i32
      %add3A_111 = arith.constant 1 : i32
      %add3A_112 = arith.addi %mul3A_110, %add3A_111 : i32
      %dma_start3A_113 = arith.constant 0 : i32
      %dma_start3A_114 = tpu.memref_slice %arg6[%add3A_112, %dma_start3A_113] : memref<40x128xi32, #tpu.memory_space<vmem>> -> memref<1x128xi32, #tpu.memory_space<vmem>>
      %dma_start3A_115 = tpu.memref_squeeze %dma_start3A_114 : memref<1x128xi32, #tpu.memory_space<vmem>> -> memref<128xi32, #tpu.memory_space<vmem>>
      %dma_start3A_116 = arith.constant 0 : i32
      %dma_start3A_117 = arith.constant 0 : i32
      %dma_start3A_118 = tpu.memref_slice %arg2[%dma_start3A_116, %dma_start3A_117] : memref<10240x128xf32, #tpu.memory_space<hbm>> -> memref<10240x128xf32, #tpu.memory_space<hbm>>
      tpu.enqueue_indirect_dma source(%dma_start3A_118 : memref<10240x128xf32, #tpu.memory_space<hbm>>) target(%arg9 : memref<128x128xf32, #tpu.memory_space<vmem>>) offsets(%dma_start3A_115 : memref<128xi32, #tpu.memory_space<vmem>>) semaphore(%arg12 : memref<!tpu.dma_semaphore, #tpu.memory_space<semaphore_mem>>)
      %mul3A_119 = arith.constant 2 : i32
      %mul3A_120 = arith.muli %mul3A_119, %scan3A_107 : i32
      %dma_wait3A_121 = arith.constant 0 : i32
      %dma_wait3A_122 = tpu.memref_slice %arg6[%mul3A_120, %dma_wait3A_121] : memref<40x128xi32, #tpu.memory_space<vmem>> -> memref<1x128xi32, #tpu.memory_space<vmem>>
      %dma_wait3A_123 = tpu.memref_squeeze %dma_wait3A_122 : memref<1x128xi32, #tpu.memory_space<vmem>> -> memref<128xi32, #tpu.memory_space<vmem>>
      %dma_wait3A_124 = arith.constant 0 : i32
      %dma_wait3A_125 = arith.constant 0 : i32
      %dma_wait3A_126 = tpu.memref_slice %arg2[%dma_wait3A_124, %dma_wait3A_125] : memref<10240x128xf32, #tpu.memory_space<hbm>> -> memref<10240x128xf32, #tpu.memory_space<hbm>>
      tpu.wait_indirect_dma semaphore(%arg11 : memref<!tpu.dma_semaphore, #tpu.memory_space<semaphore_mem>>) src(%dma_wait3A_126 : memref<10240x128xf32, #tpu.memory_space<hbm>>) dst(%arg8 : memref<128x128xf32, #tpu.memory_space<vmem>>)
      %mul3A_127 = arith.constant 2 : i32
      %mul3A_128 = arith.muli %mul3A_127, %scan3A_107 : i32
      "tpu.region"() ({
        %run_scoped3A_154 = tpu.sem_alloc : memref<!tpu.dma_semaphore, #tpu.memory_space<semaphore_mem>>
        %dma_start3A_155 = arith.constant 0 : i32
        %dma_start3A_156 = tpu.memref_slice %arg7[%mul3A_128, %dma_start3A_155] : memref<40x128xi32, #tpu.memory_space<vmem>> -> memref<1x128xi32, #tpu.memory_space<vmem>>
        %dma_start3A_157 = tpu.memref_squeeze %dma_start3A_156 : memref<1x128xi32, #tpu.memory_space<vmem>> -> memref<128xi32, #tpu.memory_space<vmem>>
        %dma_start3A_158 = arith.constant 0 : i32
        %dma_start3A_159 = arith.constant 0 : i32
        %dma_start3A_160 = tpu.memref_slice %arg10[%dma_start3A_158, %dma_start3A_159] : memref<10240x128xf32, #tpu.memory_space<vmem_shared>> -> memref<10240x128xf32, #tpu.memory_space<vmem_shared>>
        tpu.enqueue_indirect_dma source(%arg8 : memref<128x128xf32, #tpu.memory_space<vmem>>) target(%dma_start3A_160 : memref<10240x128xf32, #tpu.memory_space<vmem_shared>>) offsets(%dma_start3A_157 : memref<128xi32, #tpu.memory_space<vmem>>) semaphore(%run_scoped3A_154 : memref<!tpu.dma_semaphore, #tpu.memory_space<semaphore_mem>>) {add = true}
        %dma_wait3A_161 = arith.constant 0 : i32
        %dma_wait3A_162 = tpu.memref_slice %arg7[%mul3A_128, %dma_wait3A_161] : memref<40x128xi32, #tpu.memory_space<vmem>> -> memref<1x128xi32, #tpu.memory_space<vmem>>
        %dma_wait3A_163 = tpu.memref_squeeze %dma_wait3A_162 : memref<1x128xi32, #tpu.memory_space<vmem>> -> memref<128xi32, #tpu.memory_space<vmem>>
        %dma_wait3A_164 = arith.constant 0 : i32
        %dma_wait3A_165 = arith.constant 0 : i32
        %dma_wait3A_166 = tpu.memref_slice %arg10[%dma_wait3A_164, %dma_wait3A_165] : memref<10240x128xf32, #tpu.memory_space<vmem_shared>> -> memref<10240x128xf32, #tpu.memory_space<vmem_shared>>
        tpu.wait_indirect_dma semaphore(%run_scoped3A_154 : memref<!tpu.dma_semaphore, #tpu.memory_space<semaphore_mem>>) src(%arg8 : memref<128x128xf32, #tpu.memory_space<vmem>>) dst(%dma_wait3A_166 : memref<10240x128xf32, #tpu.memory_space<vmem_shared>>)
        tpu.yield
      }) : () -> ()
      %mul3A_129 = arith.constant 2 : i32
      %mul3A_130 = arith.muli %mul3A_129, %scan3A_107 : i32
      %add3A_131 = arith.constant 2 : i32
      %add3A_132 = arith.addi %mul3A_130, %add3A_131 : i32
      %dma_start3A_133 = arith.constant 0 : i32
      %dma_start3A_134 = tpu.memref_slice %arg6[%add3A_132, %dma_start3A_133] : memref<40x128xi32, #tpu.memory_space<vmem>> -> memref<1x128xi32, #tpu.memory_space<vmem>>
      %dma_start3A_135 = tpu.memref_squeeze %dma_start3A_134 : memref<1x128xi32, #tpu.memory_space<vmem>> -> memref<128xi32, #tpu.memory_space<vmem>>
      %dma_start3A_136 = arith.constant 0 : i32
      %dma_start3A_137 = arith.constant 0 : i32
      %dma_start3A_138 = tpu.memref_slice %arg2[%dma_start3A_136, %dma_start3A_137] : memref<10240x128xf32, #tpu.memory_space<hbm>> -> memref<10240x128xf32, #tpu.memory_space<hbm>>
      tpu.enqueue_indirect_dma source(%dma_start3A_138 : memref<10240x128xf32, #tpu.memory_space<hbm>>) target(%arg8 : memref<128x128xf32, #tpu.memory_space<vmem>>) offsets(%dma_start3A_135 : memref<128xi32, #tpu.memory_space<vmem>>) semaphore(%arg11 : memref<!tpu.dma_semaphore, #tpu.memory_space<semaphore_mem>>)
      %mul3A_139 = arith.constant 2 : i32
      %mul3A_140 = arith.muli %mul3A_139, %scan3A_107 : i32
      %add3A_141 = arith.constant 1 : i32
      %add3A_142 = arith.addi %mul3A_140, %add3A_141 : i32
      %dma_wait3A_143 = arith.constant 0 : i32
      %dma_wait3A_144 = tpu.memref_slice %arg6[%add3A_142, %dma_wait3A_143] : memref<40x128xi32, #tpu.memory_space<vmem>> -> memref<1x128xi32, #tpu.memory_space<vmem>>
      %dma_wait3A_145 = tpu.memref_squeeze %dma_wait3A_144 : memref<1x128xi32, #tpu.memory_space<vmem>> -> memref<128xi32, #tpu.memory_space<vmem>>
      %dma_wait3A_146 = arith.constant 0 : i32
      %dma_wait3A_147 = arith.constant 0 : i32
      %dma_wait3A_148 = tpu.memref_slice %arg2[%dma_wait3A_146, %dma_wait3A_147] : memref<10240x128xf32, #tpu.memory_space<hbm>> -> memref<10240x128xf32, #tpu.memory_space<hbm>>
      tpu.wait_indirect_dma semaphore(%arg12 : memref<!tpu.dma_semaphore, #tpu.memory_space<semaphore_mem>>) src(%dma_wait3A_148 : memref<10240x128xf32, #tpu.memory_space<hbm>>) dst(%arg9 : memref<128x128xf32, #tpu.memory_space<vmem>>)
      %mul3A_149 = arith.constant 2 : i32
      %mul3A_150 = arith.muli %mul3A_149, %scan3A_107 : i32
      %add3A_151 = arith.constant 1 : i32
      %add3A_152 = arith.addi %mul3A_150, %add3A_151 : i32
      "tpu.region"() ({
        %run_scoped3A_154 = tpu.sem_alloc : memref<!tpu.dma_semaphore, #tpu.memory_space<semaphore_mem>>
        %dma_start3A_155 = arith.constant 0 : i32
        %dma_start3A_156 = tpu.memref_slice %arg7[%add3A_152, %dma_start3A_155] : memref<40x128xi32, #tpu.memory_space<vmem>> -> memref<1x128xi32, #tpu.memory_space<vmem>>
        %dma_start3A_157 = tpu.memref_squeeze %dma_start3A_156 : memref<1x128xi32, #tpu.memory_space<vmem>> -> memref<128xi32, #tpu.memory_space<vmem>>
        %dma_start3A_158 = arith.constant 0 : i32
        %dma_start3A_159 = arith.constant 0 : i32
        %dma_start3A_160 = tpu.memref_slice %arg10[%dma_start3A_158, %dma_start3A_159] : memref<10240x128xf32, #tpu.memory_space<vmem_shared>> -> memref<10240x128xf32, #tpu.memory_space<vmem_shared>>
        tpu.enqueue_indirect_dma source(%arg9 : memref<128x128xf32, #tpu.memory_space<vmem>>) target(%dma_start3A_160 : memref<10240x128xf32, #tpu.memory_space<vmem_shared>>) offsets(%dma_start3A_157 : memref<128xi32, #tpu.memory_space<vmem>>) semaphore(%run_scoped3A_154 : memref<!tpu.dma_semaphore, #tpu.memory_space<semaphore_mem>>) {add = true}
        %dma_wait3A_161 = arith.constant 0 : i32
        %dma_wait3A_162 = tpu.memref_slice %arg7[%add3A_152, %dma_wait3A_161] : memref<40x128xi32, #tpu.memory_space<vmem>> -> memref<1x128xi32, #tpu.memory_space<vmem>>
        %dma_wait3A_163 = tpu.memref_squeeze %dma_wait3A_162 : memref<1x128xi32, #tpu.memory_space<vmem>> -> memref<128xi32, #tpu.memory_space<vmem>>
        %dma_wait3A_164 = arith.constant 0 : i32
        %dma_wait3A_165 = arith.constant 0 : i32
        %dma_wait3A_166 = tpu.memref_slice %arg10[%dma_wait3A_164, %dma_wait3A_165] : memref<10240x128xf32, #tpu.memory_space<vmem_shared>> -> memref<10240x128xf32, #tpu.memory_space<vmem_shared>>
        tpu.wait_indirect_dma semaphore(%run_scoped3A_154 : memref<!tpu.dma_semaphore, #tpu.memory_space<semaphore_mem>>) src(%arg9 : memref<128x128xf32, #tpu.memory_space<vmem>>) dst(%dma_wait3A_166 : memref<10240x128xf32, #tpu.memory_space<vmem_shared>>)
        tpu.yield
      }) : () -> ()
      %scan3A_153 = arith.constant 0 : i32
      scf.yield %scan3A_153 : i32
    }
    %scan3A_78 = arith.constant 19 : i32
    %dma_start3A_79 = arith.constant 39 : i32
    %dma_start3A_80 = arith.constant 0 : i32
    %dma_start3A_81 = tpu.memref_slice %arg6[%dma_start3A_79, %dma_start3A_80] : memref<40x128xi32, #tpu.memory_space<vmem>> -> memref<1x128xi32, #tpu.memory_space<vmem>>
    %dma_start3A_82 = tpu.memref_squeeze %dma_start3A_81 : memref<1x128xi32, #tpu.memory_space<vmem>> -> memref<128xi32, #tpu.memory_space<vmem>>
    %dma_start3A_83 = arith.constant 0 : i32
    %dma_start3A_84 = arith.constant 0 : i32
    %dma_start3A_85 = tpu.memref_slice %arg2[%dma_start3A_83, %dma_start3A_84] : memref<10240x128xf32, #tpu.memory_space<hbm>> -> memref<10240x128xf32, #tpu.memory_space<hbm>>
    tpu.enqueue_indirect_dma source(%dma_start3A_85 : memref<10240x128xf32, #tpu.memory_space<hbm>>) target(%arg9 : memref<128x128xf32, #tpu.memory_space<vmem>>) offsets(%dma_start3A_82 : memref<128xi32, #tpu.memory_space<vmem>>) semaphore(%arg12 : memref<!tpu.dma_semaphore, #tpu.memory_space<semaphore_mem>>)
    %dma_wait3A_86 = arith.constant 38 : i32
    %dma_wait3A_87 = arith.constant 0 : i32
    %dma_wait3A_88 = tpu.memref_slice %arg6[%dma_wait3A_86, %dma_wait3A_87] : memref<40x128xi32, #tpu.memory_space<vmem>> -> memref<1x128xi32, #tpu.memory_space<vmem>>
    %dma_wait3A_89 = tpu.memref_squeeze %dma_wait3A_88 : memref<1x128xi32, #tpu.memory_space<vmem>> -> memref<128xi32, #tpu.memory_space<vmem>>
    %dma_wait3A_90 = arith.constant 0 : i32
    %dma_wait3A_91 = arith.constant 0 : i32
    %dma_wait3A_92 = tpu.memref_slice %arg2[%dma_wait3A_90, %dma_wait3A_91] : memref<10240x128xf32, #tpu.memory_space<hbm>> -> memref<10240x128xf32, #tpu.memory_space<hbm>>
    tpu.wait_indirect_dma semaphore(%arg11 : memref<!tpu.dma_semaphore, #tpu.memory_space<semaphore_mem>>) src(%dma_wait3A_92 : memref<10240x128xf32, #tpu.memory_space<hbm>>) dst(%arg8 : memref<128x128xf32, #tpu.memory_space<vmem>>)
    %run_scoped3A_93 = arith.constant 38 : i32
    "tpu.region"() ({
      %run_scoped3A_107 = tpu.sem_alloc : memref<!tpu.dma_semaphore, #tpu.memory_space<semaphore_mem>>
      %dma_start3A_108 = arith.constant 0 : i32
      %dma_start3A_109 = tpu.memref_slice %arg7[%run_scoped3A_93, %dma_start3A_108] : memref<40x128xi32, #tpu.memory_space<vmem>> -> memref<1x128xi32, #tpu.memory_space<vmem>>
      %dma_start3A_110 = tpu.memref_squeeze %dma_start3A_109 : memref<1x128xi32, #tpu.memory_space<vmem>> -> memref<128xi32, #tpu.memory_space<vmem>>
      %dma_start3A_111 = arith.constant 0 : i32
      %dma_start3A_112 = arith.constant 0 : i32
      %dma_start3A_113 = tpu.memref_slice %arg10[%dma_start3A_111, %dma_start3A_112] : memref<10240x128xf32, #tpu.memory_space<vmem_shared>> -> memref<10240x128xf32, #tpu.memory_space<vmem_shared>>
      tpu.enqueue_indirect_dma source(%arg8 : memref<128x128xf32, #tpu.memory_space<vmem>>) target(%dma_start3A_113 : memref<10240x128xf32, #tpu.memory_space<vmem_shared>>) offsets(%dma_start3A_110 : memref<128xi32, #tpu.memory_space<vmem>>) semaphore(%run_scoped3A_107 : memref<!tpu.dma_semaphore, #tpu.memory_space<semaphore_mem>>) {add = true}
      %dma_wait3A_114 = arith.constant 0 : i32
      %dma_wait3A_115 = tpu.memref_slice %arg7[%run_scoped3A_93, %dma_wait3A_114] : memref<40x128xi32, #tpu.memory_space<vmem>> -> memref<1x128xi32, #tpu.memory_space<vmem>>
      %dma_wait3A_116 = tpu.memref_squeeze %dma_wait3A_115 : memref<1x128xi32, #tpu.memory_space<vmem>> -> memref<128xi32, #tpu.memory_space<vmem>>
      %dma_wait3A_117 = arith.constant 0 : i32
      %dma_wait3A_118 = arith.constant 0 : i32
      %dma_wait3A_119 = tpu.memref_slice %arg10[%dma_wait3A_117, %dma_wait3A_118] : memref<10240x128xf32, #tpu.memory_space<vmem_shared>> -> memref<10240x128xf32, #tpu.memory_space<vmem_shared>>
      tpu.wait_indirect_dma semaphore(%run_scoped3A_107 : memref<!tpu.dma_semaphore, #tpu.memory_space<semaphore_mem>>) src(%arg8 : memref<128x128xf32, #tpu.memory_space<vmem>>) dst(%dma_wait3A_119 : memref<10240x128xf32, #tpu.memory_space<vmem_shared>>)
      tpu.yield
    }) : () -> ()
    %dma_wait3A_94 = arith.constant 39 : i32
    %dma_wait3A_95 = arith.constant 0 : i32
    %dma_wait3A_96 = tpu.memref_slice %arg6[%dma_wait3A_94, %dma_wait3A_95] : memref<40x128xi32, #tpu.memory_space<vmem>> -> memref<1x128xi32, #tpu.memory_space<vmem>>
    %dma_wait3A_97 = tpu.memref_squeeze %dma_wait3A_96 : memref<1x128xi32, #tpu.memory_space<vmem>> -> memref<128xi32, #tpu.memory_space<vmem>>
    %dma_wait3A_98 = arith.constant 0 : i32
    %dma_wait3A_99 = arith.constant 0 : i32
    %dma_wait3A_100 = tpu.memref_slice %arg2[%dma_wait3A_98, %dma_wait3A_99] : memref<10240x128xf32, #tpu.memory_space<hbm>> -> memref<10240x128xf32, #tpu.memory_space<hbm>>
    tpu.wait_indirect_dma semaphore(%arg12 : memref<!tpu.dma_semaphore, #tpu.memory_space<semaphore_mem>>) src(%dma_wait3A_100 : memref<10240x128xf32, #tpu.memory_space<hbm>>) dst(%arg9 : memref<128x128xf32, #tpu.memory_space<vmem>>)
    %run_scoped3A_101 = arith.constant 39 : i32
    "tpu.region"() ({
      %run_scoped3A_107 = tpu.sem_alloc : memref<!tpu.dma_semaphore, #tpu.memory_space<semaphore_mem>>
      %dma_start3A_108 = arith.constant 0 : i32
      %dma_start3A_109 = tpu.memref_slice %arg7[%run_scoped3A_101, %dma_start3A_108] : memref<40x128xi32, #tpu.memory_space<vmem>> -> memref<1x128xi32, #tpu.memory_space<vmem>>
      %dma_start3A_110 = tpu.memref_squeeze %dma_start3A_109 : memref<1x128xi32, #tpu.memory_space<vmem>> -> memref<128xi32, #tpu.memory_space<vmem>>
      %dma_start3A_111 = arith.constant 0 : i32
      %dma_start3A_112 = arith.constant 0 : i32
      %dma_start3A_113 = tpu.memref_slice %arg10[%dma_start3A_111, %dma_start3A_112] : memref<10240x128xf32, #tpu.memory_space<vmem_shared>> -> memref<10240x128xf32, #tpu.memory_space<vmem_shared>>
      tpu.enqueue_indirect_dma source(%arg9 : memref<128x128xf32, #tpu.memory_space<vmem>>) target(%dma_start3A_113 : memref<10240x128xf32, #tpu.memory_space<vmem_shared>>) offsets(%dma_start3A_110 : memref<128xi32, #tpu.memory_space<vmem>>) semaphore(%run_scoped3A_107 : memref<!tpu.dma_semaphore, #tpu.memory_space<semaphore_mem>>) {add = true}
      %dma_wait3A_114 = arith.constant 0 : i32
      %dma_wait3A_115 = tpu.memref_slice %arg7[%run_scoped3A_101, %dma_wait3A_114] : memref<40x128xi32, #tpu.memory_space<vmem>> -> memref<1x128xi32, #tpu.memory_space<vmem>>
      %dma_wait3A_116 = tpu.memref_squeeze %dma_wait3A_115 : memref<1x128xi32, #tpu.memory_space<vmem>> -> memref<128xi32, #tpu.memory_space<vmem>>
      %dma_wait3A_117 = arith.constant 0 : i32
      %dma_wait3A_118 = arith.constant 0 : i32
      %dma_wait3A_119 = tpu.memref_slice %arg10[%dma_wait3A_117, %dma_wait3A_118] : memref<10240x128xf32, #tpu.memory_space<vmem_shared>> -> memref<10240x128xf32, #tpu.memory_space<vmem_shared>>
      tpu.wait_indirect_dma semaphore(%run_scoped3A_107 : memref<!tpu.dma_semaphore, #tpu.memory_space<semaphore_mem>>) src(%arg9 : memref<128x128xf32, #tpu.memory_space<vmem>>) dst(%dma_wait3A_119 : memref<10240x128xf32, #tpu.memory_space<vmem_shared>>)
      tpu.yield
    }) : () -> ()
    %barrier3A_102 = arith.constant 0 : index
    tpu.barrier barrier_id(%barrier3A_102)
    %mul3A_103 = arith.constant 640 : i32
    %mul3A_104 = arith.muli %arg1, %mul3A_103 : i32
    %mul3A_105 = arith.constant 640 : i32
    %mul3A_106 = arith.muli %arg1, %mul3A_105 : i32
    "tpu.region"() ({
      %run_scoped3A_107 = tpu.sem_alloc : memref<!tpu.dma_semaphore, #tpu.memory_space<semaphore_mem>>
      %dma_start3A_108 = arith.constant 0 : i32
      %dma_start3A_109 = tpu.memref_slice %arg5[%arg0, %mul3A_106, %dma_start3A_108] : memref<2x10240x128xf32, #tpu.memory_space<hbm>> -> memref<1x640x128xf32, #tpu.memory_space<hbm>>
      %dma_start3A_110 = tpu.memref_squeeze %dma_start3A_109 : memref<1x640x128xf32, #tpu.memory_space<hbm>> -> memref<640x128xf32, #tpu.memory_space<hbm>>
      %dma_start3A_111 = arith.constant 0 : i32
      %dma_start3A_112 = tpu.memref_slice %arg10[%mul3A_104, %dma_start3A_111] : memref<10240x128xf32, #tpu.memory_space<vmem_shared>> -> memref<640x128xf32, #tpu.memory_space<vmem_shared>>
      tpu.enqueue_dma source(%dma_start3A_112 : memref<640x128xf32, #tpu.memory_space<vmem_shared>>) target(%dma_start3A_110 : memref<640x128xf32, #tpu.memory_space<hbm>>) target_semaphore(%run_scoped3A_107 : memref<!tpu.dma_semaphore, #tpu.memory_space<semaphore_mem>>)
      %dma_wait3A_113 = arith.constant 0 : i32
      %dma_wait3A_114 = tpu.memref_slice %arg5[%arg0, %mul3A_106, %dma_wait3A_113] : memref<2x10240x128xf32, #tpu.memory_space<hbm>> -> memref<1x640x128xf32, #tpu.memory_space<hbm>>
      %dma_wait3A_115 = tpu.memref_squeeze %dma_wait3A_114 : memref<1x640x128xf32, #tpu.memory_space<hbm>> -> memref<640x128xf32, #tpu.memory_space<hbm>>
      %dma_wait3A_116 = arith.constant 0 : i32
      %dma_wait3A_117 = tpu.memref_slice %arg10[%mul3A_104, %dma_wait3A_116] : memref<10240x128xf32, #tpu.memory_space<vmem_shared>> -> memref<640x128xf32, #tpu.memory_space<vmem_shared>>
      tpu.wait_dma2 semaphore(%run_scoped3A_107 : memref<!tpu.dma_semaphore, #tpu.memory_space<semaphore_mem>>) src(%dma_wait3A_117 : memref<640x128xf32, #tpu.memory_space<vmem_shared>>) dst(%dma_wait3A_115 : memref<640x128xf32, #tpu.memory_space<hbm>>)
      tpu.yield
    }) : () -> ()
    return
  }
}

module attributes {stable_mosaic.version = 14 : i64} {
  func.func @_tcmm_body(%arg0: i32, %arg1: memref<1024x128xf32, #tpu.memory_space<vmem>>, %arg2: memref<128x128xf32, #tpu.memory_space<vmem>>, %arg3: memref<1024x128xf32, #tpu.memory_space<vmem>>) attributes {dimension_semantics = [#tpu.dimension_semantics<arbitrary>], iteration_bounds = array<i64: 10>, scalar_prefetch = 0 : i64, scratch_operands = 0 : i64, tpu.core_type = #tpu.core_type<tc>, window_params = [{transform_indices = @transform_0, window_bounds = array<i64: 1024, 128>}, {pipeline_mode = #tpu.pipeline_mode<synchronous>, transform_indices = @transform_1, window_bounds = array<i64: 128, 128>}, {transform_indices = @transform_2, window_bounds = array<i64: 1024, 128>}]} {
    %get3A = arith.constant 0 : index
    %get3A_0 = arith.constant 0 : index
    %get3A_1 = vector.load %arg1[%get3A, %get3A_0] : memref<1024x128xf32, #tpu.memory_space<vmem>>, vector<1024x128xf32>
    %get3A_2 = arith.constant 0 : index
    %get3A_3 = arith.constant 0 : index
    %get3A_4 = vector.load %arg2[%get3A_2, %get3A_3] : memref<128x128xf32, #tpu.memory_space<vmem>>, vector<128x128xf32>
    %dot_general3A = arith.constant dense<0.000000e+00> : vector<1024x128xf32>
    %dot_general3A_5 = tpu.matmul %get3A_1, %get3A_4, %dot_general3A {dimension_numbers = #tpu.dot_dimension_numbers<[1], [0], [0], [1], [0, 0, 1, 1], [], []>, transpose_lhs_hint = false} : vector<1024x128xf32>, vector<128x128xf32>, vector<1024x128xf32> -> vector<1024x128xf32>
    %swap3A = arith.constant 0 : index
    %swap3A_6 = arith.constant 0 : index
    %swap3A_7 = vector.load %arg3[%swap3A, %swap3A_6] : memref<1024x128xf32, #tpu.memory_space<vmem>>, vector<1024x128xf32>
    tpu.vector_store %arg3[%swap3A, %swap3A_6], %dot_general3A_5 {strides = array<i32>} : memref<1024x128xf32, #tpu.memory_space<vmem>>, vector<1024x128xf32>,
    return
  }
  func.func @transform_0(%arg0: i32) -> (i32, i32) {
    %c0_i32 = arith.constant 0 : i32
    %c0_i32_0 = arith.constant 0 : i32
    return %arg0, %c0_i32 : i32, i32
  }
  func.func @transform_1(%arg0: i32) -> (i32, i32) {
    %c0_i32 = arith.constant 0 : i32
    %c0_i32_0 = arith.constant 0 : i32
    %c0_i32_1 = arith.constant 0 : i32
    return %c0_i32, %c0_i32_0 : i32, i32
  }
  func.func @transform_2(%arg0: i32) -> (i32, i32) {
    %c0_i32 = arith.constant 0 : i32
    %c0_i32_0 = arith.constant 0 : i32
    return %arg0, %c0_i32 : i32, i32
  }
}

module attributes {stable_mosaic.version = 14 : i64} {
  func.func @_tc1_body(%arg0: i32, %arg1: memref<2x1024x128xf32, #tpu.memory_space<vmem>>, %arg2: memref<1024x128xf32, #tpu.memory_space<vmem>>, %arg3: memref<1024x1xf32, #tpu.memory_space<vmem>>, %arg4: memref<1024x128xf32, #tpu.memory_space<vmem>>) attributes {dimension_semantics = [#tpu.dimension_semantics<arbitrary>], iteration_bounds = array<i64: 10>, scalar_prefetch = 0 : i64, scratch_operands = 0 : i64, tpu.core_type = #tpu.core_type<tc>, window_params = [{transform_indices = @transform_0, window_bounds = array<i64: 2, 1024, 128>}, {transform_indices = @transform_1, window_bounds = array<i64: 1024, 128>}, {transform_indices = @transform_2, window_bounds = array<i64: 1024, 1>}, {transform_indices = @transform_3, window_bounds = array<i64: 1024, 128>}]} {
    %get3A = arith.constant 0 : index
    %get3A_0 = arith.constant 0 : index
    %get3A_1 = arith.constant 0 : index
    %get3A_2 = vector.load %arg1[%get3A, %get3A_0, %get3A_1] : memref<2x1024x128xf32, #tpu.memory_space<vmem>>, vector<1x1024x1xf32>
    %get3A_3 = vector.shape_cast %get3A_2 : vector<1x1024x1xf32> to vector<1024x1xf32>
    %get3A_4 = arith.constant 1 : index
    %get3A_5 = arith.constant 0 : index
    %get3A_6 = arith.constant 0 : index
    %get3A_7 = vector.load %arg1[%get3A_4, %get3A_5, %get3A_6] : memref<2x1024x128xf32, #tpu.memory_space<vmem>>, vector<1x1024x1xf32>
    %get3A_8 = vector.shape_cast %get3A_7 : vector<1x1024x1xf32> to vector<1024x1xf32>
    %add3A = arith.addf %get3A_3, %get3A_8 : vector<1024x1xf32>
    %add3A_9 = arith.constant 1.000000e+00 : f32
    %add3A_10 = vector.broadcast %add3A_9 : f32 to vector<1024x1xf32>
    %add3A_11 = arith.addf %add3A, %add3A_10 : vector<1024x1xf32>
    %rsqrt3A = math.rsqrt %add3A_11 : vector<1024x1xf32>
    %swap3A = arith.constant 0 : index
    %swap3A_12 = arith.constant 0 : index
    %swap3A_13 = vector.load %arg3[%swap3A, %swap3A_12] : memref<1024x1xf32, #tpu.memory_space<vmem>>, vector<1024x1xf32>
    tpu.vector_store %arg3[%swap3A, %swap3A_12], %rsqrt3A {strides = array<i32>} : memref<1024x1xf32, #tpu.memory_space<vmem>>, vector<1024x1xf32>,
    %get3A_14 = arith.constant 0 : index
    %get3A_15 = arith.constant 0 : index
    %get3A_16 = vector.load %arg2[%get3A_14, %get3A_15] : memref<1024x128xf32, #tpu.memory_space<vmem>>, vector<1024x128xf32>
    %mul3A = vector.broadcast %rsqrt3A : vector<1024x1xf32> to vector<1024x128xf32>
    %mul3A_17 = arith.mulf %mul3A, %get3A_16 : vector<1024x128xf32>
    %swap3A_18 = arith.constant 0 : index
    %swap3A_19 = arith.constant 0 : index
    %swap3A_20 = vector.load %arg4[%swap3A_18, %swap3A_19] : memref<1024x128xf32, #tpu.memory_space<vmem>>, vector<1024x128xf32>
    tpu.vector_store %arg4[%swap3A_18, %swap3A_19], %mul3A_17 {strides = array<i32>} : memref<1024x128xf32, #tpu.memory_space<vmem>>, vector<1024x128xf32>,
    return
  }
  func.func @transform_0(%arg0: i32) -> (i32, i32, i32) {
    %c0_i32 = arith.constant 0 : i32
    %c0_i32_0 = arith.constant 0 : i32
    %c0_i32_1 = arith.constant 0 : i32
    return %c0_i32, %arg0, %c0_i32_0 : i32, i32, i32
  }
  func.func @transform_1(%arg0: i32) -> (i32, i32) {
    %c0_i32 = arith.constant 0 : i32
    %c0_i32_0 = arith.constant 0 : i32
    return %arg0, %c0_i32 : i32, i32
  }
  func.func @transform_2(%arg0: i32) -> (i32, i32) {
    %c0_i32 = arith.constant 0 : i32
    %c0_i32_0 = arith.constant 0 : i32
    return %arg0, %c0_i32 : i32, i32
  }
  func.func @transform_3(%arg0: i32) -> (i32, i32) {
    %c0_i32 = arith.constant 0 : i32
    %c0_i32_0 = arith.constant 0 : i32
    return %arg0, %c0_i32 : i32, i32
  }
}

module attributes {stable_mosaic.version = 14 : i64} {
  func.func @_tc2_body(%arg0: i32, %arg1: memref<2x1024x128xf32, #tpu.memory_space<vmem>>, %arg2: memref<1024x128xf32, #tpu.memory_space<vmem>>, %arg3: memref<1024x1xf32, #tpu.memory_space<vmem>>, %arg4: memref<128xf32, #tpu.memory_space<vmem>>, %arg5: memref<128x128xf32, #tpu.memory_space<vmem>>, %arg6: memref<1024x128xf32, #tpu.memory_space<vmem>>) attributes {dimension_semantics = [#tpu.dimension_semantics<arbitrary>], iteration_bounds = array<i64: 10>, scalar_prefetch = 0 : i64, scratch_operands = 0 : i64, tpu.core_type = #tpu.core_type<tc>, window_params = [{transform_indices = @transform_0, window_bounds = array<i64: 2, 1024, 128>}, {transform_indices = @transform_1, window_bounds = array<i64: 1024, 128>}, {transform_indices = @transform_2, window_bounds = array<i64: 1024, 1>}, {pipeline_mode = #tpu.pipeline_mode<synchronous>, transform_indices = @transform_3, window_bounds = array<i64: 128>}, {pipeline_mode = #tpu.pipeline_mode<synchronous>, transform_indices = @transform_4, window_bounds = array<i64: 128, 128>}, {transform_indices = @transform_5, window_bounds = array<i64: 1024, 128>}]} {
    %get3A = arith.constant 0 : index
    %get3A_0 = arith.constant 0 : index
    %get3A_1 = arith.constant 0 : index
    %get3A_2 = vector.load %arg1[%get3A, %get3A_0, %get3A_1] : memref<2x1024x128xf32, #tpu.memory_space<vmem>>, vector<1x1024x128xf32>
    %get3A_3 = vector.shape_cast %get3A_2 : vector<1x1024x128xf32> to vector<1024x128xf32>
    %get3A_4 = arith.constant 1 : index
    %get3A_5 = arith.constant 0 : index
    %get3A_6 = arith.constant 0 : index
    %get3A_7 = vector.load %arg1[%get3A_4, %get3A_5, %get3A_6] : memref<2x1024x128xf32, #tpu.memory_space<vmem>>, vector<1x1024x128xf32>
    %get3A_8 = vector.shape_cast %get3A_7 : vector<1x1024x128xf32> to vector<1024x128xf32>
    %add3A = arith.addf %get3A_3, %get3A_8 : vector<1024x128xf32>
    %get3A_9 = arith.constant 0 : index
    %get3A_10 = arith.constant 0 : index
    %get3A_11 = vector.load %arg3[%get3A_9, %get3A_10] : memref<1024x1xf32, #tpu.memory_space<vmem>>, vector<1024x1xf32>
    %get3A_12 = arith.constant 0 : index
    %get3A_13 = arith.constant 0 : index
    %get3A_14 = vector.load %arg2[%get3A_12, %get3A_13] : memref<1024x128xf32, #tpu.memory_space<vmem>>, vector<1024x128xf32>
    %add3A_15 = arith.addf %add3A, %get3A_14 : vector<1024x128xf32>
    %mul3A = vector.broadcast %get3A_11 : vector<1024x1xf32> to vector<1024x128xf32>
    %mul3A_16 = arith.mulf %mul3A, %add3A_15 : vector<1024x128xf32>
    %get3A_17 = arith.constant 0 : index
    %get3A_18 = vector.load %arg4[%get3A_17] : memref<128xf32, #tpu.memory_space<vmem>>, vector<128xf32>
    %broadcast_in_dim3A = vector.shape_cast %get3A_18 : vector<128xf32> to vector<1x128xf32>
    %add3A_19 = vector.broadcast %broadcast_in_dim3A : vector<1x128xf32> to vector<1024x128xf32>
    %add3A_20 = arith.addf %mul3A_16, %add3A_19 : vector<1024x128xf32>
    %get3A_21 = arith.constant 0 : index
    %get3A_22 = arith.constant 0 : index
    %get3A_23 = vector.load %arg5[%get3A_21, %get3A_22] : memref<128x128xf32, #tpu.memory_space<vmem>>, vector<128x128xf32>
    %dot_general3A = arith.constant dense<0.000000e+00> : vector<1024x128xf32>
    %dot_general3A_24 = tpu.matmul %add3A_20, %get3A_23, %dot_general3A {dimension_numbers = #tpu.dot_dimension_numbers<[1], [0], [0], [1], [0, 0, 1, 1], [], []>, transpose_lhs_hint = false} : vector<1024x128xf32>, vector<128x128xf32>, vector<1024x128xf32> -> vector<1024x128xf32>
    %mul3A_25 = vector.broadcast %get3A_11 : vector<1024x1xf32> to vector<1024x128xf32>
    %mul3A_26 = arith.mulf %mul3A_25, %dot_general3A_24 : vector<1024x128xf32>
    %swap3A = arith.constant 0 : index
    %swap3A_27 = arith.constant 0 : index
    %swap3A_28 = vector.load %arg6[%swap3A, %swap3A_27] : memref<1024x128xf32, #tpu.memory_space<vmem>>, vector<1024x128xf32>
    tpu.vector_store %arg6[%swap3A, %swap3A_27], %mul3A_26 {strides = array<i32>} : memref<1024x128xf32, #tpu.memory_space<vmem>>, vector<1024x128xf32>,
    return
  }
  func.func @transform_0(%arg0: i32) -> (i32, i32, i32) {
    %c0_i32 = arith.constant 0 : i32
    %c0_i32_0 = arith.constant 0 : i32
    %c0_i32_1 = arith.constant 0 : i32
    return %c0_i32, %arg0, %c0_i32_0 : i32, i32, i32
  }
  func.func @transform_1(%arg0: i32) -> (i32, i32) {
    %c0_i32 = arith.constant 0 : i32
    %c0_i32_0 = arith.constant 0 : i32
    return %arg0, %c0_i32 : i32, i32
  }
  func.func @transform_2(%arg0: i32) -> (i32, i32) {
    %c0_i32 = arith.constant 0 : i32
    %c0_i32_0 = arith.constant 0 : i32
    return %arg0, %c0_i32 : i32, i32
  }
  func.func @transform_3(%arg0: i32) -> i32 {
    %c0_i32 = arith.constant 0 : i32
    %c0_i32_0 = arith.constant 0 : i32
    return %c0_i32 : i32
  }
  func.func @transform_4(%arg0: i32) -> (i32, i32) {
    %c0_i32 = arith.constant 0 : i32
    %c0_i32_0 = arith.constant 0 : i32
    %c0_i32_1 = arith.constant 0 : i32
    return %c0_i32, %c0_i32_0 : i32, i32
  }
  func.func @transform_5(%arg0: i32) -> (i32, i32) {
    %c0_i32 = arith.constant 0 : i32
    %c0_i32_0 = arith.constant 0 : i32
    return %arg0, %c0_i32 : i32, i32
  }
}

module attributes {stable_mosaic.version = 14 : i64} {
  func.func @_tc3_body(%arg0: i32, %arg1: memref<2x1024x128xf32, #tpu.memory_space<vmem>>, %arg2: memref<1024x128xf32, #tpu.memory_space<vmem>>, %arg3: memref<1024x1xf32, #tpu.memory_space<vmem>>, %arg4: memref<128xf32, #tpu.memory_space<vmem>>, %arg5: memref<1024x128xf32, #tpu.memory_space<vmem>>) attributes {dimension_semantics = [#tpu.dimension_semantics<arbitrary>], iteration_bounds = array<i64: 10>, scalar_prefetch = 0 : i64, scratch_operands = 0 : i64, tpu.core_type = #tpu.core_type<tc>, window_params = [{transform_indices = @transform_0, window_bounds = array<i64: 2, 1024, 128>}, {transform_indices = @transform_1, window_bounds = array<i64: 1024, 128>}, {transform_indices = @transform_2, window_bounds = array<i64: 1024, 1>}, {pipeline_mode = #tpu.pipeline_mode<synchronous>, transform_indices = @transform_3, window_bounds = array<i64: 128>}, {transform_indices = @transform_4, window_bounds = array<i64: 1024, 128>}]} {
    %get3A = arith.constant 0 : index
    %get3A_0 = arith.constant 0 : index
    %get3A_1 = arith.constant 0 : index
    %get3A_2 = vector.load %arg1[%get3A, %get3A_0, %get3A_1] : memref<2x1024x128xf32, #tpu.memory_space<vmem>>, vector<1x1024x128xf32>
    %get3A_3 = vector.shape_cast %get3A_2 : vector<1x1024x128xf32> to vector<1024x128xf32>
    %get3A_4 = arith.constant 1 : index
    %get3A_5 = arith.constant 0 : index
    %get3A_6 = arith.constant 0 : index
    %get3A_7 = vector.load %arg1[%get3A_4, %get3A_5, %get3A_6] : memref<2x1024x128xf32, #tpu.memory_space<vmem>>, vector<1x1024x128xf32>
    %get3A_8 = vector.shape_cast %get3A_7 : vector<1x1024x128xf32> to vector<1024x128xf32>
    %add3A = arith.addf %get3A_3, %get3A_8 : vector<1024x128xf32>
    %get3A_9 = arith.constant 0 : index
    %get3A_10 = arith.constant 0 : index
    %get3A_11 = vector.load %arg3[%get3A_9, %get3A_10] : memref<1024x1xf32, #tpu.memory_space<vmem>>, vector<1024x1xf32>
    %get3A_12 = arith.constant 0 : index
    %get3A_13 = arith.constant 0 : index
    %get3A_14 = vector.load %arg2[%get3A_12, %get3A_13] : memref<1024x128xf32, #tpu.memory_space<vmem>>, vector<1024x128xf32>
    %add3A_15 = arith.addf %add3A, %get3A_14 : vector<1024x128xf32>
    %mul3A = vector.broadcast %get3A_11 : vector<1024x1xf32> to vector<1024x128xf32>
    %mul3A_16 = arith.mulf %mul3A, %add3A_15 : vector<1024x128xf32>
    %get3A_17 = arith.constant 0 : index
    %get3A_18 = vector.load %arg4[%get3A_17] : memref<128xf32, #tpu.memory_space<vmem>>, vector<128xf32>
    %broadcast_in_dim3A = vector.shape_cast %get3A_18 : vector<128xf32> to vector<1x128xf32>
    %add3A_19 = vector.broadcast %broadcast_in_dim3A : vector<1x128xf32> to vector<1024x128xf32>
    %add3A_20 = arith.addf %mul3A_16, %add3A_19 : vector<1024x128xf32>
    %swap3A = arith.constant 0 : index
    %swap3A_21 = arith.constant 0 : index
    %swap3A_22 = vector.load %arg5[%swap3A, %swap3A_21] : memref<1024x128xf32, #tpu.memory_space<vmem>>, vector<1024x128xf32>
    tpu.vector_store %arg5[%swap3A, %swap3A_21], %add3A_20 {strides = array<i32>} : memref<1024x128xf32, #tpu.memory_space<vmem>>, vector<1024x128xf32>,
    return
  }
  func.func @transform_0(%arg0: i32) -> (i32, i32, i32) {
    %c0_i32 = arith.constant 0 : i32
    %c0_i32_0 = arith.constant 0 : i32
    %c0_i32_1 = arith.constant 0 : i32
    return %c0_i32, %arg0, %c0_i32_0 : i32, i32, i32
  }
  func.func @transform_1(%arg0: i32) -> (i32, i32) {
    %c0_i32 = arith.constant 0 : i32
    %c0_i32_0 = arith.constant 0 : i32
    return %arg0, %c0_i32 : i32, i32
  }
  func.func @transform_2(%arg0: i32) -> (i32, i32) {
    %c0_i32 = arith.constant 0 : i32
    %c0_i32_0 = arith.constant 0 : i32
    return %arg0, %c0_i32 : i32, i32
  }
  func.func @transform_3(%arg0: i32) -> i32 {
    %c0_i32 = arith.constant 0 : i32
    %c0_i32_0 = arith.constant 0 : i32
    return %c0_i32 : i32
  }
  func.func @transform_4(%arg0: i32) -> (i32, i32) {
    %c0_i32 = arith.constant 0 : i32
    %c0_i32_0 = arith.constant 0 : i32
    return %arg0, %c0_i32 : i32, i32
  }
}

</mosaic_0001>

<sc_bundles>
// kernel: kernel.12.cloned.1.call-start
scs
__scs_entry_jumppad:
0x0: {  	(pc) =	sbr.rel $0x88, $3  }
0x1: {  	(tag) =	ssettag $0x0;
	lr =	simm.s32 $0x1  }
0x2: {  	[smem:$0x3F9B] =	sst lr;
	_ =	strace $0xD0000000  }
0x3: {  	_ = 	snop  }
0x4: {  	_ = 	snop  }
0x5: {  	_ = 	snop  }
0x6: {  	_ = 	snop  }
0x7: {  	_ = 	snop  }
__scs_overlays_trampoline_lowered:
0x8: {  	[smem:$0x3FAA] =	sst s0  }
0x9: {  	[smem:$0x3FAB] =	sst s1  }
0xa: {  	[smem:$0x3FAC] =	sst s2  }
0xb: {  	[smem:$0x3FAD] =	sst s3  }
0xc: {  	[smem:$0x3FAE] =	sst s4  }
0xd: {  	[smem:$0x3FAF] =	sst s5  }
0xe: {  	[smem:$0x3FB0] =	sst s6  }
0xf: {  	[smem:$0x3FB1] =	sst s7  }
0x10: {  	[smem:$0x3FB2] =	sst s8  }
0x11: {  	[smem:$0x3FB3] =	sst s9;
	s0 =	simm.s32 @!p0 $0x0  }
0x12: {  	s1 =	sld [smem:$0x3F99];
	s0 =	simm.s32 @p0 $0x1  }
0x13: {  	[smem:$0x3FB4] =	sst s0;
	s0 =	simm.s32 @!p1 $0x0  }
0x14: {  	s2 =	sld [smem:$0x3F98];
	s0 =	simm.s32 @p1 $0x1  }
0x15: {  	[smem:$0x3FB5] =	sst s0;
	s0 =	simm.s32 @!p2 $0x0  }
0x16: {  	s3 =	sld [smem:$0x3FDB];
	s0 =	simm.s32 @p2 $0x1  }
0x17: {  	s4 =	simm.s32 $0x1BF5;
	[smem:$0x3FB7] =	sst s0  }
0x18: {  	s0 =	sld [smem:$0x3F9A];
	_ =	swait.ge [sflag:s4], $0x0  }
0x19: {  	s7 =	sld [smem:$0x3F9B]  }
0x1a: {  	s8 =	sadd.s32 $0xFFFFE003, lr  }
0x1b: {  	s9 =	sadd.s32 $0xFFFFFEF7, lr;
	s5 =	simm.s32 $0xFFFFFFFF;
	p2 =	slt.u32 s8, $0xFFFFF086  }
0x1c: {  	p1 =	slt.u32 s9, $0xF7A;
	s5 =	simm.s32 @!p2 $0x0  }
0x1d: {  	s5 =	simm.s32 @p1 $0x1;
	p0 =	seq.s32 s7, s2  }
0x1e: {  	s7 =	smul.u32 @!p0 $0xF7A, s2;
	p2 =	seq.s32 @!p0 s5, $0x0  }
0x1f: {  	s9 =	smul.u32 $0xF7A, s1;
	s8 =	simm.s32 @!p0 $0x1BF5;
	p2 =	por !p2, p0  }
0x20: {  	[sflag:s8] =	ssyncset.s32 @!p0 $0xFFFFF086;
	s6 =	sadd.s32 @!p0 s3, s7;
	s7 =	simm.s32 @!p0 $0x108  }
0x21: {  	s3 =	sadd.s32 s3, s9;
	s6 =	sadd.s32 @!p0 $0x88, s6;
	s7 =	simm.s32 @p2 $0x1082  }
0x22: {  	[simem:s7], [sflag:s8] =	dma.local @!p0 [hbm:s6], $0xF7A  }
0x23: {  	s9 =	sor.u32 $0xD0000000, s2;
	s6 =	simm.s32 $0x108;
	_ =	swait.ge @!p0 [sflag:s8], $0x0  }
0x24: {  	s3 =	sadd.s32 $0x88, s3;
	s6 =	simm.s32 @!p1 $0x1082;
	[sflag:s4] =	ssyncset.s32 $0xFFFFF086  }
0x25: {  	[simem:s6], [sflag:s4] =	dma.local [hbm:s3], $0xF7A  }
0x26: {  	[smem:$0x3F9B] =	sst s1;
	(tag) =	ssettag s2;
	_ =	strace s9  }
0x27: {  	s1 =	sld [smem:$0x3FAB]  }
0x28: {  	s2 =	sld [smem:$0x3FAC]  }
0x29: {  	s4 =	sld [smem:$0x3FAE]  }
0x2a: {  	p0 =	seq.s32 s5, $0x0;
	s5 =	sld [smem:$0x3FAF]  }
0x2b: {  	s6 =	sld [smem:$0x3FB0]  }
0x2c: {  	s7 =	sld [smem:$0x3FB1]  }
0x2d: {  	s3 =	simm.s32 $0x108;
	s8 =	sld [smem:$0x3FB2]  }
0x2e: {  	s3 =	simm.s32 @!p0 $0x1082;
	s9 =	sld [smem:$0x3FB3]  }
0x2f: {  	lr =	sadd.s32 s0, s3;
	s0 =	sld [smem:$0x3FAA]  }
0x30: {  	s3 =	sld [smem:$0x3FAD]  }
0x31: {  	[smem:$0x3FB6] =	sst s10  }
0x32: {  	s10 =	sld [smem:$0x3FB4];
	_ =	sdelay $0x3  }
0x33: {  	p0 =	seq.s32 s10, $0x1;
	s10 =	sld [smem:$0x3FB6];
	_ =	sdelay $0x3  }
0x34: {  	[smem:$0x3FB6] =	sst s10  }
0x35: {  	s10 =	sld [smem:$0x3FB5];
	_ =	sdelay $0x3  }
0x36: {  	p1 =	seq.s32 s10, $0x1;
	s10 =	sld [smem:$0x3FB6];
	_ =	sdelay $0x3  }
0x37: {  	[smem:$0x3FB6] =	sst s10  }
0x38: {  	s10 =	sld [smem:$0x3FB7]  }
0x39: {  	_ = 	snop;
	(pc) =	sbr.ind lr, $3  }
0x3a: {  	_ = 	snop  }
0x3b: {  	_ = 	snop  }
0x3c: {  	p2 =	seq.s32 s10, $0x1;
	s10 =	sld [smem:$0x3FB6]  }
0x3d: {  	_ =	shalt  }
0x3e: {  	_ =	shalt  }
0x3f: {  	_ =	shalt  }
0x40: {  	_ =	shalt  }
0x41: {  	_ =	shalt  }
0x42: {  	_ =	shalt  }
0x43: {  	_ =	shalt  }
0x44: {  	_ =	shalt  }
0x45: {  	_ =	shalt  }
0x46: {  	_ =	shalt  }
0x47: {  	_ =	shalt  }
0x48: {  	_ =	shalt  }
0x49: {  	_ =	shalt  }
0x4a: {  	_ =	shalt  }
0x4b: {  	_ =	shalt  }
0x4c: {  	_ =	shalt  }
0x4d: {  	_ =	shalt  }
0x4e: {  	_ =	shalt  }
0x4f: {  	_ =	shalt  }
0x50: {  	_ =	shalt  }
0x51: {  	_ =	shalt  }
0x52: {  	_ =	shalt  }
0x53: {  	_ =	shalt  }
0x54: {  	_ =	shalt  }
0x55: {  	_ =	shalt  }
0x56: {  	_ =	shalt  }
0x57: {  	_ =	shalt  }
0x58: {  	_ =	shalt  }
0x59: {  	_ =	shalt  }
0x5a: {  	_ =	shalt  }
0x5b: {  	_ =	shalt  }
0x5c: {  	_ =	shalt  }
0x5d: {  	_ =	shalt  }
0x5e: {  	_ =	shalt  }
0x5f: {  	_ =	shalt  }
0x60: {  	_ =	shalt  }
0x61: {  	_ =	shalt  }
0x62: {  	_ =	shalt  }
0x63: {  	_ =	shalt  }
0x64: {  	_ =	shalt  }
0x65: {  	_ =	shalt  }
0x66: {  	_ =	shalt  }
0x67: {  	_ =	shalt  }
0x68: {  	_ =	shalt  }
0x69: {  	_ =	shalt  }
0x6a: {  	_ =	shalt  }
0x6b: {  	_ =	shalt  }
0x6c: {  	_ =	shalt  }
0x6d: {  	_ =	shalt  }
0x6e: {  	_ =	shalt  }
0x6f: {  	_ =	shalt  }
0x70: {  	_ =	shalt  }
0x71: {  	_ =	shalt  }
0x72: {  	_ =	shalt  }
0x73: {  	_ =	shalt  }
0x74: {  	_ =	shalt  }
0x75: {  	_ =	shalt  }
0x76: {  	_ =	shalt  }
0x77: {  	_ =	shalt  }
0x78: {  	_ =	shalt  }
0x79: {  	_ =	shalt  }
0x7a: {  	_ =	shalt  }
0x7b: {  	_ =	shalt  }
0x7c: {  	_ =	shalt  }
0x7d: {  	_ =	shalt  }
0x7e: {  	_ =	shalt  }
0x7f: {  	_ =	shalt  }
0x80: {  	_ =	shalt  }
0x81: {  	_ =	shalt  }
0x82: {  	_ =	shalt  }
0x83: {  	_ =	shalt  }
0x84: {  	_ =	shalt  }
0x85: {  	_ =	shalt  }
0x86: {  	_ =	shalt  }
0x87: {  	_ =	shalt  }
.Lfunc_end0:
.L_simem_size_0:
called_computation.1_lowered:
.L_overlay_start_0:
0x88: {  	s2 =	sld [smem:$0x3FD9]  }
0x89: {  	s3 =	sld [smem:$0x3FFE];
	_ =	sdelay $0x1  }
0x8a: {  	s1 =	srdreg.scid  }
0x8b: {  	s0 =	sand.u32 $0x1, s1  }
0x8c: {  	s17 =	sshll.u32 s0, $0xA;
	s2 =	sadd.s32 s3, s2  }
0x8d: {  	s2 =	sadd.s32 s2, s17  }
0x8e: {  	[smem:$0x3FC2] =	sst s2  }
0x8f: {  	_ = 	snop  }
0x90: {  	s2 =	sld [smem:$0x3FD0];
	(tm) =	ssettm $0x1  }
0x91: {  	s18 =	sld [smem:$0x3FFB];
	_ =	sdelay $0x3  }
0x92: {  	_ =	strace s18  }
0x93: {  	s3 =	sld [smem:$0x3FFC];
	_ =	sdelay $0x3  }
0x94: {  	_ =	strace s3  }
0x95: {  	s3 =	sld [smem:$0x3FFD];
	_ =	sdelay $0x3  }
0x96: {  	_ =	strace s3  }
0x97: {  	_ =	strace $0x8FFFFFFF  }
0x98: {  	s19 =	sld [smem:$0x3FDB];
	_ =	sdelay $0x1  }
0x99: {  	s4 =	simm.s32 $_scs_section_size  }
0x9a: {  	s5 =	simm.s32 $_size__tile_overlayer_lowered;
	s6 =	simm.s32 $_tile_overlayer_lowered  }
0x9b: {  	s22 =	simm.s32 $0x1BFF;
	s21 =	sshll.u32 s6, $0x1;
	s3 =	sadd.s32 s4, s19  }
0x9c: {  	s7 =	simm.s32 $0x0;
	s20 =	sshll.u32 s5, $0x1;
	s5 =	sadd.s32 s21, s3  }
0x9d: {  	[timem:s7], [sflag:s22] =	dma.local [hbm:s5], s20  }
0x9e: {  	_ =	swait.ge [sflag:s22], s20  }
0x9f: {  	s4 =	ssub.s32 $0x0, s20;
	[sflag:s22] =	ssyncset.done $0x0  }
0xa0: {  	[sflag:s22] =	ssyncadd.s32 s4;
	_ =	sdelay $0x1  }
0xa1: {  	s23 =	simm.s32 $0x1B8B  }
0xa2: {  	_ =	swait.ge [sflag:s23], $0x1  }
0xa3: {  	[sflag:s23] =	ssyncset.done $0x0  }
0xa4: {  	s25 =	simm.s32 $0x1B8E;
	s24 =	sld [smem:$0x3FFE];
	[sflag:s23] =	ssyncadd.s32 $0xFFFFFFFF  }
0xa5: {  	s26 =	simm.s32 $execute0_lowered;
	[smem:$0x3FD2] =	sst s25  }
0xa6: {  	s5 =	sshll.u32 s26, $0x1;
	_ =	strace $0x80000049;
	[dreg:$0x1] =	wrdreg $0xFFFFFFFF  }
0xa7: {  	s28 =	simm.s32 $_size_execute0_lowered;
	s3 =	sadd.s32 s3, s5;
	[dreg:$0x0] =	wrdreg $0x0  }
0xa8: {  	s5 =	sshll.u32 s28, $0x1;
	[dreg:$0x2] =	wrdreg s3  }
0xa9: {  	[dreg:$0x3] =	wrdreg s5  }
0xaa: {  	[dreg:$0x4] =	wrdreg $0xC0  }
0xab: {  	_ =	task [dreg:s7], $0x5FFFF  }
0xac: {  	[dreg:$0x1] =	wrdreg $0xFFFFFFFF  }
0xad: {  	[dreg:$0x0] =	wrdreg $0x60  }
0xae: {  	[dreg:$0x2] =	wrdreg s24  }
0xaf: {  	[dreg:$0x3] =	wrdreg s2  }
0xb0: {  	[dreg:$0x4] =	wrdreg $0xA8000  }
0xb1: {  	[dreg:$0x5] =	wrdreg $0x9  }
0xb2: {  	_ =	task.clear_ibuf [dreg:s7], $0x6FFFF;
	_ =	strace $0x90000049  }
0xb3: {  	s29 =	simm.s32 $0x9;
	_ =	strace $0x8000004B  }
0xb4: {  	_ =	swait.ge [sflag:s29], $0x1  }
0xb5: {  	[sflag:s29] =	ssyncadd.s32 $0xFFFFFFFF  }
0xb6: {  	_ =	strace $0x9000004B  }
0xb7: {  	_ =	sfence  }
0xb8: {  	s30 =	sld [smem:$0x0];
	_ =	sdelay $0x2  }
0xb9: {  	s31 =	sshll.u32 s1, $0xD;
	s1 =	sshrl.u32 s1, $0x2  }
0xba: {  	s3 =	sand.u32 $0x4000, s31;
	s1 =	sadd.s32 s1, s30  }
0xbb: {  	s0 =	sor.u32 s3, s0;
	s1 =	sshll.u32 s1, $0x11  }
0xbc: {  	s0 =	sor.u32 s1, s0  }
0xbd: {  	s0 =	sadd.s32 $0x8F2B, s0  }
0xbe: {  	[sflag:s0] =	ssyncadd.remote.s32 $0x1  }
0xbf: {  	_ =	sfence.sel $0xFFFF  }
0xc0: {  	[dreg:$0x0] =	wrdreg $0xFFFFFFFF;
	(pc) =	sbr.abs _section_cstart, $3  }
0xc1: {  	[dreg:$0x1] =	wrdreg $0xFFFFFFFF  }
0xc2: {  	_ =	task.clear_ibuf [dreg:s7], $0x2FFFF;
	_ =	strace $0x9FFFFFFF  }
0xc3: {  	(tm) =	ssettm $0x7FFFFFFF  }
tec
execute0_lowered:
.L_overlay_start_1:
0x0: {  	(tag) =	ssettag $0x1  }
0x1: {  	s6 =	rddreg [dreg:$0x0]  }
0x2: {  	s12 =	rddreg [dreg:$0x1]  }
0x3: {  	s1 =	rddreg [dreg:$0x2]  }
0x4: {  	s2 =	srdreg.scid;
	s0 =	rddreg [dreg:$0x3];
	s3 =	simm.s32 $0x0  }
0x5: {  	s17 =	simm.s32 $0x3;
	s18 =	simm.s32 $0x1400;
	s19 =	simm.s32 $0x80  }
0x6: {  	s20 =	simm.s32 $0x6800;
	s21 =	simm.s32 $0x1;
	s22 =	simm.s32 $0x2  }
0x7: {  	s23 =	simm.s32 $0x1380;
	s24 =	simm.s32 $0x2700;
	s5 =	sand.u32 $0x1, s2  }
0x8: {  	s25 =	simm.s32 $0x2780;
	s2 =	stileid.u32;
	s7 =	smul.u32 $0x140000, s5  }
0x9: {  	[smem:$0x7FF] =	sst s3;
	s4 =	sadd.s32 $0xC600, s6;
	s8 =	smul.u32 $0x14000, s2  }
0xa: {  	s13 =	sadd.s32 $0x2600, s6;
	s29 =	smul.u32 $0x50000, s2;
	s9 =	sshll.u32 s5, $0x4  }
0xb: {  	_ =	strace $0x8000004A;
	s10 =	ssub.s32 $0x2, s5;
	s9 =	sor.u32 s2, s9  }
0xc: {  	s31 =	sshrl.u32 s10, $0x1;
	s7 =	sadd.s32 s8, s7;
	s30 =	sshrl.u32 s29, $0x2  }
0xd: {  	s9 =	smul.u32 $0x2800, s9;
	s15 =	ssub.s32 s10, s31;
	s7 =	sshrl.u32 s7, $0x3  }
0xe: {  	s5 =	sadd.s32 s30, s1;
	s15 =	smax.u32 s15, $0x1;
	s14 =	sadd.s32 s7, s6  }
0xf: {  	s6 =	sadd.s32 $0x4000, s5;
	s7 =	sadd.s32 $0x8000, s5;
	s11 =	sshrl.u32 s9, $0x3  }
0x10: {  	s8 =	sadd.s32 $0xC000, s5;
	s9 =	sadd.s32 $0x10000, s5;
	s10 =	sadd.s32 s12, s11  }
0x11: {  	s16 =	sadd.s32 $0x280, s11;
	s11 =	sadd.s32 s13, s11;
	s14 =	sadd.s32 $0x34600, s14  }
0x12: {  	v0 =	vimm.f32 $0.0e+00;
	s12 =	sadd.s32 s12, s16;
	s13 =	sadd.s32 s13, s16;
	s16 =	simm.s32 $0x2800  }
.LBB2_1:
0x13: {  	s26 =	simm.s32 $0x0;
	s28 =	simm.s32 $0x200  }
.LBB2_2:
0x14: {  	p0 =	sne.s32 s28, $0xFE00;
	[tilespmem:s26+$0x2870] =	vst v0  }
0x15: {  	[tilespmem:s26+$0x2800] =	vst v0  }
0x16: {  	[tilespmem:s26+$0x2810] =	vst v0  }
.Ltmp0:
0x17: {  	[tilespmem:s26+$0x2820] =	vst v0;
	(pc) =	sbr.rel @p0 .LBB2_2-.Ltmp0, $4  }
0x18: {  	[tilespmem:s26+$0x2830] =	vst v0  }
0x19: {  	[tilespmem:s26+$0x2840] =	vst v0  }
0x1a: {  	[tilespmem:s26+$0x2850] =	vst v0  }
0x1b: {  	[tilespmem:s26+$0x2860] =	vst v0;
	s26 =	sshra.s32 s28, $0x2;
	s28 =	sadd.s32 $0x200, s28  }
0x1c: {  	[tilespmem:s26+$0x2870] =	vst v0  }
0x1d: {  	[tilespmem:s26+$0x2800] =	vst v0  }
0x1e: {  	[tilespmem:s26+$0x2810] =	vst v0  }
0x1f: {  	[tilespmem:s26+$0x2820] =	vst v0  }
0x20: {  	[tilespmem:s26+$0x2830] =	vst v0  }
0x21: {  	[tilespmem:s26+$0x2840] =	vst v0  }
0x22: {  	[tilespmem:s26+$0x2850] =	vst v0  }
0x23: {  	[tilespmem:s26+$0x2860] =	vst v0  }
0x24: {  	[spmem:s5] =	stream.linear.scatter [tilespmem:s16], [sflag:$0x3], $0x4000, $0x38;
	[tilespmem:$0x1E800] =	vst v63  }
0x25: {  	_ =	swait.ge [sflag:s17], $0x4000  }
0x26: {  	[sflag:s17] =	ssyncset.done $0x0  }
0x27: {  	[sflag:s17] =	ssyncadd.s32 $0xFFFFC000  }
0x28: {  	[spmem:s6] =	stream.linear.scatter [tilespmem:s16], [sflag:$0x3], $0x4000, $0x38;
	[tilespmem:$0x1E800] =	vst v63  }
0x29: {  	_ =	swait.ge [sflag:s17], $0x4000  }
0x2a: {  	[sflag:s17] =	ssyncset.done $0x0  }
0x2b: {  	[sflag:s17] =	ssyncadd.s32 $0xFFFFC000  }
0x2c: {  	[spmem:s7] =	stream.linear.scatter [tilespmem:s16], [sflag:$0x3], $0x4000, $0x38;
	[tilespmem:$0x1E800] =	vst v63  }
0x2d: {  	_ =	swait.ge [sflag:s17], $0x4000  }
0x2e: {  	[sflag:s17] =	ssyncset.done $0x0  }
0x2f: {  	[sflag:s17] =	ssyncadd.s32 $0xFFFFC000  }
0x30: {  	[spmem:s8] =	stream.linear.scatter [tilespmem:s16], [sflag:$0x3], $0x4000, $0x38;
	[tilespmem:$0x1E800] =	vst v63  }
0x31: {  	_ =	swait.ge [sflag:s17], $0x4000  }
0x32: {  	[sflag:s17] =	ssyncset.done $0x0  }
0x33: {  	[sflag:s17] =	ssyncadd.s32 $0xFFFFC000  }
0x34: {  	[spmem:s9] =	stream.linear.scatter [tilespmem:s16], [sflag:$0x3], $0x4000, $0x38;
	[tilespmem:$0x1E800] =	vst v63  }
0x35: {  	_ =	swait.ge [sflag:s17], $0x4000  }
0x36: {  	[sflag:s17] =	ssyncset.done $0x0  }
0x37: {  	[sflag:s17] =	ssyncadd.s32 $0xFFFFC000  }
0x38: {  	s30 =	simm.s32 $0x0;
	[bflag:$0x0] =	sbarrier.arrive $0xFFFF  }
0x39: {  	[tilespmem:s30], [sflag:$0x3] =	stream.linear.gather [hbm4b:s10+s30], $0x1400, $0x38;
	[tilespmem:$0x1E800] =	vst v63  }
0x3a: {  	_ =	swait.ge [sflag:s17], $0x1400  }
0x3b: {  	[sflag:s17] =	ssyncset.done $0x0  }
0x3c: {  	[sflag:s17] =	ssyncadd.s32 $0xFFFFEC00  }
0x3d: {  	[tilespmem:s18], [sflag:$0x3] =	stream.linear.gather [hbm4b:s11+s30], $0x1400, $0x38;
	[tilespmem:$0x1E800] =	vst v63  }
0x3e: {  	_ =	swait.ge [sflag:s17], $0x1400  }
0x3f: {  	[sflag:s17] =	ssyncset.done $0x0  }
0x40: {  	[sflag:s17] =	ssyncadd.s32 $0xFFFFEC00  }
0x41: {  	[tilespmem:s16], [sflag:$0x1] =	stream.indirect.gather [hbm4b:s4+s19], $0x80, s30, s19, $0xb8;
	[tilespmem:$0x1E800] =	vst v63  }
0x42: {  	s31 =	simm.s32 $0x80  }
0x43: {  	[tilespmem:s20], [sflag:$0x2] =	stream.indirect.gather [hbm4b:s4+s19], $0x80, s31, s19, $0xb8;
	[tilespmem:$0x1E800] =	vst v63  }
0x44: {  	_ =	swait.ge [sflag:s21], $0x4000  }
0x45: {  	[sflag:s21] =	ssyncset.done $0x0  }
0x46: {  	s29 =	simm.s32 $0x1400;
	[sflag:s21] =	ssyncadd.s32 $0xFFFFC000  }
0x47: {  	[spmem:s1] =	stream.indirect.scatter.add.f32 [tilespmem:s16], [sflag:$0x3], $0x80, s29, s19, $0xb8;
	[tilespmem:$0x1E800] =	vst v63  }
0x48: {  	_ =	swait.ge [sflag:s17], $0x4000  }
0x49: {  	[sflag:s17] =	ssyncset.done $0x0  }
0x4a: {  	s30 =	simm.s32 $0x100;
	[sflag:s17] =	ssyncadd.s32 $0xFFFFC000  }
0x4b: {  	[tilespmem:s16], [sflag:$0x1] =	stream.indirect.gather [hbm4b:s4+s19], $0x80, s30, s19, $0xb8;
	[tilespmem:$0x1E800] =	vst v63  }
0x4c: {  	_ =	swait.ge [sflag:s22], $0x4000  }
0x4d: {  	[sflag:s22] =	ssyncset.done $0x0  }
0x4e: {  	s31 =	simm.s32 $0x1480;
	[sflag:s22] =	ssyncadd.s32 $0xFFFFC000  }
0x4f: {  	[spmem:s1] =	stream.indirect.scatter.add.f32 [tilespmem:s20], [sflag:$0x3], $0x80, s31, s19, $0xb8;
	[tilespmem:$0x1E800] =	vst v63  }
0x50: {  	_ =	swait.ge [sflag:s17], $0x4000  }
0x51: {  	s28 =	simm.s32 $0x800;
	s26 =	simm.s32 $0x100;
	[sflag:s17] =	ssyncset.done $0x0  }
.LBB2_4:
0x52: {  	s29 =	sadd.s32 $0x80, s26  }
0x53: {  	[sflag:s17] =	ssyncadd.s32 $0xFFFFC000;
	s30 =	smov.u32 s28;
	s31 =	sadd.s32 $0x400, s28  }
0x54: {  	[tilespmem:s20], [sflag:$0x2] =	stream.indirect.gather [hbm4b:s4+s19], $0x80, s29, s19, $0xb8;
	[tilespmem:$0x1E800] =	vst v63  }
0x55: {  	p0 =	sne.s32 s28, $0x4800;
	_ =	swait.ge [sflag:s21], $0x4000  }
0x56: {  	[sflag:s21] =	ssyncset.done $0x0  }
0x57: {  	s28 =	sadd.s32 $0x1400, s26;
	[sflag:s21] =	ssyncadd.s32 $0xFFFFC000  }
0x58: {  	[spmem:s1] =	stream.indirect.scatter.add.f32 [tilespmem:s16], [sflag:$0x3], $0x80, s28, s19, $0xb8;
	[tilespmem:$0x1E800] =	vst v63  }
0x59: {  	_ =	swait.ge [sflag:s17], $0x4000  }
0x5a: {  	[sflag:s17] =	ssyncset.done $0x0  }
0x5b: {  	s28 =	sadd.s32 $0x100, s26;
	[sflag:s17] =	ssyncadd.s32 $0xFFFFC000  }
0x5c: {  	[tilespmem:s16], [sflag:$0x1] =	stream.indirect.gather [hbm4b:s4+s19], $0x80, s28, s19, $0xb8;
	[tilespmem:$0x1E800] =	vst v63  }
0x5d: {  	_ =	swait.ge [sflag:s22], $0x4000  }
.Ltmp1:
0x5e: {  	[sflag:s22] =	ssyncset.done $0x0;
	(pc) =	sbr.rel @p0 .LBB2_4-.Ltmp1, $4  }
0x5f: {  	s26 =	sadd.s32 $0x1480, s26;
	[sflag:s22] =	ssyncadd.s32 $0xFFFFC000  }
0x60: {  	[spmem:s1] =	stream.indirect.scatter.add.f32 [tilespmem:s20], [sflag:$0x3], $0x80, s26, s19, $0xb8;
	[tilespmem:$0x1E800] =	vst v63  }
0x61: {  	_ =	swait.ge [sflag:s17], $0x4000  }
0x62: {  	s28 =	smov.u32 s31;
	s26 =	sshra.s32 s30, $0x2;
	[sflag:s17] =	ssyncset.done $0x0  }
0x63: {  	s28 =	sadd.s32 $0x80, s26;
	[sflag:s17] =	ssyncadd.s32 $0xFFFFC000  }
0x64: {  	[tilespmem:s20], [sflag:$0x2] =	stream.indirect.gather [hbm4b:s4+s19], $0x80, s28, s19, $0xb8;
	[tilespmem:$0x1E800] =	vst v63  }
0x65: {  	_ =	swait.ge [sflag:s21], $0x4000  }
0x66: {  	[sflag:s21] =	ssyncset.done $0x0  }
0x67: {  	s28 =	sadd.s32 $0x1400, s26;
	[sflag:s21] =	ssyncadd.s32 $0xFFFFC000  }
0x68: {  	[spmem:s1] =	stream.indirect.scatter.add.f32 [tilespmem:s16], [sflag:$0x3], $0x80, s28, s19, $0xb8;
	[tilespmem:$0x1E800] =	vst v63  }
0x69: {  	_ =	swait.ge [sflag:s17], $0x4000  }
0x6a: {  	[sflag:s17] =	ssyncset.done $0x0  }
0x6b: {  	s28 =	sadd.s32 $0x100, s26;
	[sflag:s17] =	ssyncadd.s32 $0xFFFFC000  }
0x6c: {  	[tilespmem:s16], [sflag:$0x1] =	stream.indirect.gather [hbm4b:s4+s19], $0x80, s28, s19, $0xb8;
	[tilespmem:$0x1E800] =	vst v63  }
0x6d: {  	_ =	swait.ge [sflag:s22], $0x4000  }
0x6e: {  	[sflag:s22] =	ssyncset.done $0x0  }
0x6f: {  	s29 =	sadd.s32 $0x1480, s26;
	[sflag:s22] =	ssyncadd.s32 $0xFFFFC000  }
0x70: {  	[spmem:s1] =	stream.indirect.scatter.add.f32 [tilespmem:s20], [sflag:$0x3], $0x80, s29, s19, $0xb8;
	[tilespmem:$0x1E800] =	vst v63  }
0x71: {  	_ =	swait.ge [sflag:s17], $0x4000  }
0x72: {  	[sflag:s17] =	ssyncset.done $0x0  }
0x73: {  	[sflag:s17] =	ssyncadd.s32 $0xFFFFC000  }
0x74: {  	[tilespmem:s20], [sflag:$0x2] =	stream.indirect.gather [hbm4b:s4+s19], $0x80, s23, s19, $0xb8;
	[tilespmem:$0x1E800] =	vst v63  }
0x75: {  	_ =	swait.ge [sflag:s21], $0x4000  }
0x76: {  	[sflag:s21] =	ssyncset.done $0x0  }
0x77: {  	[sflag:s21] =	ssyncadd.s32 $0xFFFFC000  }
0x78: {  	[spmem:s1] =	stream.indirect.scatter.add.f32 [tilespmem:s16], [sflag:$0x3], $0x80, s24, s19, $0xb8;
	[tilespmem:$0x1E800] =	vst v63  }
0x79: {  	_ =	swait.ge [sflag:s17], $0x4000  }
0x7a: {  	[sflag:s17] =	ssyncset.done $0x0  }
0x7b: {  	[sflag:s17] =	ssyncadd.s32 $0xFFFFC000  }
0x7c: {  	_ =	swait.ge [sflag:s22], $0x4000  }
0x7d: {  	[sflag:s22] =	ssyncset.done $0x0  }
0x7e: {  	[sflag:s22] =	ssyncadd.s32 $0xFFFFC000  }
0x7f: {  	[spmem:s1] =	stream.indirect.scatter.add.f32 [tilespmem:s20], [sflag:$0x3], $0x80, s25, s19, $0xb8;
	[tilespmem:$0x1E800] =	vst v63  }
0x80: {  	_ =	swait.ge [sflag:s17], $0x4000  }
0x81: {  	[sflag:s17] =	ssyncset.done $0x0  }
0x82: {  	s30 =	simm.s32 $0x0;
	[sflag:s17] =	ssyncadd.s32 $0xFFFFC000  }
0x83: {  	[tilespmem:s30], [sflag:$0x3] =	stream.linear.gather [hbm4b:s12+s30], $0x1400, $0x38;
	[tilespmem:$0x1E800] =	vst v63  }
0x84: {  	_ =	swait.ge [sflag:s17], $0x1400  }
0x85: {  	[sflag:s17] =	ssyncset.done $0x0  }
0x86: {  	[sflag:s17] =	ssyncadd.s32 $0xFFFFEC00  }
0x87: {  	[tilespmem:s18], [sflag:$0x3] =	stream.linear.gather [hbm4b:s13+s30], $0x1400, $0x38;
	[tilespmem:$0x1E800] =	vst v63  }
0x88: {  	_ =	swait.ge [sflag:s17], $0x1400  }
0x89: {  	[sflag:s17] =	ssyncset.done $0x0  }
0x8a: {  	[sflag:s17] =	ssyncadd.s32 $0xFFFFEC00  }
0x8b: {  	[tilespmem:s16], [sflag:$0x1] =	stream.indirect.gather [hbm4b:s4+s19], $0x80, s30, s19, $0xb8;
	[tilespmem:$0x1E800] =	vst v63  }
0x8c: {  	s31 =	simm.s32 $0x80  }
0x8d: {  	[tilespmem:s20], [sflag:$0x2] =	stream.indirect.gather [hbm4b:s4+s19], $0x80, s31, s19, $0xb8;
	[tilespmem:$0x1E800] =	vst v63  }
0x8e: {  	_ =	swait.ge [sflag:s21], $0x4000  }
0x8f: {  	[sflag:s21] =	ssyncset.done $0x0  }
0x90: {  	s29 =	simm.s32 $0x1400;
	[sflag:s21] =	ssyncadd.s32 $0xFFFFC000  }
0x91: {  	[spmem:s1] =	stream.indirect.scatter.add.f32 [tilespmem:s16], [sflag:$0x3], $0x80, s29, s19, $0xb8;
	[tilespmem:$0x1E800] =	vst v63  }
0x92: {  	_ =	swait.ge [sflag:s17], $0x4000  }
0x93: {  	[sflag:s17] =	ssyncset.done $0x0  }
0x94: {  	s30 =	simm.s32 $0x100;
	[sflag:s17] =	ssyncadd.s32 $0xFFFFC000  }
0x95: {  	[tilespmem:s16], [sflag:$0x1] =	stream.indirect.gather [hbm4b:s4+s19], $0x80, s30, s19, $0xb8;
	[tilespmem:$0x1E800] =	vst v63  }
0x96: {  	_ =	swait.ge [sflag:s22], $0x4000  }
0x97: {  	[sflag:s22] =	ssyncset.done $0x0  }
0x98: {  	s31 =	simm.s32 $0x1480;
	[sflag:s22] =	ssyncadd.s32 $0xFFFFC000  }
0x99: {  	[spmem:s1] =	stream.indirect.scatter.add.f32 [tilespmem:s20], [sflag:$0x3], $0x80, s31, s19, $0xb8;
	[tilespmem:$0x1E800] =	vst v63  }
0x9a: {  	_ =	swait.ge [sflag:s17], $0x4000  }
0x9b: {  	s26 =	simm.s32 $0x100;
	s28 =	simm.s32 $0x800;
	[sflag:s17] =	ssyncset.done $0x0  }
.LBB2_6:
0x9c: {  	s29 =	sadd.s32 $0x80, s26  }
0x9d: {  	[sflag:s17] =	ssyncadd.s32 $0xFFFFC000;
	s30 =	smov.u32 s28;
	s31 =	sadd.s32 $0x400, s28  }
0x9e: {  	[tilespmem:s20], [sflag:$0x2] =	stream.indirect.gather [hbm4b:s4+s19], $0x80, s29, s19, $0xb8;
	[tilespmem:$0x1E800] =	vst v63  }
0x9f: {  	p0 =	sne.s32 s28, $0x4800;
	_ =	swait.ge [sflag:s21], $0x4000  }
0xa0: {  	[sflag:s21] =	ssyncset.done $0x0  }
0xa1: {  	s28 =	sadd.s32 $0x1400, s26;
	[sflag:s21] =	ssyncadd.s32 $0xFFFFC000  }
0xa2: {  	[spmem:s1] =	stream.indirect.scatter.add.f32 [tilespmem:s16], [sflag:$0x3], $0x80, s28, s19, $0xb8;
	[tilespmem:$0x1E800] =	vst v63  }
0xa3: {  	_ =	swait.ge [sflag:s17], $0x4000  }
0xa4: {  	[sflag:s17] =	ssyncset.done $0x0  }
0xa5: {  	s28 =	sadd.s32 $0x100, s26;
	[sflag:s17] =	ssyncadd.s32 $0xFFFFC000  }
0xa6: {  	[tilespmem:s16], [sflag:$0x1] =	stream.indirect.gather [hbm4b:s4+s19], $0x80, s28, s19, $0xb8;
	[tilespmem:$0x1E800] =	vst v63  }
0xa7: {  	_ =	swait.ge [sflag:s22], $0x4000  }
.Ltmp2:
0xa8: {  	[sflag:s22] =	ssyncset.done $0x0;
	(pc) =	sbr.rel @p0 .LBB2_6-.Ltmp2, $4  }
0xa9: {  	s26 =	sadd.s32 $0x1480, s26;
	[sflag:s22] =	ssyncadd.s32 $0xFFFFC000  }
0xaa: {  	[spmem:s1] =	stream.indirect.scatter.add.f32 [tilespmem:s20], [sflag:$0x3], $0x80, s26, s19, $0xb8;
	[tilespmem:$0x1E800] =	vst v63  }
0xab: {  	_ =	swait.ge [sflag:s17], $0x4000  }
0xac: {  	s28 =	smov.u32 s31;
	s26 =	sshra.s32 s30, $0x2;
	[sflag:s17] =	ssyncset.done $0x0  }
0xad: {  	s28 =	sadd.s32 $0x80, s26;
	[sflag:s17] =	ssyncadd.s32 $0xFFFFC000  }
0xae: {  	[tilespmem:s20], [sflag:$0x2] =	stream.indirect.gather [hbm4b:s4+s19], $0x80, s28, s19, $0xb8;
	[tilespmem:$0x1E800] =	vst v63  }
0xaf: {  	_ =	swait.ge [sflag:s21], $0x4000  }
0xb0: {  	[sflag:s21] =	ssyncset.done $0x0  }
0xb1: {  	s30 =	sadd.s32 $0x1400, s26;
	[sflag:s21] =	ssyncadd.s32 $0xFFFFC000  }
0xb2: {  	[spmem:s1] =	stream.indirect.scatter.add.f32 [tilespmem:s16], [sflag:$0x3], $0x80, s30, s19, $0xb8;
	[tilespmem:$0x1E800] =	vst v63  }
0xb3: {  	_ =	swait.ge [sflag:s17], $0x4000  }
0xb4: {  	[sflag:s17] =	ssyncset.done $0x0  }
0xb5: {  	s31 =	sadd.s32 $0x100, s26;
	[sflag:s17] =	ssyncadd.s32 $0xFFFFC000  }
0xb6: {  	[tilespmem:s16], [sflag:$0x1] =	stream.indirect.gather [hbm4b:s4+s19], $0x80, s31, s19, $0xb8;
	[tilespmem:$0x1E800] =	vst v63  }
0xb7: {  	_ =	swait.ge [sflag:s22], $0x4000  }
0xb8: {  	[sflag:s22] =	ssyncset.done $0x0  }
0xb9: {  	s29 =	sadd.s32 $0x1480, s26;
	[sflag:s22] =	ssyncadd.s32 $0xFFFFC000  }
0xba: {  	[spmem:s1] =	stream.indirect.scatter.add.f32 [tilespmem:s20], [sflag:$0x3], $0x80, s29, s19, $0xb8;
	[tilespmem:$0x1E800] =	vst v63  }
0xbb: {  	_ =	swait.ge [sflag:s17], $0x4000  }
0xbc: {  	[sflag:s17] =	ssyncset.done $0x0  }
0xbd: {  	[sflag:s17] =	ssyncadd.s32 $0xFFFFC000  }
0xbe: {  	[tilespmem:s20], [sflag:$0x2] =	stream.indirect.gather [hbm4b:s4+s19], $0x80, s23, s19, $0xb8;
	[tilespmem:$0x1E800] =	vst v63  }
0xbf: {  	_ =	swait.ge [sflag:s21], $0x4000  }
0xc0: {  	[sflag:s21] =	ssyncset.done $0x0  }
0xc1: {  	[sflag:s21] =	ssyncadd.s32 $0xFFFFC000  }
0xc2: {  	[spmem:s1] =	stream.indirect.scatter.add.f32 [tilespmem:s16], [sflag:$0x3], $0x80, s24, s19, $0xb8;
	[tilespmem:$0x1E800] =	vst v63  }
0xc3: {  	_ =	swait.ge [sflag:s17], $0x4000  }
0xc4: {  	[sflag:s17] =	ssyncset.done $0x0  }
0xc5: {  	[sflag:s17] =	ssyncadd.s32 $0xFFFFC000  }
0xc6: {  	_ =	swait.ge [sflag:s22], $0x4000  }
0xc7: {  	[sflag:s22] =	ssyncset.done $0x0  }
0xc8: {  	[sflag:s22] =	ssyncadd.s32 $0xFFFFC000  }
0xc9: {  	[spmem:s1] =	stream.indirect.scatter.add.f32 [tilespmem:s20], [sflag:$0x3], $0x80, s25, s19, $0xb8;
	[tilespmem:$0x1E800] =	vst v63  }
0xca: {  	_ =	swait.ge [sflag:s17], $0x4000  }
0xcb: {  	s3 =	sadd.s32 $0x1, s3;
	s30 =	sshll.u32 s2, $0x6;
	[sflag:s17] =	ssyncset.done $0x0  }
0xcc: {  	p0 =	sne.s32 s3, s15;
	s26 =	sor.u32 $0x1C03, s30;
	[sflag:s17] =	ssyncadd.s32 $0xFFFFC000  }
.Ltmp3:
0xcd: {  	s31 =	sshrl.u32 s5, $0x3;
	[bflag:$0x0] =	sbarrier.arrive $0xFFFF;
	(pc) =	sbr.rel @p0 .LBB2_1-.Ltmp3, $4  }
0xce: {  	[hbm:s14], [sflag:s26] =	dma.local [spmem:s31], $0x2800  }
0xcf: {  	_ =	swait.ge [sflag:s17], $0x2800  }
0xd0: {  	[sflag:s17] =	ssyncset.done $0x0  }
0xd1: {  	[sflag:s17] =	ssyncadd.s32 $0xFFFFD800  }
0xd2: {  	_ =	sfence.sel $0x180000  }
0xd3: {  	[bflag:$0x0] =	sbarrier.arrive $0xFFFF  }
0xd4: {  	p0 =	sne.s32 s2, $0x0;
	_ =	strace $0x9000004A  }
0xd5: {  	s0 =	sadd.s32 @!p0 $0x100000, s0;
	[bflag:$0x2] =	sbarrier.arrive $0xFFFF  }
0xd6: {  	[sflag:s0] =	ssyncadd.tile.s32 @!p0 $0x1;
	_ =	shalt  }
.Lfunc_end2:
_tile_overlayer_lowered:
.L_overlay_start_2:
0xd7: {  	(tag) =	ssettag $0x2  }
0xd8: {  	s0 =	rddreg [dreg:$0x0];
	s2 =	stileid.u32  }
0xd9: {  	s1 =	rddreg [dreg:$0x1];
	p0 =	sne.s32 s2, $0x0  }
0xda: {  	s3 =	rddreg [dreg:$0x2];
	[bflag:$0x3] =	sbarrier.arrive $0xFFFF;
	s2 =	simm.s32 @!p0 $0x1C03  }
0xdb: {  	[timem:s3], [sflag:s2] =	dma.local @!p0 [hbm:s0], s1  }
0xdc: {  	s0 =	simm.s32 @!p0 $0x3  }
0xdd: {  	_ =	swait.ge @!p0 [sflag:s0], s1  }
0xde: {  	s1 =	ssub.s32 @!p0 $0x0, s1;
	[sflag:s0] =	ssyncset.done @!p0 $0x0  }
0xdf: {  	[sflag:s0] =	ssyncadd.s32 @!p0 s1  }
0xe0: {  	[bflag:$0x3] =	sbarrier.arrive $0xFFFF  }
0xe1: {  	_ =	shalt  }

// kernel: kernel.15.cloned.1.call-start
scs
__scs_entry_jumppad:
0x0: {  	(pc) =	sbr.rel $0x88, $3  }
0x1: {  	(tag) =	ssettag $0x0;
	lr =	simm.s32 $0x1  }
0x2: {  	[smem:$0x3F9B] =	sst lr;
	_ =	strace $0xD0000000  }
0x3: {  	_ = 	snop  }
0x4: {  	_ = 	snop  }
0x5: {  	_ = 	snop  }
0x6: {  	_ = 	snop  }
0x7: {  	_ = 	snop  }
__scs_overlays_trampoline_lowered:
0x8: {  	[smem:$0x3FAA] =	sst s0  }
0x9: {  	[smem:$0x3FAB] =	sst s1  }
0xa: {  	[smem:$0x3FAC] =	sst s2  }
0xb: {  	[smem:$0x3FAD] =	sst s3  }
0xc: {  	[smem:$0x3FAE] =	sst s4  }
0xd: {  	[smem:$0x3FAF] =	sst s5  }
0xe: {  	[smem:$0x3FB0] =	sst s6  }
0xf: {  	[smem:$0x3FB1] =	sst s7  }
0x10: {  	[smem:$0x3FB2] =	sst s8  }
0x11: {  	[smem:$0x3FB3] =	sst s9;
	s0 =	simm.s32 @!p0 $0x0  }
0x12: {  	s1 =	sld [smem:$0x3F99];
	s0 =	simm.s32 @p0 $0x1  }
0x13: {  	[smem:$0x3FB4] =	sst s0;
	s0 =	simm.s32 @!p1 $0x0  }
0x14: {  	s2 =	sld [smem:$0x3F98];
	s0 =	simm.s32 @p1 $0x1  }
0x15: {  	[smem:$0x3FB5] =	sst s0;
	s0 =	simm.s32 @!p2 $0x0  }
0x16: {  	s3 =	sld [smem:$0x3FDB];
	s0 =	simm.s32 @p2 $0x1  }
0x17: {  	s4 =	simm.s32 $0x1BF5;
	[smem:$0x3FB7] =	sst s0  }
0x18: {  	s0 =	sld [smem:$0x3F9A];
	_ =	swait.ge [sflag:s4], $0x0  }
0x19: {  	s7 =	sld [smem:$0x3F9B]  }
0x1a: {  	s8 =	sadd.s32 $0xFFFFE003, lr  }
0x1b: {  	s9 =	sadd.s32 $0xFFFFFEF7, lr;
	s5 =	simm.s32 $0xFFFFFFFF;
	p2 =	slt.u32 s8, $0xFFFFF086  }
0x1c: {  	p1 =	slt.u32 s9, $0xF7A;
	s5 =	simm.s32 @!p2 $0x0  }
0x1d: {  	s5 =	simm.s32 @p1 $0x1;
	p0 =	seq.s32 s7, s2  }
0x1e: {  	s7 =	smul.u32 @!p0 $0xF7A, s2;
	p2 =	seq.s32 @!p0 s5, $0x0  }
0x1f: {  	s9 =	smul.u32 $0xF7A, s1;
	s8 =	simm.s32 @!p0 $0x1BF5;
	p2 =	por !p2, p0  }
0x20: {  	[sflag:s8] =	ssyncset.s32 @!p0 $0xFFFFF086;
	s6 =	sadd.s32 @!p0 s3, s7;
	s7 =	simm.s32 @!p0 $0x108  }
0x21: {  	s3 =	sadd.s32 s3, s9;
	s6 =	sadd.s32 @!p0 $0x88, s6;
	s7 =	simm.s32 @p2 $0x1082  }
0x22: {  	[simem:s7], [sflag:s8] =	dma.local @!p0 [hbm:s6], $0xF7A  }
0x23: {  	s9 =	sor.u32 $0xD0000000, s2;
	s6 =	simm.s32 $0x108;
	_ =	swait.ge @!p0 [sflag:s8], $0x0  }
0x24: {  	s3 =	sadd.s32 $0x88, s3;
	s6 =	simm.s32 @!p1 $0x1082;
	[sflag:s4] =	ssyncset.s32 $0xFFFFF086  }
0x25: {  	[simem:s6], [sflag:s4] =	dma.local [hbm:s3], $0xF7A  }
0x26: {  	[smem:$0x3F9B] =	sst s1;
	(tag) =	ssettag s2;
	_ =	strace s9  }
0x27: {  	s1 =	sld [smem:$0x3FAB]  }
0x28: {  	s2 =	sld [smem:$0x3FAC]  }
0x29: {  	s4 =	sld [smem:$0x3FAE]  }
0x2a: {  	p0 =	seq.s32 s5, $0x0;
	s5 =	sld [smem:$0x3FAF]  }
0x2b: {  	s6 =	sld [smem:$0x3FB0]  }
0x2c: {  	s7 =	sld [smem:$0x3FB1]  }
0x2d: {  	s3 =	simm.s32 $0x108;
	s8 =	sld [smem:$0x3FB2]  }
0x2e: {  	s3 =	simm.s32 @!p0 $0x1082;
	s9 =	sld [smem:$0x3FB3]  }
0x2f: {  	lr =	sadd.s32 s0, s3;
	s0 =	sld [smem:$0x3FAA]  }
0x30: {  	s3 =	sld [smem:$0x3FAD]  }
0x31: {  	[smem:$0x3FB6] =	sst s10  }
0x32: {  	s10 =	sld [smem:$0x3FB4];
	_ =	sdelay $0x3  }
0x33: {  	p0 =	seq.s32 s10, $0x1;
	s10 =	sld [smem:$0x3FB6];
	_ =	sdelay $0x3  }
0x34: {  	[smem:$0x3FB6] =	sst s10  }
0x35: {  	s10 =	sld [smem:$0x3FB5];
	_ =	sdelay $0x3  }
0x36: {  	p1 =	seq.s32 s10, $0x1;
	s10 =	sld [smem:$0x3FB6];
	_ =	sdelay $0x3  }
0x37: {  	[smem:$0x3FB6] =	sst s10  }
0x38: {  	s10 =	sld [smem:$0x3FB7]  }
0x39: {  	_ = 	snop;
	(pc) =	sbr.ind lr, $3  }
0x3a: {  	_ = 	snop  }
0x3b: {  	_ = 	snop  }
0x3c: {  	p2 =	seq.s32 s10, $0x1;
	s10 =	sld [smem:$0x3FB6]  }
0x3d: {  	_ =	shalt  }
0x3e: {  	_ =	shalt  }
0x3f: {  	_ =	shalt  }
0x40: {  	_ =	shalt  }
0x41: {  	_ =	shalt  }
0x42: {  	_ =	shalt  }
0x43: {  	_ =	shalt  }
0x44: {  	_ =	shalt  }
0x45: {  	_ =	shalt  }
0x46: {  	_ =	shalt  }
0x47: {  	_ =	shalt  }
0x48: {  	_ =	shalt  }
0x49: {  	_ =	shalt  }
0x4a: {  	_ =	shalt  }
0x4b: {  	_ =	shalt  }
0x4c: {  	_ =	shalt  }
0x4d: {  	_ =	shalt  }
0x4e: {  	_ =	shalt  }
0x4f: {  	_ =	shalt  }
0x50: {  	_ =	shalt  }
0x51: {  	_ =	shalt  }
0x52: {  	_ =	shalt  }
0x53: {  	_ =	shalt  }
0x54: {  	_ =	shalt  }
0x55: {  	_ =	shalt  }
0x56: {  	_ =	shalt  }
0x57: {  	_ =	shalt  }
0x58: {  	_ =	shalt  }
0x59: {  	_ =	shalt  }
0x5a: {  	_ =	shalt  }
0x5b: {  	_ =	shalt  }
0x5c: {  	_ =	shalt  }
0x5d: {  	_ =	shalt  }
0x5e: {  	_ =	shalt  }
0x5f: {  	_ =	shalt  }
0x60: {  	_ =	shalt  }
0x61: {  	_ =	shalt  }
0x62: {  	_ =	shalt  }
0x63: {  	_ =	shalt  }
0x64: {  	_ =	shalt  }
0x65: {  	_ =	shalt  }
0x66: {  	_ =	shalt  }
0x67: {  	_ =	shalt  }
0x68: {  	_ =	shalt  }
0x69: {  	_ =	shalt  }
0x6a: {  	_ =	shalt  }
0x6b: {  	_ =	shalt  }
0x6c: {  	_ =	shalt  }
0x6d: {  	_ =	shalt  }
0x6e: {  	_ =	shalt  }
0x6f: {  	_ =	shalt  }
0x70: {  	_ =	shalt  }
0x71: {  	_ =	shalt  }
0x72: {  	_ =	shalt  }
0x73: {  	_ =	shalt  }
0x74: {  	_ =	shalt  }
0x75: {  	_ =	shalt  }
0x76: {  	_ =	shalt  }
0x77: {  	_ =	shalt  }
0x78: {  	_ =	shalt  }
0x79: {  	_ =	shalt  }
0x7a: {  	_ =	shalt  }
0x7b: {  	_ =	shalt  }
0x7c: {  	_ =	shalt  }
0x7d: {  	_ =	shalt  }
0x7e: {  	_ =	shalt  }
0x7f: {  	_ =	shalt  }
0x80: {  	_ =	shalt  }
0x81: {  	_ =	shalt  }
0x82: {  	_ =	shalt  }
0x83: {  	_ =	shalt  }
0x84: {  	_ =	shalt  }
0x85: {  	_ =	shalt  }
0x86: {  	_ =	shalt  }
0x87: {  	_ =	shalt  }
.Lfunc_end0:
.L_simem_size_0:
called_computation.2_lowered:
.L_overlay_start_0:
0x88: {  	s2 =	sld [smem:$0x3FD9]  }
0x89: {  	s3 =	sld [smem:$0x3FFE];
	_ =	sdelay $0x1  }
0x8a: {  	s1 =	srdreg.scid  }
0x8b: {  	s0 =	sand.u32 $0x1, s1  }
0x8c: {  	s17 =	sshll.u32 s0, $0xA;
	s2 =	sadd.s32 s3, s2  }
0x8d: {  	s2 =	sadd.s32 s2, s17  }
0x8e: {  	[smem:$0x3FC2] =	sst s2  }
0x8f: {  	_ = 	snop  }
0x90: {  	s2 =	sld [smem:$0x3FD0];
	(tm) =	ssettm $0x1  }
0x91: {  	s18 =	sld [smem:$0x3FFB];
	_ =	sdelay $0x3  }
0x92: {  	_ =	strace s18  }
0x93: {  	s3 =	sld [smem:$0x3FFC];
	_ =	sdelay $0x3  }
0x94: {  	_ =	strace s3  }
0x95: {  	s3 =	sld [smem:$0x3FFD];
	_ =	sdelay $0x3  }
0x96: {  	_ =	strace s3  }
0x97: {  	_ =	strace $0x8FFFFFFF  }
0x98: {  	s19 =	sld [smem:$0x3FDB];
	_ =	sdelay $0x1  }
0x99: {  	s4 =	simm.s32 $_scs_section_size  }
0x9a: {  	s5 =	simm.s32 $_size__tile_overlayer_lowered;
	s6 =	simm.s32 $_tile_overlayer_lowered  }
0x9b: {  	s22 =	simm.s32 $0x1BFF;
	s21 =	sshll.u32 s6, $0x1;
	s3 =	sadd.s32 s4, s19  }
0x9c: {  	s7 =	simm.s32 $0x0;
	s20 =	sshll.u32 s5, $0x1;
	s5 =	sadd.s32 s21, s3  }
0x9d: {  	[timem:s7], [sflag:s22] =	dma.local [hbm:s5], s20  }
0x9e: {  	_ =	swait.ge [sflag:s22], s20  }
0x9f: {  	s4 =	ssub.s32 $0x0, s20;
	[sflag:s22] =	ssyncset.done $0x0  }
0xa0: {  	[sflag:s22] =	ssyncadd.s32 s4;
	_ =	sdelay $0x1  }
0xa1: {  	s23 =	simm.s32 $0x1B8B  }
0xa2: {  	_ =	swait.ge [sflag:s23], $0x1  }
0xa3: {  	[sflag:s23] =	ssyncset.done $0x0  }
0xa4: {  	s25 =	simm.s32 $0x1B8E;
	s24 =	sld [smem:$0x3FFE];
	[sflag:s23] =	ssyncadd.s32 $0xFFFFFFFF  }
0xa5: {  	s26 =	simm.s32 $execute0_lowered;
	[smem:$0x3FD2] =	sst s25  }
0xa6: {  	s5 =	sshll.u32 s26, $0x1;
	_ =	strace $0x8000004C;
	[dreg:$0x1] =	wrdreg $0xFFFFFFFF  }
0xa7: {  	s28 =	simm.s32 $_size_execute0_lowered;
	s3 =	sadd.s32 s3, s5;
	[dreg:$0x0] =	wrdreg $0x0  }
0xa8: {  	s5 =	sshll.u32 s28, $0x1;
	[dreg:$0x2] =	wrdreg s3  }
0xa9: {  	[dreg:$0x3] =	wrdreg s5  }
0xaa: {  	[dreg:$0x4] =	wrdreg $0xC0  }
0xab: {  	_ =	task [dreg:s7], $0x5FFFF  }
0xac: {  	[dreg:$0x1] =	wrdreg $0xFFFFFFFF  }
0xad: {  	[dreg:$0x0] =	wrdreg $0x60  }
0xae: {  	[dreg:$0x2] =	wrdreg s24  }
0xaf: {  	[dreg:$0x3] =	wrdreg s2  }
0xb0: {  	[dreg:$0x4] =	wrdreg $0xA8000  }
0xb1: {  	[dreg:$0x5] =	wrdreg $0x9  }
0xb2: {  	_ =	task.clear_ibuf [dreg:s7], $0x6FFFF;
	_ =	strace $0x9000004C  }
0xb3: {  	s29 =	simm.s32 $0x9;
	_ =	strace $0x8000004E  }
0xb4: {  	_ =	swait.ge [sflag:s29], $0x1  }
0xb5: {  	[sflag:s29] =	ssyncadd.s32 $0xFFFFFFFF  }
0xb6: {  	_ =	strace $0x9000004E  }
0xb7: {  	_ =	sfence  }
0xb8: {  	s30 =	sld [smem:$0x0];
	_ =	sdelay $0x2  }
0xb9: {  	s31 =	sshll.u32 s1, $0xD;
	s1 =	sshrl.u32 s1, $0x2  }
0xba: {  	s3 =	sand.u32 $0x4000, s31;
	s1 =	sadd.s32 s1, s30  }
0xbb: {  	s0 =	sor.u32 s3, s0;
	s1 =	sshll.u32 s1, $0x11  }
0xbc: {  	s0 =	sor.u32 s1, s0  }
0xbd: {  	s0 =	sadd.s32 $0x8F2B, s0  }
0xbe: {  	[sflag:s0] =	ssyncadd.remote.s32 $0x1  }
0xbf: {  	_ =	sfence.sel $0xFFFF  }
0xc0: {  	[dreg:$0x0] =	wrdreg $0xFFFFFFFF;
	(pc) =	sbr.abs _section_cstart, $3  }
0xc1: {  	[dreg:$0x1] =	wrdreg $0xFFFFFFFF  }
0xc2: {  	_ =	task.clear_ibuf [dreg:s7], $0x2FFFF;
	_ =	strace $0x9FFFFFFF  }
0xc3: {  	(tm) =	ssettm $0x7FFFFFFF  }
tec
execute0_lowered:
.L_overlay_start_1:
0x0: {  	(tag) =	ssettag $0x1  }
0x1: {  	s6 =	rddreg [dreg:$0x0]  }
0x2: {  	s12 =	rddreg [dreg:$0x1]  }
0x3: {  	s1 =	rddreg [dreg:$0x2]  }
0x4: {  	s2 =	srdreg.scid;
	s0 =	rddreg [dreg:$0x3];
	s3 =	simm.s32 $0x0  }
0x5: {  	s17 =	simm.s32 $0x3;
	s18 =	simm.s32 $0x1400;
	s19 =	simm.s32 $0x80  }
0x6: {  	s20 =	simm.s32 $0x6800;
	s21 =	simm.s32 $0x1;
	s22 =	simm.s32 $0x2  }
0x7: {  	s23 =	simm.s32 $0x1380;
	s24 =	simm.s32 $0x2700;
	s5 =	sand.u32 $0x1, s2  }
0x8: {  	s25 =	simm.s32 $0x2780;
	s2 =	stileid.u32;
	s7 =	smul.u32 $0x140000, s5  }
0x9: {  	[smem:$0x7FF] =	sst s3;
	s4 =	sadd.s32 $0xC600, s6;
	s8 =	smul.u32 $0x14000, s2  }
0xa: {  	s13 =	sadd.s32 $0x2600, s6;
	s29 =	smul.u32 $0x50000, s2;
	s9 =	sshll.u32 s5, $0x4  }
0xb: {  	_ =	strace $0x8000004D;
	s10 =	ssub.s32 $0x2, s5;
	s9 =	sor.u32 s2, s9  }
0xc: {  	s31 =	sshrl.u32 s10, $0x1;
	s7 =	sadd.s32 s8, s7;
	s30 =	sshrl.u32 s29, $0x2  }
0xd: {  	s9 =	smul.u32 $0x2800, s9;
	s15 =	ssub.s32 s10, s31;
	s7 =	sshrl.u32 s7, $0x3  }
0xe: {  	s5 =	sadd.s32 s30, s1;
	s15 =	smax.u32 s15, $0x1;
	s14 =	sadd.s32 s7, s6  }
0xf: {  	s6 =	sadd.s32 $0x4000, s5;
	s7 =	sadd.s32 $0x8000, s5;
	s11 =	sshrl.u32 s9, $0x3  }
0x10: {  	s8 =	sadd.s32 $0xC000, s5;
	s9 =	sadd.s32 $0x10000, s5;
	s10 =	sadd.s32 s12, s11  }
0x11: {  	s16 =	sadd.s32 $0x280, s11;
	s11 =	sadd.s32 s13, s11;
	s14 =	sadd.s32 $0x34600, s14  }
0x12: {  	v0 =	vimm.f32 $0.0e+00;
	s12 =	sadd.s32 s12, s16;
	s13 =	sadd.s32 s13, s16;
	s16 =	simm.s32 $0x2800  }
.LBB2_1:
0x13: {  	s26 =	simm.s32 $0x0;
	s28 =	simm.s32 $0x200  }
.LBB2_2:
0x14: {  	p0 =	sne.s32 s28, $0xFE00;
	[tilespmem:s26+$0x2870] =	vst v0  }
0x15: {  	[tilespmem:s26+$0x2800] =	vst v0  }
0x16: {  	[tilespmem:s26+$0x2810] =	vst v0  }
.Ltmp0:
0x17: {  	[tilespmem:s26+$0x2820] =	vst v0;
	(pc) =	sbr.rel @p0 .LBB2_2-.Ltmp0, $4  }
0x18: {  	[tilespmem:s26+$0x2830] =	vst v0  }
0x19: {  	[tilespmem:s26+$0x2840] =	vst v0  }
0x1a: {  	[tilespmem:s26+$0x2850] =	vst v0  }
0x1b: {  	[tilespmem:s26+$0x2860] =	vst v0;
	s26 =	sshra.s32 s28, $0x2;
	s28 =	sadd.s32 $0x200, s28  }
0x1c: {  	[tilespmem:s26+$0x2870] =	vst v0  }
0x1d: {  	[tilespmem:s26+$0x2800] =	vst v0  }
0x1e: {  	[tilespmem:s26+$0x2810] =	vst v0  }
0x1f: {  	[tilespmem:s26+$0x2820] =	vst v0  }
0x20: {  	[tilespmem:s26+$0x2830] =	vst v0  }
0x21: {  	[tilespmem:s26+$0x2840] =	vst v0  }
0x22: {  	[tilespmem:s26+$0x2850] =	vst v0  }
0x23: {  	[tilespmem:s26+$0x2860] =	vst v0  }
0x24: {  	[spmem:s5] =	stream.linear.scatter [tilespmem:s16], [sflag:$0x3], $0x4000, $0x38;
	[tilespmem:$0x1E800] =	vst v63  }
0x25: {  	_ =	swait.ge [sflag:s17], $0x4000  }
0x26: {  	[sflag:s17] =	ssyncset.done $0x0  }
0x27: {  	[sflag:s17] =	ssyncadd.s32 $0xFFFFC000  }
0x28: {  	[spmem:s6] =	stream.linear.scatter [tilespmem:s16], [sflag:$0x3], $0x4000, $0x38;
	[tilespmem:$0x1E800] =	vst v63  }
0x29: {  	_ =	swait.ge [sflag:s17], $0x4000  }
0x2a: {  	[sflag:s17] =	ssyncset.done $0x0  }
0x2b: {  	[sflag:s17] =	ssyncadd.s32 $0xFFFFC000  }
0x2c: {  	[spmem:s7] =	stream.linear.scatter [tilespmem:s16], [sflag:$0x3], $0x4000, $0x38;
	[tilespmem:$0x1E800] =	vst v63  }
0x2d: {  	_ =	swait.ge [sflag:s17], $0x4000  }
0x2e: {  	[sflag:s17] =	ssyncset.done $0x0  }
0x2f: {  	[sflag:s17] =	ssyncadd.s32 $0xFFFFC000  }
0x30: {  	[spmem:s8] =	stream.linear.scatter [tilespmem:s16], [sflag:$0x3], $0x4000, $0x38;
	[tilespmem:$0x1E800] =	vst v63  }
0x31: {  	_ =	swait.ge [sflag:s17], $0x4000  }
0x32: {  	[sflag:s17] =	ssyncset.done $0x0  }
0x33: {  	[sflag:s17] =	ssyncadd.s32 $0xFFFFC000  }
0x34: {  	[spmem:s9] =	stream.linear.scatter [tilespmem:s16], [sflag:$0x3], $0x4000, $0x38;
	[tilespmem:$0x1E800] =	vst v63  }
0x35: {  	_ =	swait.ge [sflag:s17], $0x4000  }
0x36: {  	[sflag:s17] =	ssyncset.done $0x0  }
0x37: {  	[sflag:s17] =	ssyncadd.s32 $0xFFFFC000  }
0x38: {  	s30 =	simm.s32 $0x0;
	[bflag:$0x0] =	sbarrier.arrive $0xFFFF  }
0x39: {  	[tilespmem:s30], [sflag:$0x3] =	stream.linear.gather [hbm4b:s10+s30], $0x1400, $0x38;
	[tilespmem:$0x1E800] =	vst v63  }
0x3a: {  	_ =	swait.ge [sflag:s17], $0x1400  }
0x3b: {  	[sflag:s17] =	ssyncset.done $0x0  }
0x3c: {  	[sflag:s17] =	ssyncadd.s32 $0xFFFFEC00  }
0x3d: {  	[tilespmem:s18], [sflag:$0x3] =	stream.linear.gather [hbm4b:s11+s30], $0x1400, $0x38;
	[tilespmem:$0x1E800] =	vst v63  }
0x3e: {  	_ =	swait.ge [sflag:s17], $0x1400  }
0x3f: {  	[sflag:s17] =	ssyncset.done $0x0  }
0x40: {  	[sflag:s17] =	ssyncadd.s32 $0xFFFFEC00  }
0x41: {  	[tilespmem:s16], [sflag:$0x1] =	stream.indirect.gather [hbm4b:s4+s19], $0x80, s30, s19, $0xb8;
	[tilespmem:$0x1E800] =	vst v63  }
0x42: {  	s31 =	simm.s32 $0x80  }
0x43: {  	[tilespmem:s20], [sflag:$0x2] =	stream.indirect.gather [hbm4b:s4+s19], $0x80, s31, s19, $0xb8;
	[tilespmem:$0x1E800] =	vst v63  }
0x44: {  	_ =	swait.ge [sflag:s21], $0x4000  }
0x45: {  	[sflag:s21] =	ssyncset.done $0x0  }
0x46: {  	s29 =	simm.s32 $0x1400;
	[sflag:s21] =	ssyncadd.s32 $0xFFFFC000  }
0x47: {  	[spmem:s1] =	stream.indirect.scatter.add.f32 [tilespmem:s16], [sflag:$0x3], $0x80, s29, s19, $0xb8;
	[tilespmem:$0x1E800] =	vst v63  }
0x48: {  	_ =	swait.ge [sflag:s17], $0x4000  }
0x49: {  	[sflag:s17] =	ssyncset.done $0x0  }
0x4a: {  	s30 =	simm.s32 $0x100;
	[sflag:s17] =	ssyncadd.s32 $0xFFFFC000  }
0x4b: {  	[tilespmem:s16], [sflag:$0x1] =	stream.indirect.gather [hbm4b:s4+s19], $0x80, s30, s19, $0xb8;
	[tilespmem:$0x1E800] =	vst v63  }
0x4c: {  	_ =	swait.ge [sflag:s22], $0x4000  }
0x4d: {  	[sflag:s22] =	ssyncset.done $0x0  }
0x4e: {  	s31 =	simm.s32 $0x1480;
	[sflag:s22] =	ssyncadd.s32 $0xFFFFC000  }
0x4f: {  	[spmem:s1] =	stream.indirect.scatter.add.f32 [tilespmem:s20], [sflag:$0x3], $0x80, s31, s19, $0xb8;
	[tilespmem:$0x1E800] =	vst v63  }
0x50: {  	_ =	swait.ge [sflag:s17], $0x4000  }
0x51: {  	s28 =	simm.s32 $0x800;
	s26 =	simm.s32 $0x100;
	[sflag:s17] =	ssyncset.done $0x0  }
.LBB2_4:
0x52: {  	s29 =	sadd.s32 $0x80, s26  }
0x53: {  	[sflag:s17] =	ssyncadd.s32 $0xFFFFC000;
	s30 =	smov.u32 s28;
	s31 =	sadd.s32 $0x400, s28  }
0x54: {  	[tilespmem:s20], [sflag:$0x2] =	stream.indirect.gather [hbm4b:s4+s19], $0x80, s29, s19, $0xb8;
	[tilespmem:$0x1E800] =	vst v63  }
0x55: {  	p0 =	sne.s32 s28, $0x4800;
	_ =	swait.ge [sflag:s21], $0x4000  }
0x56: {  	[sflag:s21] =	ssyncset.done $0x0  }
0x57: {  	s28 =	sadd.s32 $0x1400, s26;
	[sflag:s21] =	ssyncadd.s32 $0xFFFFC000  }
0x58: {  	[spmem:s1] =	stream.indirect.scatter.add.f32 [tilespmem:s16], [sflag:$0x3], $0x80, s28, s19, $0xb8;
	[tilespmem:$0x1E800] =	vst v63  }
0x59: {  	_ =	swait.ge [sflag:s17], $0x4000  }
0x5a: {  	[sflag:s17] =	ssyncset.done $0x0  }
0x5b: {  	s28 =	sadd.s32 $0x100, s26;
	[sflag:s17] =	ssyncadd.s32 $0xFFFFC000  }
0x5c: {  	[tilespmem:s16], [sflag:$0x1] =	stream.indirect.gather [hbm4b:s4+s19], $0x80, s28, s19, $0xb8;
	[tilespmem:$0x1E800] =	vst v63  }
0x5d: {  	_ =	swait.ge [sflag:s22], $0x4000  }
.Ltmp1:
0x5e: {  	[sflag:s22] =	ssyncset.done $0x0;
	(pc) =	sbr.rel @p0 .LBB2_4-.Ltmp1, $4  }
0x5f: {  	s26 =	sadd.s32 $0x1480, s26;
	[sflag:s22] =	ssyncadd.s32 $0xFFFFC000  }
0x60: {  	[spmem:s1] =	stream.indirect.scatter.add.f32 [tilespmem:s20], [sflag:$0x3], $0x80, s26, s19, $0xb8;
	[tilespmem:$0x1E800] =	vst v63  }
0x61: {  	_ =	swait.ge [sflag:s17], $0x4000  }
0x62: {  	s28 =	smov.u32 s31;
	s26 =	sshra.s32 s30, $0x2;
	[sflag:s17] =	ssyncset.done $0x0  }
0x63: {  	s28 =	sadd.s32 $0x80, s26;
	[sflag:s17] =	ssyncadd.s32 $0xFFFFC000  }
0x64: {  	[tilespmem:s20], [sflag:$0x2] =	stream.indirect.gather [hbm4b:s4+s19], $0x80, s28, s19, $0xb8;
	[tilespmem:$0x1E800] =	vst v63  }
0x65: {  	_ =	swait.ge [sflag:s21], $0x4000  }
0x66: {  	[sflag:s21] =	ssyncset.done $0x0  }
0x67: {  	s28 =	sadd.s32 $0x1400, s26;
	[sflag:s21] =	ssyncadd.s32 $0xFFFFC000  }
0x68: {  	[spmem:s1] =	stream.indirect.scatter.add.f32 [tilespmem:s16], [sflag:$0x3], $0x80, s28, s19, $0xb8;
	[tilespmem:$0x1E800] =	vst v63  }
0x69: {  	_ =	swait.ge [sflag:s17], $0x4000  }
0x6a: {  	[sflag:s17] =	ssyncset.done $0x0  }
0x6b: {  	s28 =	sadd.s32 $0x100, s26;
	[sflag:s17] =	ssyncadd.s32 $0xFFFFC000  }
0x6c: {  	[tilespmem:s16], [sflag:$0x1] =	stream.indirect.gather [hbm4b:s4+s19], $0x80, s28, s19, $0xb8;
	[tilespmem:$0x1E800] =	vst v63  }
0x6d: {  	_ =	swait.ge [sflag:s22], $0x4000  }
0x6e: {  	[sflag:s22] =	ssyncset.done $0x0  }
0x6f: {  	s29 =	sadd.s32 $0x1480, s26;
	[sflag:s22] =	ssyncadd.s32 $0xFFFFC000  }
0x70: {  	[spmem:s1] =	stream.indirect.scatter.add.f32 [tilespmem:s20], [sflag:$0x3], $0x80, s29, s19, $0xb8;
	[tilespmem:$0x1E800] =	vst v63  }
0x71: {  	_ =	swait.ge [sflag:s17], $0x4000  }
0x72: {  	[sflag:s17] =	ssyncset.done $0x0  }
0x73: {  	[sflag:s17] =	ssyncadd.s32 $0xFFFFC000  }
0x74: {  	[tilespmem:s20], [sflag:$0x2] =	stream.indirect.gather [hbm4b:s4+s19], $0x80, s23, s19, $0xb8;
	[tilespmem:$0x1E800] =	vst v63  }
0x75: {  	_ =	swait.ge [sflag:s21], $0x4000  }
0x76: {  	[sflag:s21] =	ssyncset.done $0x0  }
0x77: {  	[sflag:s21] =	ssyncadd.s32 $0xFFFFC000  }
0x78: {  	[spmem:s1] =	stream.indirect.scatter.add.f32 [tilespmem:s16], [sflag:$0x3], $0x80, s24, s19, $0xb8;
	[tilespmem:$0x1E800] =	vst v63  }
0x79: {  	_ =	swait.ge [sflag:s17], $0x4000  }
0x7a: {  	[sflag:s17] =	ssyncset.done $0x0  }
0x7b: {  	[sflag:s17] =	ssyncadd.s32 $0xFFFFC000  }
0x7c: {  	_ =	swait.ge [sflag:s22], $0x4000  }
0x7d: {  	[sflag:s22] =	ssyncset.done $0x0  }
0x7e: {  	[sflag:s22] =	ssyncadd.s32 $0xFFFFC000  }
0x7f: {  	[spmem:s1] =	stream.indirect.scatter.add.f32 [tilespmem:s20], [sflag:$0x3], $0x80, s25, s19, $0xb8;
	[tilespmem:$0x1E800] =	vst v63  }
0x80: {  	_ =	swait.ge [sflag:s17], $0x4000  }
0x81: {  	[sflag:s17] =	ssyncset.done $0x0  }
0x82: {  	s30 =	simm.s32 $0x0;
	[sflag:s17] =	ssyncadd.s32 $0xFFFFC000  }
0x83: {  	[tilespmem:s30], [sflag:$0x3] =	stream.linear.gather [hbm4b:s12+s30], $0x1400, $0x38;
	[tilespmem:$0x1E800] =	vst v63  }
0x84: {  	_ =	swait.ge [sflag:s17], $0x1400  }
0x85: {  	[sflag:s17] =	ssyncset.done $0x0  }
0x86: {  	[sflag:s17] =	ssyncadd.s32 $0xFFFFEC00  }
0x87: {  	[tilespmem:s18], [sflag:$0x3] =	stream.linear.gather [hbm4b:s13+s30], $0x1400, $0x38;
	[tilespmem:$0x1E800] =	vst v63  }
0x88: {  	_ =	swait.ge [sflag:s17], $0x1400  }
0x89: {  	[sflag:s17] =	ssyncset.done $0x0  }
0x8a: {  	[sflag:s17] =	ssyncadd.s32 $0xFFFFEC00  }
0x8b: {  	[tilespmem:s16], [sflag:$0x1] =	stream.indirect.gather [hbm4b:s4+s19], $0x80, s30, s19, $0xb8;
	[tilespmem:$0x1E800] =	vst v63  }
0x8c: {  	s31 =	simm.s32 $0x80  }
0x8d: {  	[tilespmem:s20], [sflag:$0x2] =	stream.indirect.gather [hbm4b:s4+s19], $0x80, s31, s19, $0xb8;
	[tilespmem:$0x1E800] =	vst v63  }
0x8e: {  	_ =	swait.ge [sflag:s21], $0x4000  }
0x8f: {  	[sflag:s21] =	ssyncset.done $0x0  }
0x90: {  	s29 =	simm.s32 $0x1400;
	[sflag:s21] =	ssyncadd.s32 $0xFFFFC000  }
0x91: {  	[spmem:s1] =	stream.indirect.scatter.add.f32 [tilespmem:s16], [sflag:$0x3], $0x80, s29, s19, $0xb8;
	[tilespmem:$0x1E800] =	vst v63  }
0x92: {  	_ =	swait.ge [sflag:s17], $0x4000  }
0x93: {  	[sflag:s17] =	ssyncset.done $0x0  }
0x94: {  	s30 =	simm.s32 $0x100;
	[sflag:s17] =	ssyncadd.s32 $0xFFFFC000  }
0x95: {  	[tilespmem:s16], [sflag:$0x1] =	stream.indirect.gather [hbm4b:s4+s19], $0x80, s30, s19, $0xb8;
	[tilespmem:$0x1E800] =	vst v63  }
0x96: {  	_ =	swait.ge [sflag:s22], $0x4000  }
0x97: {  	[sflag:s22] =	ssyncset.done $0x0  }
0x98: {  	s31 =	simm.s32 $0x1480;
	[sflag:s22] =	ssyncadd.s32 $0xFFFFC000  }
0x99: {  	[spmem:s1] =	stream.indirect.scatter.add.f32 [tilespmem:s20], [sflag:$0x3], $0x80, s31, s19, $0xb8;
	[tilespmem:$0x1E800] =	vst v63  }
0x9a: {  	_ =	swait.ge [sflag:s17], $0x4000  }
0x9b: {  	s26 =	simm.s32 $0x100;
	s28 =	simm.s32 $0x800;
	[sflag:s17] =	ssyncset.done $0x0  }
.LBB2_6:
0x9c: {  	s29 =	sadd.s32 $0x80, s26  }
0x9d: {  	[sflag:s17] =	ssyncadd.s32 $0xFFFFC000;
	s30 =	smov.u32 s28;
	s31 =	sadd.s32 $0x400, s28  }
0x9e: {  	[tilespmem:s20], [sflag:$0x2] =	stream.indirect.gather [hbm4b:s4+s19], $0x80, s29, s19, $0xb8;
	[tilespmem:$0x1E800] =	vst v63  }
0x9f: {  	p0 =	sne.s32 s28, $0x4800;
	_ =	swait.ge [sflag:s21], $0x4000  }
0xa0: {  	[sflag:s21] =	ssyncset.done $0x0  }
0xa1: {  	s28 =	sadd.s32 $0x1400, s26;
	[sflag:s21] =	ssyncadd.s32 $0xFFFFC000  }
0xa2: {  	[spmem:s1] =	stream.indirect.scatter.add.f32 [tilespmem:s16], [sflag:$0x3], $0x80, s28, s19, $0xb8;
	[tilespmem:$0x1E800] =	vst v63  }
0xa3: {  	_ =	swait.ge [sflag:s17], $0x4000  }
0xa4: {  	[sflag:s17] =	ssyncset.done $0x0  }
0xa5: {  	s28 =	sadd.s32 $0x100, s26;
	[sflag:s17] =	ssyncadd.s32 $0xFFFFC000  }
0xa6: {  	[tilespmem:s16], [sflag:$0x1] =	stream.indirect.gather [hbm4b:s4+s19], $0x80, s28, s19, $0xb8;
	[tilespmem:$0x1E800] =	vst v63  }
0xa7: {  	_ =	swait.ge [sflag:s22], $0x4000  }
.Ltmp2:
0xa8: {  	[sflag:s22] =	ssyncset.done $0x0;
	(pc) =	sbr.rel @p0 .LBB2_6-.Ltmp2, $4  }
0xa9: {  	s26 =	sadd.s32 $0x1480, s26;
	[sflag:s22] =	ssyncadd.s32 $0xFFFFC000  }
0xaa: {  	[spmem:s1] =	stream.indirect.scatter.add.f32 [tilespmem:s20], [sflag:$0x3], $0x80, s26, s19, $0xb8;
	[tilespmem:$0x1E800] =	vst v63  }
0xab: {  	_ =	swait.ge [sflag:s17], $0x4000  }
0xac: {  	s28 =	smov.u32 s31;
	s26 =	sshra.s32 s30, $0x2;
	[sflag:s17] =	ssyncset.done $0x0  }
0xad: {  	s28 =	sadd.s32 $0x80, s26;
	[sflag:s17] =	ssyncadd.s32 $0xFFFFC000  }
0xae: {  	[tilespmem:s20], [sflag:$0x2] =	stream.indirect.gather [hbm4b:s4+s19], $0x80, s28, s19, $0xb8;
	[tilespmem:$0x1E800] =	vst v63  }
0xaf: {  	_ =	swait.ge [sflag:s21], $0x4000  }
0xb0: {  	[sflag:s21] =	ssyncset.done $0x0  }
0xb1: {  	s30 =	sadd.s32 $0x1400, s26;
	[sflag:s21] =	ssyncadd.s32 $0xFFFFC000  }
0xb2: {  	[spmem:s1] =	stream.indirect.scatter.add.f32 [tilespmem:s16], [sflag:$0x3], $0x80, s30, s19, $0xb8;
	[tilespmem:$0x1E800] =	vst v63  }
0xb3: {  	_ =	swait.ge [sflag:s17], $0x4000  }
0xb4: {  	[sflag:s17] =	ssyncset.done $0x0  }
0xb5: {  	s31 =	sadd.s32 $0x100, s26;
	[sflag:s17] =	ssyncadd.s32 $0xFFFFC000  }
0xb6: {  	[tilespmem:s16], [sflag:$0x1] =	stream.indirect.gather [hbm4b:s4+s19], $0x80, s31, s19, $0xb8;
	[tilespmem:$0x1E800] =	vst v63  }
0xb7: {  	_ =	swait.ge [sflag:s22], $0x4000  }
0xb8: {  	[sflag:s22] =	ssyncset.done $0x0  }
0xb9: {  	s29 =	sadd.s32 $0x1480, s26;
	[sflag:s22] =	ssyncadd.s32 $0xFFFFC000  }
0xba: {  	[spmem:s1] =	stream.indirect.scatter.add.f32 [tilespmem:s20], [sflag:$0x3], $0x80, s29, s19, $0xb8;
	[tilespmem:$0x1E800] =	vst v63  }
0xbb: {  	_ =	swait.ge [sflag:s17], $0x4000  }
0xbc: {  	[sflag:s17] =	ssyncset.done $0x0  }
0xbd: {  	[sflag:s17] =	ssyncadd.s32 $0xFFFFC000  }
0xbe: {  	[tilespmem:s20], [sflag:$0x2] =	stream.indirect.gather [hbm4b:s4+s19], $0x80, s23, s19, $0xb8;
	[tilespmem:$0x1E800] =	vst v63  }
0xbf: {  	_ =	swait.ge [sflag:s21], $0x4000  }
0xc0: {  	[sflag:s21] =	ssyncset.done $0x0  }
0xc1: {  	[sflag:s21] =	ssyncadd.s32 $0xFFFFC000  }
0xc2: {  	[spmem:s1] =	stream.indirect.scatter.add.f32 [tilespmem:s16], [sflag:$0x3], $0x80, s24, s19, $0xb8;
	[tilespmem:$0x1E800] =	vst v63  }
0xc3: {  	_ =	swait.ge [sflag:s17], $0x4000  }
0xc4: {  	[sflag:s17] =	ssyncset.done $0x0  }
0xc5: {  	[sflag:s17] =	ssyncadd.s32 $0xFFFFC000  }
0xc6: {  	_ =	swait.ge [sflag:s22], $0x4000  }
0xc7: {  	[sflag:s22] =	ssyncset.done $0x0  }
0xc8: {  	[sflag:s22] =	ssyncadd.s32 $0xFFFFC000  }
0xc9: {  	[spmem:s1] =	stream.indirect.scatter.add.f32 [tilespmem:s20], [sflag:$0x3], $0x80, s25, s19, $0xb8;
	[tilespmem:$0x1E800] =	vst v63  }
0xca: {  	_ =	swait.ge [sflag:s17], $0x4000  }
0xcb: {  	s3 =	sadd.s32 $0x1, s3;
	s30 =	sshll.u32 s2, $0x6;
	[sflag:s17] =	ssyncset.done $0x0  }
0xcc: {  	p0 =	sne.s32 s3, s15;
	s26 =	sor.u32 $0x1C03, s30;
	[sflag:s17] =	ssyncadd.s32 $0xFFFFC000  }
.Ltmp3:
0xcd: {  	s31 =	sshrl.u32 s5, $0x3;
	[bflag:$0x0] =	sbarrier.arrive $0xFFFF;
	(pc) =	sbr.rel @p0 .LBB2_1-.Ltmp3, $4  }
0xce: {  	[hbm:s14], [sflag:s26] =	dma.local [spmem:s31], $0x2800  }
0xcf: {  	_ =	swait.ge [sflag:s17], $0x2800  }
0xd0: {  	[sflag:s17] =	ssyncset.done $0x0  }
0xd1: {  	[sflag:s17] =	ssyncadd.s32 $0xFFFFD800  }
0xd2: {  	_ =	sfence.sel $0x180000  }
0xd3: {  	[bflag:$0x0] =	sbarrier.arrive $0xFFFF  }
0xd4: {  	p0 =	sne.s32 s2, $0x0;
	_ =	strace $0x9000004D  }
0xd5: {  	s0 =	sadd.s32 @!p0 $0x100000, s0;
	[bflag:$0x2] =	sbarrier.arrive $0xFFFF  }
0xd6: {  	[sflag:s0] =	ssyncadd.tile.s32 @!p0 $0x1;
	_ =	shalt  }
.Lfunc_end2:
_tile_overlayer_lowered:
.L_overlay_start_2:
0xd7: {  	(tag) =	ssettag $0x2  }
0xd8: {  	s0 =	rddreg [dreg:$0x0];
	s2 =	stileid.u32  }
0xd9: {  	s1 =	rddreg [dreg:$0x1];
	p0 =	sne.s32 s2, $0x0  }
0xda: {  	s3 =	rddreg [dreg:$0x2];
	[bflag:$0x3] =	sbarrier.arrive $0xFFFF;
	s2 =	simm.s32 @!p0 $0x1C03  }
0xdb: {  	[timem:s3], [sflag:s2] =	dma.local @!p0 [hbm:s0], s1  }
0xdc: {  	s0 =	simm.s32 @!p0 $0x3  }
0xdd: {  	_ =	swait.ge @!p0 [sflag:s0], s1  }
0xde: {  	s1 =	ssub.s32 @!p0 $0x0, s1;
	[sflag:s0] =	ssyncset.done @!p0 $0x0  }
0xdf: {  	[sflag:s0] =	ssyncadd.s32 @!p0 s1  }
0xe0: {  	[bflag:$0x3] =	sbarrier.arrive $0xFFFF  }
0xe1: {  	_ =	shalt  }

// kernel: kernel.9.cloned.1.call-start
scs
__scs_entry_jumppad:
0x0: {  	(pc) =	sbr.rel $0x88, $3  }
0x1: {  	(tag) =	ssettag $0x0;
	lr =	simm.s32 $0x1  }
0x2: {  	[smem:$0x3F9B] =	sst lr;
	_ =	strace $0xD0000000  }
0x3: {  	_ = 	snop  }
0x4: {  	_ = 	snop  }
0x5: {  	_ = 	snop  }
0x6: {  	_ = 	snop  }
0x7: {  	_ = 	snop  }
__scs_overlays_trampoline_lowered:
0x8: {  	[smem:$0x3FAA] =	sst s0  }
0x9: {  	[smem:$0x3FAB] =	sst s1  }
0xa: {  	[smem:$0x3FAC] =	sst s2  }
0xb: {  	[smem:$0x3FAD] =	sst s3  }
0xc: {  	[smem:$0x3FAE] =	sst s4  }
0xd: {  	[smem:$0x3FAF] =	sst s5  }
0xe: {  	[smem:$0x3FB0] =	sst s6  }
0xf: {  	[smem:$0x3FB1] =	sst s7  }
0x10: {  	[smem:$0x3FB2] =	sst s8  }
0x11: {  	[smem:$0x3FB3] =	sst s9;
	s0 =	simm.s32 @!p0 $0x0  }
0x12: {  	s1 =	sld [smem:$0x3F99];
	s0 =	simm.s32 @p0 $0x1  }
0x13: {  	[smem:$0x3FB4] =	sst s0;
	s0 =	simm.s32 @!p1 $0x0  }
0x14: {  	s2 =	sld [smem:$0x3F98];
	s0 =	simm.s32 @p1 $0x1  }
0x15: {  	[smem:$0x3FB5] =	sst s0;
	s0 =	simm.s32 @!p2 $0x0  }
0x16: {  	s3 =	sld [smem:$0x3FDB];
	s0 =	simm.s32 @p2 $0x1  }
0x17: {  	s4 =	simm.s32 $0x1BF5;
	[smem:$0x3FB7] =	sst s0  }
0x18: {  	s0 =	sld [smem:$0x3F9A];
	_ =	swait.ge [sflag:s4], $0x0  }
0x19: {  	s7 =	sld [smem:$0x3F9B]  }
0x1a: {  	s8 =	sadd.s32 $0xFFFFE003, lr  }
0x1b: {  	s9 =	sadd.s32 $0xFFFFFEF7, lr;
	s5 =	simm.s32 $0xFFFFFFFF;
	p2 =	slt.u32 s8, $0xFFFFF086  }
0x1c: {  	p1 =	slt.u32 s9, $0xF7A;
	s5 =	simm.s32 @!p2 $0x0  }
0x1d: {  	s5 =	simm.s32 @p1 $0x1;
	p0 =	seq.s32 s7, s2  }
0x1e: {  	s7 =	smul.u32 @!p0 $0xF7A, s2;
	p2 =	seq.s32 @!p0 s5, $0x0  }
0x1f: {  	s9 =	smul.u32 $0xF7A, s1;
	s8 =	simm.s32 @!p0 $0x1BF5;
	p2 =	por !p2, p0  }
0x20: {  	[sflag:s8] =	ssyncset.s32 @!p0 $0xFFFFF086;
	s6 =	sadd.s32 @!p0 s3, s7;
	s7 =	simm.s32 @!p0 $0x108  }
0x21: {  	s3 =	sadd.s32 s3, s9;
	s6 =	sadd.s32 @!p0 $0x88, s6;
	s7 =	simm.s32 @p2 $0x1082  }
0x22: {  	[simem:s7], [sflag:s8] =	dma.local @!p0 [hbm:s6], $0xF7A  }
0x23: {  	s9 =	sor.u32 $0xD0000000, s2;
	s6 =	simm.s32 $0x108;
	_ =	swait.ge @!p0 [sflag:s8], $0x0  }
0x24: {  	s3 =	sadd.s32 $0x88, s3;
	s6 =	simm.s32 @!p1 $0x1082;
	[sflag:s4] =	ssyncset.s32 $0xFFFFF086  }
0x25: {  	[simem:s6], [sflag:s4] =	dma.local [hbm:s3], $0xF7A  }
0x26: {  	[smem:$0x3F9B] =	sst s1;
	(tag) =	ssettag s2;
	_ =	strace s9  }
0x27: {  	s1 =	sld [smem:$0x3FAB]  }
0x28: {  	s2 =	sld [smem:$0x3FAC]  }
0x29: {  	s4 =	sld [smem:$0x3FAE]  }
0x2a: {  	p0 =	seq.s32 s5, $0x0;
	s5 =	sld [smem:$0x3FAF]  }
0x2b: {  	s6 =	sld [smem:$0x3FB0]  }
0x2c: {  	s7 =	sld [smem:$0x3FB1]  }
0x2d: {  	s3 =	simm.s32 $0x108;
	s8 =	sld [smem:$0x3FB2]  }
0x2e: {  	s3 =	simm.s32 @!p0 $0x1082;
	s9 =	sld [smem:$0x3FB3]  }
0x2f: {  	lr =	sadd.s32 s0, s3;
	s0 =	sld [smem:$0x3FAA]  }
0x30: {  	s3 =	sld [smem:$0x3FAD]  }
0x31: {  	[smem:$0x3FB6] =	sst s10  }
0x32: {  	s10 =	sld [smem:$0x3FB4];
	_ =	sdelay $0x3  }
0x33: {  	p0 =	seq.s32 s10, $0x1;
	s10 =	sld [smem:$0x3FB6];
	_ =	sdelay $0x3  }
0x34: {  	[smem:$0x3FB6] =	sst s10  }
0x35: {  	s10 =	sld [smem:$0x3FB5];
	_ =	sdelay $0x3  }
0x36: {  	p1 =	seq.s32 s10, $0x1;
	s10 =	sld [smem:$0x3FB6];
	_ =	sdelay $0x3  }
0x37: {  	[smem:$0x3FB6] =	sst s10  }
0x38: {  	s10 =	sld [smem:$0x3FB7]  }
0x39: {  	_ = 	snop;
	(pc) =	sbr.ind lr, $3  }
0x3a: {  	_ = 	snop  }
0x3b: {  	_ = 	snop  }
0x3c: {  	p2 =	seq.s32 s10, $0x1;
	s10 =	sld [smem:$0x3FB6]  }
0x3d: {  	_ =	shalt  }
0x3e: {  	_ =	shalt  }
0x3f: {  	_ =	shalt  }
0x40: {  	_ =	shalt  }
0x41: {  	_ =	shalt  }
0x42: {  	_ =	shalt  }
0x43: {  	_ =	shalt  }
0x44: {  	_ =	shalt  }
0x45: {  	_ =	shalt  }
0x46: {  	_ =	shalt  }
0x47: {  	_ =	shalt  }
0x48: {  	_ =	shalt  }
0x49: {  	_ =	shalt  }
0x4a: {  	_ =	shalt  }
0x4b: {  	_ =	shalt  }
0x4c: {  	_ =	shalt  }
0x4d: {  	_ =	shalt  }
0x4e: {  	_ =	shalt  }
0x4f: {  	_ =	shalt  }
0x50: {  	_ =	shalt  }
0x51: {  	_ =	shalt  }
0x52: {  	_ =	shalt  }
0x53: {  	_ =	shalt  }
0x54: {  	_ =	shalt  }
0x55: {  	_ =	shalt  }
0x56: {  	_ =	shalt  }
0x57: {  	_ =	shalt  }
0x58: {  	_ =	shalt  }
0x59: {  	_ =	shalt  }
0x5a: {  	_ =	shalt  }
0x5b: {  	_ =	shalt  }
0x5c: {  	_ =	shalt  }
0x5d: {  	_ =	shalt  }
0x5e: {  	_ =	shalt  }
0x5f: {  	_ =	shalt  }
0x60: {  	_ =	shalt  }
0x61: {  	_ =	shalt  }
0x62: {  	_ =	shalt  }
0x63: {  	_ =	shalt  }
0x64: {  	_ =	shalt  }
0x65: {  	_ =	shalt  }
0x66: {  	_ =	shalt  }
0x67: {  	_ =	shalt  }
0x68: {  	_ =	shalt  }
0x69: {  	_ =	shalt  }
0x6a: {  	_ =	shalt  }
0x6b: {  	_ =	shalt  }
0x6c: {  	_ =	shalt  }
0x6d: {  	_ =	shalt  }
0x6e: {  	_ =	shalt  }
0x6f: {  	_ =	shalt  }
0x70: {  	_ =	shalt  }
0x71: {  	_ =	shalt  }
0x72: {  	_ =	shalt  }
0x73: {  	_ =	shalt  }
0x74: {  	_ =	shalt  }
0x75: {  	_ =	shalt  }
0x76: {  	_ =	shalt  }
0x77: {  	_ =	shalt  }
0x78: {  	_ =	shalt  }
0x79: {  	_ =	shalt  }
0x7a: {  	_ =	shalt  }
0x7b: {  	_ =	shalt  }
0x7c: {  	_ =	shalt  }
0x7d: {  	_ =	shalt  }
0x7e: {  	_ =	shalt  }
0x7f: {  	_ =	shalt  }
0x80: {  	_ =	shalt  }
0x81: {  	_ =	shalt  }
0x82: {  	_ =	shalt  }
0x83: {  	_ =	shalt  }
0x84: {  	_ =	shalt  }
0x85: {  	_ =	shalt  }
0x86: {  	_ =	shalt  }
0x87: {  	_ =	shalt  }
.Lfunc_end0:
.L_simem_size_0:
called_computation_lowered:
.L_overlay_start_0:
0x88: {  	s2 =	sld [smem:$0x3FD9]  }
0x89: {  	s3 =	sld [smem:$0x3FFE];
	_ =	sdelay $0x1  }
0x8a: {  	s1 =	srdreg.scid  }
0x8b: {  	s0 =	sand.u32 $0x1, s1  }
0x8c: {  	s17 =	sshll.u32 s0, $0xA;
	s2 =	sadd.s32 s3, s2  }
0x8d: {  	s2 =	sadd.s32 s2, s17  }
0x8e: {  	[smem:$0x3FC2] =	sst s2  }
0x8f: {  	_ = 	snop  }
0x90: {  	s2 =	sld [smem:$0x3FD0];
	(tm) =	ssettm $0x1  }
0x91: {  	s18 =	sld [smem:$0x3FFB];
	_ =	sdelay $0x3  }
0x92: {  	_ =	strace s18  }
0x93: {  	s3 =	sld [smem:$0x3FFC];
	_ =	sdelay $0x3  }
0x94: {  	_ =	strace s3  }
0x95: {  	s3 =	sld [smem:$0x3FFD];
	_ =	sdelay $0x3  }
0x96: {  	_ =	strace s3  }
0x97: {  	_ =	strace $0x8FFFFFFF  }
0x98: {  	s19 =	sld [smem:$0x3FDB];
	_ =	sdelay $0x1  }
0x99: {  	s4 =	simm.s32 $_scs_section_size  }
0x9a: {  	s5 =	simm.s32 $_size__tile_overlayer_lowered;
	s6 =	simm.s32 $_tile_overlayer_lowered  }
0x9b: {  	s22 =	simm.s32 $0x1BFF;
	s21 =	sshll.u32 s6, $0x1;
	s3 =	sadd.s32 s4, s19  }
0x9c: {  	s7 =	simm.s32 $0x0;
	s20 =	sshll.u32 s5, $0x1;
	s5 =	sadd.s32 s21, s3  }
0x9d: {  	[timem:s7], [sflag:s22] =	dma.local [hbm:s5], s20  }
0x9e: {  	_ =	swait.ge [sflag:s22], s20  }
0x9f: {  	s4 =	ssub.s32 $0x0, s20;
	[sflag:s22] =	ssyncset.done $0x0  }
0xa0: {  	[sflag:s22] =	ssyncadd.s32 s4;
	_ =	sdelay $0x1  }
0xa1: {  	s23 =	simm.s32 $0x1B8B  }
0xa2: {  	_ =	swait.ge [sflag:s23], $0x1  }
0xa3: {  	[sflag:s23] =	ssyncset.done $0x0  }
0xa4: {  	s25 =	simm.s32 $0x1B8E;
	s24 =	sld [smem:$0x3FFE];
	[sflag:s23] =	ssyncadd.s32 $0xFFFFFFFF  }
0xa5: {  	s26 =	simm.s32 $execute0_lowered;
	[smem:$0x3FD2] =	sst s25  }
0xa6: {  	s5 =	sshll.u32 s26, $0x1;
	_ =	strace $0x80000046;
	[dreg:$0x1] =	wrdreg $0xFFFFFFFF  }
0xa7: {  	s28 =	simm.s32 $_size_execute0_lowered;
	s3 =	sadd.s32 s3, s5;
	[dreg:$0x0] =	wrdreg $0x0  }
0xa8: {  	s5 =	sshll.u32 s28, $0x1;
	[dreg:$0x2] =	wrdreg s3  }
0xa9: {  	[dreg:$0x3] =	wrdreg s5  }
0xaa: {  	[dreg:$0x4] =	wrdreg $0xC0  }
0xab: {  	_ =	task [dreg:s7], $0x5FFFF  }
0xac: {  	[dreg:$0x1] =	wrdreg $0xFFFFFFFF  }
0xad: {  	[dreg:$0x0] =	wrdreg $0x60  }
0xae: {  	[dreg:$0x2] =	wrdreg s24  }
0xaf: {  	[dreg:$0x3] =	wrdreg s2  }
0xb0: {  	[dreg:$0x4] =	wrdreg $0xA8000  }
0xb1: {  	[dreg:$0x5] =	wrdreg $0x9  }
0xb2: {  	_ =	task.clear_ibuf [dreg:s7], $0x6FFFF;
	_ =	strace $0x90000046  }
0xb3: {  	s29 =	simm.s32 $0x9;
	_ =	strace $0x80000048  }
0xb4: {  	_ =	swait.ge [sflag:s29], $0x1  }
0xb5: {  	[sflag:s29] =	ssyncadd.s32 $0xFFFFFFFF  }
0xb6: {  	_ =	strace $0x90000048  }
0xb7: {  	_ =	sfence  }
0xb8: {  	s30 =	sld [smem:$0x0];
	_ =	sdelay $0x2  }
0xb9: {  	s31 =	sshll.u32 s1, $0xD;
	s1 =	sshrl.u32 s1, $0x2  }
0xba: {  	s3 =	sand.u32 $0x4000, s31;
	s1 =	sadd.s32 s1, s30  }
0xbb: {  	s0 =	sor.u32 s3, s0;
	s1 =	sshll.u32 s1, $0x11  }
0xbc: {  	s0 =	sor.u32 s1, s0  }
0xbd: {  	s0 =	sadd.s32 $0x8F2B, s0  }
0xbe: {  	[sflag:s0] =	ssyncadd.remote.s32 $0x1  }
0xbf: {  	_ =	sfence.sel $0xFFFF  }
0xc0: {  	[dreg:$0x0] =	wrdreg $0xFFFFFFFF;
	(pc) =	sbr.abs _section_cstart, $3  }
0xc1: {  	[dreg:$0x1] =	wrdreg $0xFFFFFFFF  }
0xc2: {  	_ =	task.clear_ibuf [dreg:s7], $0x2FFFF;
	_ =	strace $0x9FFFFFFF  }
0xc3: {  	(tm) =	ssettm $0x7FFFFFFF  }
tec
execute0_lowered:
.L_overlay_start_1:
0x0: {  	(tag) =	ssettag $0x1  }
0x1: {  	s6 =	rddreg [dreg:$0x0]  }
0x2: {  	s12 =	rddreg [dreg:$0x1]  }
0x3: {  	s1 =	rddreg [dreg:$0x2]  }
0x4: {  	s2 =	srdreg.scid;
	s0 =	rddreg [dreg:$0x3];
	s3 =	simm.s32 $0x0  }
0x5: {  	s17 =	simm.s32 $0x3;
	s18 =	simm.s32 $0x1400;
	s19 =	simm.s32 $0x80  }
0x6: {  	s20 =	simm.s32 $0x6800;
	s21 =	simm.s32 $0x1;
	s22 =	simm.s32 $0x2  }
0x7: {  	s23 =	simm.s32 $0x1380;
	s24 =	simm.s32 $0x2700;
	s5 =	sand.u32 $0x1, s2  }
0x8: {  	s25 =	simm.s32 $0x2780;
	s2 =	stileid.u32;
	s7 =	smul.u32 $0x140000, s5  }
0x9: {  	[smem:$0x7FF] =	sst s3;
	s4 =	sadd.s32 $0xC600, s6;
	s8 =	smul.u32 $0x14000, s2  }
0xa: {  	s13 =	sadd.s32 $0x2600, s6;
	s29 =	smul.u32 $0x50000, s2;
	s9 =	sshll.u32 s5, $0x4  }
0xb: {  	_ =	strace $0x80000047;
	s10 =	ssub.s32 $0x2, s5;
	s9 =	sor.u32 s2, s9  }
0xc: {  	s31 =	sshrl.u32 s10, $0x1;
	s7 =	sadd.s32 s8, s7;
	s30 =	sshrl.u32 s29, $0x2  }
0xd: {  	s9 =	smul.u32 $0x2800, s9;
	s15 =	ssub.s32 s10, s31;
	s7 =	sshrl.u32 s7, $0x3  }
0xe: {  	s5 =	sadd.s32 s30, s1;
	s15 =	smax.u32 s15, $0x1;
	s14 =	sadd.s32 s7, s6  }
0xf: {  	s6 =	sadd.s32 $0x4000, s5;
	s7 =	sadd.s32 $0x8000, s5;
	s11 =	sshrl.u32 s9, $0x3  }
0x10: {  	s8 =	sadd.s32 $0xC000, s5;
	s9 =	sadd.s32 $0x10000, s5;
	s10 =	sadd.s32 s12, s11  }
0x11: {  	s16 =	sadd.s32 $0x280, s11;
	s11 =	sadd.s32 s13, s11;
	s14 =	sadd.s32 $0x34600, s14  }
0x12: {  	v0 =	vimm.f32 $0.0e+00;
	s12 =	sadd.s32 s12, s16;
	s13 =	sadd.s32 s13, s16;
	s16 =	simm.s32 $0x2800  }
.LBB2_1:
0x13: {  	s26 =	simm.s32 $0x0;
	s28 =	simm.s32 $0x200  }
.LBB2_2:
0x14: {  	p0 =	sne.s32 s28, $0xFE00;
	[tilespmem:s26+$0x2870] =	vst v0  }
0x15: {  	[tilespmem:s26+$0x2800] =	vst v0  }
0x16: {  	[tilespmem:s26+$0x2810] =	vst v0  }
.Ltmp0:
0x17: {  	[tilespmem:s26+$0x2820] =	vst v0;
	(pc) =	sbr.rel @p0 .LBB2_2-.Ltmp0, $4  }
0x18: {  	[tilespmem:s26+$0x2830] =	vst v0  }
0x19: {  	[tilespmem:s26+$0x2840] =	vst v0  }
0x1a: {  	[tilespmem:s26+$0x2850] =	vst v0  }
0x1b: {  	[tilespmem:s26+$0x2860] =	vst v0;
	s26 =	sshra.s32 s28, $0x2;
	s28 =	sadd.s32 $0x200, s28  }
0x1c: {  	[tilespmem:s26+$0x2870] =	vst v0  }
0x1d: {  	[tilespmem:s26+$0x2800] =	vst v0  }
0x1e: {  	[tilespmem:s26+$0x2810] =	vst v0  }
0x1f: {  	[tilespmem:s26+$0x2820] =	vst v0  }
0x20: {  	[tilespmem:s26+$0x2830] =	vst v0  }
0x21: {  	[tilespmem:s26+$0x2840] =	vst v0  }
0x22: {  	[tilespmem:s26+$0x2850] =	vst v0  }
0x23: {  	[tilespmem:s26+$0x2860] =	vst v0  }
0x24: {  	[spmem:s5] =	stream.linear.scatter [tilespmem:s16], [sflag:$0x3], $0x4000, $0x38;
	[tilespmem:$0x1E800] =	vst v63  }
0x25: {  	_ =	swait.ge [sflag:s17], $0x4000  }
0x26: {  	[sflag:s17] =	ssyncset.done $0x0  }
0x27: {  	[sflag:s17] =	ssyncadd.s32 $0xFFFFC000  }
0x28: {  	[spmem:s6] =	stream.linear.scatter [tilespmem:s16], [sflag:$0x3], $0x4000, $0x38;
	[tilespmem:$0x1E800] =	vst v63  }
0x29: {  	_ =	swait.ge [sflag:s17], $0x4000  }
0x2a: {  	[sflag:s17] =	ssyncset.done $0x0  }
0x2b: {  	[sflag:s17] =	ssyncadd.s32 $0xFFFFC000  }
0x2c: {  	[spmem:s7] =	stream.linear.scatter [tilespmem:s16], [sflag:$0x3], $0x4000, $0x38;
	[tilespmem:$0x1E800] =	vst v63  }
0x2d: {  	_ =	swait.ge [sflag:s17], $0x4000  }
0x2e: {  	[sflag:s17] =	ssyncset.done $0x0  }
0x2f: {  	[sflag:s17] =	ssyncadd.s32 $0xFFFFC000  }
0x30: {  	[spmem:s8] =	stream.linear.scatter [tilespmem:s16], [sflag:$0x3], $0x4000, $0x38;
	[tilespmem:$0x1E800] =	vst v63  }
0x31: {  	_ =	swait.ge [sflag:s17], $0x4000  }
0x32: {  	[sflag:s17] =	ssyncset.done $0x0  }
0x33: {  	[sflag:s17] =	ssyncadd.s32 $0xFFFFC000  }
0x34: {  	[spmem:s9] =	stream.linear.scatter [tilespmem:s16], [sflag:$0x3], $0x4000, $0x38;
	[tilespmem:$0x1E800] =	vst v63  }
0x35: {  	_ =	swait.ge [sflag:s17], $0x4000  }
0x36: {  	[sflag:s17] =	ssyncset.done $0x0  }
0x37: {  	[sflag:s17] =	ssyncadd.s32 $0xFFFFC000  }
0x38: {  	s30 =	simm.s32 $0x0;
	[bflag:$0x0] =	sbarrier.arrive $0xFFFF  }
0x39: {  	[tilespmem:s30], [sflag:$0x3] =	stream.linear.gather [hbm4b:s10+s30], $0x1400, $0x38;
	[tilespmem:$0x1E800] =	vst v63  }
0x3a: {  	_ =	swait.ge [sflag:s17], $0x1400  }
0x3b: {  	[sflag:s17] =	ssyncset.done $0x0  }
0x3c: {  	[sflag:s17] =	ssyncadd.s32 $0xFFFFEC00  }
0x3d: {  	[tilespmem:s18], [sflag:$0x3] =	stream.linear.gather [hbm4b:s11+s30], $0x1400, $0x38;
	[tilespmem:$0x1E800] =	vst v63  }
0x3e: {  	_ =	swait.ge [sflag:s17], $0x1400  }
0x3f: {  	[sflag:s17] =	ssyncset.done $0x0  }
0x40: {  	[sflag:s17] =	ssyncadd.s32 $0xFFFFEC00  }
0x41: {  	[tilespmem:s16], [sflag:$0x1] =	stream.indirect.gather [hbm4b:s4+s19], $0x80, s30, s19, $0xb8;
	[tilespmem:$0x1E800] =	vst v63  }
0x42: {  	s31 =	simm.s32 $0x80  }
0x43: {  	[tilespmem:s20], [sflag:$0x2] =	stream.indirect.gather [hbm4b:s4+s19], $0x80, s31, s19, $0xb8;
	[tilespmem:$0x1E800] =	vst v63  }
0x44: {  	_ =	swait.ge [sflag:s21], $0x4000  }
0x45: {  	[sflag:s21] =	ssyncset.done $0x0  }
0x46: {  	s29 =	simm.s32 $0x1400;
	[sflag:s21] =	ssyncadd.s32 $0xFFFFC000  }
0x47: {  	[spmem:s1] =	stream.indirect.scatter.add.f32 [tilespmem:s16], [sflag:$0x3], $0x80, s29, s19, $0xb8;
	[tilespmem:$0x1E800] =	vst v63  }
0x48: {  	_ =	swait.ge [sflag:s17], $0x4000  }
0x49: {  	[sflag:s17] =	ssyncset.done $0x0  }
0x4a: {  	s30 =	simm.s32 $0x100;
	[sflag:s17] =	ssyncadd.s32 $0xFFFFC000  }
0x4b: {  	[tilespmem:s16], [sflag:$0x1] =	stream.indirect.gather [hbm4b:s4+s19], $0x80, s30, s19, $0xb8;
	[tilespmem:$0x1E800] =	vst v63  }
0x4c: {  	_ =	swait.ge [sflag:s22], $0x4000  }
0x4d: {  	[sflag:s22] =	ssyncset.done $0x0  }
0x4e: {  	s31 =	simm.s32 $0x1480;
	[sflag:s22] =	ssyncadd.s32 $0xFFFFC000  }
0x4f: {  	[spmem:s1] =	stream.indirect.scatter.add.f32 [tilespmem:s20], [sflag:$0x3], $0x80, s31, s19, $0xb8;
	[tilespmem:$0x1E800] =	vst v63  }
0x50: {  	_ =	swait.ge [sflag:s17], $0x4000  }
0x51: {  	s28 =	simm.s32 $0x800;
	s26 =	simm.s32 $0x100;
	[sflag:s17] =	ssyncset.done $0x0  }
.LBB2_4:
0x52: {  	s29 =	sadd.s32 $0x80, s26  }
0x53: {  	[sflag:s17] =	ssyncadd.s32 $0xFFFFC000;
	s30 =	smov.u32 s28;
	s31 =	sadd.s32 $0x400, s28  }
0x54: {  	[tilespmem:s20], [sflag:$0x2] =	stream.indirect.gather [hbm4b:s4+s19], $0x80, s29, s19, $0xb8;
	[tilespmem:$0x1E800] =	vst v63  }
0x55: {  	p0 =	sne.s32 s28, $0x4800;
	_ =	swait.ge [sflag:s21], $0x4000  }
0x56: {  	[sflag:s21] =	ssyncset.done $0x0  }
0x57: {  	s28 =	sadd.s32 $0x1400, s26;
	[sflag:s21] =	ssyncadd.s32 $0xFFFFC000  }
0x58: {  	[spmem:s1] =	stream.indirect.scatter.add.f32 [tilespmem:s16], [sflag:$0x3], $0x80, s28, s19, $0xb8;
	[tilespmem:$0x1E800] =	vst v63  }
0x59: {  	_ =	swait.ge [sflag:s17], $0x4000  }
0x5a: {  	[sflag:s17] =	ssyncset.done $0x0  }
0x5b: {  	s28 =	sadd.s32 $0x100, s26;
	[sflag:s17] =	ssyncadd.s32 $0xFFFFC000  }
0x5c: {  	[tilespmem:s16], [sflag:$0x1] =	stream.indirect.gather [hbm4b:s4+s19], $0x80, s28, s19, $0xb8;
	[tilespmem:$0x1E800] =	vst v63  }
0x5d: {  	_ =	swait.ge [sflag:s22], $0x4000  }
.Ltmp1:
0x5e: {  	[sflag:s22] =	ssyncset.done $0x0;
	(pc) =	sbr.rel @p0 .LBB2_4-.Ltmp1, $4  }
0x5f: {  	s26 =	sadd.s32 $0x1480, s26;
	[sflag:s22] =	ssyncadd.s32 $0xFFFFC000  }
0x60: {  	[spmem:s1] =	stream.indirect.scatter.add.f32 [tilespmem:s20], [sflag:$0x3], $0x80, s26, s19, $0xb8;
	[tilespmem:$0x1E800] =	vst v63  }
0x61: {  	_ =	swait.ge [sflag:s17], $0x4000  }
0x62: {  	s28 =	smov.u32 s31;
	s26 =	sshra.s32 s30, $0x2;
	[sflag:s17] =	ssyncset.done $0x0  }
0x63: {  	s28 =	sadd.s32 $0x80, s26;
	[sflag:s17] =	ssyncadd.s32 $0xFFFFC000  }
0x64: {  	[tilespmem:s20], [sflag:$0x2] =	stream.indirect.gather [hbm4b:s4+s19], $0x80, s28, s19, $0xb8;
	[tilespmem:$0x1E800] =	vst v63  }
0x65: {  	_ =	swait.ge [sflag:s21], $0x4000  }
0x66: {  	[sflag:s21] =	ssyncset.done $0x0  }
0x67: {  	s28 =	sadd.s32 $0x1400, s26;
	[sflag:s21] =	ssyncadd.s32 $0xFFFFC000  }
0x68: {  	[spmem:s1] =	stream.indirect.scatter.add.f32 [tilespmem:s16], [sflag:$0x3], $0x80, s28, s19, $0xb8;
	[tilespmem:$0x1E800] =	vst v63  }
0x69: {  	_ =	swait.ge [sflag:s17], $0x4000  }
0x6a: {  	[sflag:s17] =	ssyncset.done $0x0  }
0x6b: {  	s28 =	sadd.s32 $0x100, s26;
	[sflag:s17] =	ssyncadd.s32 $0xFFFFC000  }
0x6c: {  	[tilespmem:s16], [sflag:$0x1] =	stream.indirect.gather [hbm4b:s4+s19], $0x80, s28, s19, $0xb8;
	[tilespmem:$0x1E800] =	vst v63  }
0x6d: {  	_ =	swait.ge [sflag:s22], $0x4000  }
0x6e: {  	[sflag:s22] =	ssyncset.done $0x0  }
0x6f: {  	s29 =	sadd.s32 $0x1480, s26;
	[sflag:s22] =	ssyncadd.s32 $0xFFFFC000  }
0x70: {  	[spmem:s1] =	stream.indirect.scatter.add.f32 [tilespmem:s20], [sflag:$0x3], $0x80, s29, s19, $0xb8;
	[tilespmem:$0x1E800] =	vst v63  }
0x71: {  	_ =	swait.ge [sflag:s17], $0x4000  }
0x72: {  	[sflag:s17] =	ssyncset.done $0x0  }
0x73: {  	[sflag:s17] =	ssyncadd.s32 $0xFFFFC000  }
0x74: {  	[tilespmem:s20], [sflag:$0x2] =	stream.indirect.gather [hbm4b:s4+s19], $0x80, s23, s19, $0xb8;
	[tilespmem:$0x1E800] =	vst v63  }
0x75: {  	_ =	swait.ge [sflag:s21], $0x4000  }
0x76: {  	[sflag:s21] =	ssyncset.done $0x0  }
0x77: {  	[sflag:s21] =	ssyncadd.s32 $0xFFFFC000  }
0x78: {  	[spmem:s1] =	stream.indirect.scatter.add.f32 [tilespmem:s16], [sflag:$0x3], $0x80, s24, s19, $0xb8;
	[tilespmem:$0x1E800] =	vst v63  }
0x79: {  	_ =	swait.ge [sflag:s17], $0x4000  }
0x7a: {  	[sflag:s17] =	ssyncset.done $0x0  }
0x7b: {  	[sflag:s17] =	ssyncadd.s32 $0xFFFFC000  }
0x7c: {  	_ =	swait.ge [sflag:s22], $0x4000  }
0x7d: {  	[sflag:s22] =	ssyncset.done $0x0  }
0x7e: {  	[sflag:s22] =	ssyncadd.s32 $0xFFFFC000  }
0x7f: {  	[spmem:s1] =	stream.indirect.scatter.add.f32 [tilespmem:s20], [sflag:$0x3], $0x80, s25, s19, $0xb8;
	[tilespmem:$0x1E800] =	vst v63  }
0x80: {  	_ =	swait.ge [sflag:s17], $0x4000  }
0x81: {  	[sflag:s17] =	ssyncset.done $0x0  }
0x82: {  	s30 =	simm.s32 $0x0;
	[sflag:s17] =	ssyncadd.s32 $0xFFFFC000  }
0x83: {  	[tilespmem:s30], [sflag:$0x3] =	stream.linear.gather [hbm4b:s12+s30], $0x1400, $0x38;
	[tilespmem:$0x1E800] =	vst v63  }
0x84: {  	_ =	swait.ge [sflag:s17], $0x1400  }
0x85: {  	[sflag:s17] =	ssyncset.done $0x0  }
0x86: {  	[sflag:s17] =	ssyncadd.s32 $0xFFFFEC00  }
0x87: {  	[tilespmem:s18], [sflag:$0x3] =	stream.linear.gather [hbm4b:s13+s30], $0x1400, $0x38;
	[tilespmem:$0x1E800] =	vst v63  }
0x88: {  	_ =	swait.ge [sflag:s17], $0x1400  }
0x89: {  	[sflag:s17] =	ssyncset.done $0x0  }
0x8a: {  	[sflag:s17] =	ssyncadd.s32 $0xFFFFEC00  }
0x8b: {  	[tilespmem:s16], [sflag:$0x1] =	stream.indirect.gather [hbm4b:s4+s19], $0x80, s30, s19, $0xb8;
	[tilespmem:$0x1E800] =	vst v63  }
0x8c: {  	s31 =	simm.s32 $0x80  }
0x8d: {  	[tilespmem:s20], [sflag:$0x2] =	stream.indirect.gather [hbm4b:s4+s19], $0x80, s31, s19, $0xb8;
	[tilespmem:$0x1E800] =	vst v63  }
0x8e: {  	_ =	swait.ge [sflag:s21], $0x4000  }
0x8f: {  	[sflag:s21] =	ssyncset.done $0x0  }
0x90: {  	s29 =	simm.s32 $0x1400;
	[sflag:s21] =	ssyncadd.s32 $0xFFFFC000  }
0x91: {  	[spmem:s1] =	stream.indirect.scatter.add.f32 [tilespmem:s16], [sflag:$0x3], $0x80, s29, s19, $0xb8;
	[tilespmem:$0x1E800] =	vst v63  }
0x92: {  	_ =	swait.ge [sflag:s17], $0x4000  }
0x93: {  	[sflag:s17] =	ssyncset.done $0x0  }
0x94: {  	s30 =	simm.s32 $0x100;
	[sflag:s17] =	ssyncadd.s32 $0xFFFFC000  }
0x95: {  	[tilespmem:s16], [sflag:$0x1] =	stream.indirect.gather [hbm4b:s4+s19], $0x80, s30, s19, $0xb8;
	[tilespmem:$0x1E800] =	vst v63  }
0x96: {  	_ =	swait.ge [sflag:s22], $0x4000  }
0x97: {  	[sflag:s22] =	ssyncset.done $0x0  }
0x98: {  	s31 =	simm.s32 $0x1480;
	[sflag:s22] =	ssyncadd.s32 $0xFFFFC000  }
0x99: {  	[spmem:s1] =	stream.indirect.scatter.add.f32 [tilespmem:s20], [sflag:$0x3], $0x80, s31, s19, $0xb8;
	[tilespmem:$0x1E800] =	vst v63  }
0x9a: {  	_ =	swait.ge [sflag:s17], $0x4000  }
0x9b: {  	s26 =	simm.s32 $0x100;
	s28 =	simm.s32 $0x800;
	[sflag:s17] =	ssyncset.done $0x0  }
.LBB2_6:
0x9c: {  	s29 =	sadd.s32 $0x80, s26  }
0x9d: {  	[sflag:s17] =	ssyncadd.s32 $0xFFFFC000;
	s30 =	smov.u32 s28;
	s31 =	sadd.s32 $0x400, s28  }
0x9e: {  	[tilespmem:s20], [sflag:$0x2] =	stream.indirect.gather [hbm4b:s4+s19], $0x80, s29, s19, $0xb8;
	[tilespmem:$0x1E800] =	vst v63  }
0x9f: {  	p0 =	sne.s32 s28, $0x4800;
	_ =	swait.ge [sflag:s21], $0x4000  }
0xa0: {  	[sflag:s21] =	ssyncset.done $0x0  }
0xa1: {  	s28 =	sadd.s32 $0x1400, s26;
	[sflag:s21] =	ssyncadd.s32 $0xFFFFC000  }
0xa2: {  	[spmem:s1] =	stream.indirect.scatter.add.f32 [tilespmem:s16], [sflag:$0x3], $0x80, s28, s19, $0xb8;
	[tilespmem:$0x1E800] =	vst v63  }
0xa3: {  	_ =	swait.ge [sflag:s17], $0x4000  }
0xa4: {  	[sflag:s17] =	ssyncset.done $0x0  }
0xa5: {  	s28 =	sadd.s32 $0x100, s26;
	[sflag:s17] =	ssyncadd.s32 $0xFFFFC000  }
0xa6: {  	[tilespmem:s16], [sflag:$0x1] =	stream.indirect.gather [hbm4b:s4+s19], $0x80, s28, s19, $0xb8;
	[tilespmem:$0x1E800] =	vst v63  }
0xa7: {  	_ =	swait.ge [sflag:s22], $0x4000  }
.Ltmp2:
0xa8: {  	[sflag:s22] =	ssyncset.done $0x0;
	(pc) =	sbr.rel @p0 .LBB2_6-.Ltmp2, $4  }
0xa9: {  	s26 =	sadd.s32 $0x1480, s26;
	[sflag:s22] =	ssyncadd.s32 $0xFFFFC000  }
0xaa: {  	[spmem:s1] =	stream.indirect.scatter.add.f32 [tilespmem:s20], [sflag:$0x3], $0x80, s26, s19, $0xb8;
	[tilespmem:$0x1E800] =	vst v63  }
0xab: {  	_ =	swait.ge [sflag:s17], $0x4000  }
0xac: {  	s28 =	smov.u32 s31;
	s26 =	sshra.s32 s30, $0x2;
	[sflag:s17] =	ssyncset.done $0x0  }
0xad: {  	s28 =	sadd.s32 $0x80, s26;
	[sflag:s17] =	ssyncadd.s32 $0xFFFFC000  }
0xae: {  	[tilespmem:s20], [sflag:$0x2] =	stream.indirect.gather [hbm4b:s4+s19], $0x80, s28, s19, $0xb8;
	[tilespmem:$0x1E800] =	vst v63  }
0xaf: {  	_ =	swait.ge [sflag:s21], $0x4000  }
0xb0: {  	[sflag:s21] =	ssyncset.done $0x0  }
0xb1: {  	s30 =	sadd.s32 $0x1400, s26;
	[sflag:s21] =	ssyncadd.s32 $0xFFFFC000  }
0xb2: {  	[spmem:s1] =	stream.indirect.scatter.add.f32 [tilespmem:s16], [sflag:$0x3], $0x80, s30, s19, $0xb8;
	[tilespmem:$0x1E800] =	vst v63  }
0xb3: {  	_ =	swait.ge [sflag:s17], $0x4000  }
0xb4: {  	[sflag:s17] =	ssyncset.done $0x0  }
0xb5: {  	s31 =	sadd.s32 $0x100, s26;
	[sflag:s17] =	ssyncadd.s32 $0xFFFFC000  }
0xb6: {  	[tilespmem:s16], [sflag:$0x1] =	stream.indirect.gather [hbm4b:s4+s19], $0x80, s31, s19, $0xb8;
	[tilespmem:$0x1E800] =	vst v63  }
0xb7: {  	_ =	swait.ge [sflag:s22], $0x4000  }
0xb8: {  	[sflag:s22] =	ssyncset.done $0x0  }
0xb9: {  	s29 =	sadd.s32 $0x1480, s26;
	[sflag:s22] =	ssyncadd.s32 $0xFFFFC000  }
0xba: {  	[spmem:s1] =	stream.indirect.scatter.add.f32 [tilespmem:s20], [sflag:$0x3], $0x80, s29, s19, $0xb8;
	[tilespmem:$0x1E800] =	vst v63  }
0xbb: {  	_ =	swait.ge [sflag:s17], $0x4000  }
0xbc: {  	[sflag:s17] =	ssyncset.done $0x0  }
0xbd: {  	[sflag:s17] =	ssyncadd.s32 $0xFFFFC000  }
0xbe: {  	[tilespmem:s20], [sflag:$0x2] =	stream.indirect.gather [hbm4b:s4+s19], $0x80, s23, s19, $0xb8;
	[tilespmem:$0x1E800] =	vst v63  }
0xbf: {  	_ =	swait.ge [sflag:s21], $0x4000  }
0xc0: {  	[sflag:s21] =	ssyncset.done $0x0  }
0xc1: {  	[sflag:s21] =	ssyncadd.s32 $0xFFFFC000  }
0xc2: {  	[spmem:s1] =	stream.indirect.scatter.add.f32 [tilespmem:s16], [sflag:$0x3], $0x80, s24, s19, $0xb8;
	[tilespmem:$0x1E800] =	vst v63  }
0xc3: {  	_ =	swait.ge [sflag:s17], $0x4000  }
0xc4: {  	[sflag:s17] =	ssyncset.done $0x0  }
0xc5: {  	[sflag:s17] =	ssyncadd.s32 $0xFFFFC000  }
0xc6: {  	_ =	swait.ge [sflag:s22], $0x4000  }
0xc7: {  	[sflag:s22] =	ssyncset.done $0x0  }
0xc8: {  	[sflag:s22] =	ssyncadd.s32 $0xFFFFC000  }
0xc9: {  	[spmem:s1] =	stream.indirect.scatter.add.f32 [tilespmem:s20], [sflag:$0x3], $0x80, s25, s19, $0xb8;
	[tilespmem:$0x1E800] =	vst v63  }
0xca: {  	_ =	swait.ge [sflag:s17], $0x4000  }
0xcb: {  	s3 =	sadd.s32 $0x1, s3;
	s30 =	sshll.u32 s2, $0x6;
	[sflag:s17] =	ssyncset.done $0x0  }
0xcc: {  	p0 =	sne.s32 s3, s15;
	s26 =	sor.u32 $0x1C03, s30;
	[sflag:s17] =	ssyncadd.s32 $0xFFFFC000  }
.Ltmp3:
0xcd: {  	s31 =	sshrl.u32 s5, $0x3;
	[bflag:$0x0] =	sbarrier.arrive $0xFFFF;
	(pc) =	sbr.rel @p0 .LBB2_1-.Ltmp3, $4  }
0xce: {  	[hbm:s14], [sflag:s26] =	dma.local [spmem:s31], $0x2800  }
0xcf: {  	_ =	swait.ge [sflag:s17], $0x2800  }
0xd0: {  	[sflag:s17] =	ssyncset.done $0x0  }
0xd1: {  	[sflag:s17] =	ssyncadd.s32 $0xFFFFD800  }
0xd2: {  	_ =	sfence.sel $0x180000  }
0xd3: {  	[bflag:$0x0] =	sbarrier.arrive $0xFFFF  }
0xd4: {  	p0 =	sne.s32 s2, $0x0;
	_ =	strace $0x90000047  }
0xd5: {  	s0 =	sadd.s32 @!p0 $0x100000, s0;
	[bflag:$0x2] =	sbarrier.arrive $0xFFFF  }
0xd6: {  	[sflag:s0] =	ssyncadd.tile.s32 @!p0 $0x1;
	_ =	shalt  }
.Lfunc_end2:
_tile_overlayer_lowered:
.L_overlay_start_2:
0xd7: {  	(tag) =	ssettag $0x2  }
0xd8: {  	s0 =	rddreg [dreg:$0x0];
	s2 =	stileid.u32  }
0xd9: {  	s1 =	rddreg [dreg:$0x1];
	p0 =	sne.s32 s2, $0x0  }
0xda: {  	s3 =	rddreg [dreg:$0x2];
	[bflag:$0x3] =	sbarrier.arrive $0xFFFF;
	s2 =	simm.s32 @!p0 $0x1C03  }
0xdb: {  	[timem:s3], [sflag:s2] =	dma.local @!p0 [hbm:s0], s1  }
0xdc: {  	s0 =	simm.s32 @!p0 $0x3  }
0xdd: {  	_ =	swait.ge @!p0 [sflag:s0], s1  }
0xde: {  	s1 =	ssub.s32 @!p0 $0x0, s1;
	[sflag:s0] =	ssyncset.done @!p0 $0x0  }
0xdf: {  	[sflag:s0] =	ssyncadd.s32 @!p0 s1  }
0xe0: {  	[bflag:$0x3] =	sbarrier.arrive $0xFFFF  }
0xe1: {  	_ =	shalt  }

</sc_bundles>
